<compile_context>
chip_gen: v7x
topology: tpu7x:2x2x1
jax: 0.10.2.dev20260603
libtpu: 0.0.44.dev20260713+nightly
codegen_flags: <defaults>
</compile_context>

<pallas_src>
import functools

import jax
import jax.numpy as jnp
from jax import lax
from jax.experimental import pallas as pl
from jax.experimental.pallas import tpu as pltpu
from jax.experimental.pallas import tpu_sc as plsc

_EOS = 1e-10
_K = 10
_KP = 16
_N = 4096
_D = 128
_BR = 256
_NB = _N // _BR
_F32 = jnp.float32


def _deg_body(a_ref, d_ref, dinv_ref):
    s = jnp.sum(a_ref[...], axis=1, keepdims=True)
    d_ref[...] = s
    dinv_ref[...] = 1.0 / (jnp.sqrt(s) + _EOS)


def _prop_body(a_ref, x_ref, w_ref, b_ref, dinv_ref, dinvt_ref, o_ref, ts_ref,
               *, mode):
    i = pl.program_id(0)

    @pl.when(i == 0)
    def _():
        ts_ref[...] = (
            jnp.dot(x_ref[...], w_ref[...], preferred_element_type=_F32)
            + b_ref[...])

    na = (dinv_ref[pl.ds(i * _BR, _BR), :] * a_ref[...]) * dinvt_ref[...]
    e = jnp.dot(na, ts_ref[...], preferred_element_type=_F32)
    if mode == "tanh":
        o_ref[...] = jnp.tanh(e)
    else:
        n = jnp.sqrt(jnp.sum(e * e, axis=1, keepdims=True))
        o_ref[...] = e / jnp.maximum(n, 1e-12)


def _sim_block(emb_ref, i):
    eb = emb_ref[pl.ds(i * _BR, _BR), :]
    em = emb_ref[...]
    h = _D // 2
    s1 = jax.lax.dot_general(
        eb[:, :h], em[:, :h], (((1,), (1,)), ((), ())),
        preferred_element_type=_F32)
    s2 = jax.lax.dot_general(
        eb[:, h:], em[:, h:], (((1,), (1,)), ((), ())),
        preferred_element_type=_F32)
    return s1 + s2


def _topk_body(emb_ref, idx_ref, val_ref):
    i = pl.program_id(0)
    work = _sim_block(emb_ref, i)
    cols = jax.lax.broadcasted_iota(jnp.int32, (_BR, _N), 1)
    idxs, vals = [], []
    for _ in range(_K):
        m = jnp.max(work, axis=1, keepdims=True)
        first = jnp.min(jnp.where(work == m, cols, _N), axis=1, keepdims=True)
        idxs.append(first)
        vals.append(m)
        work = jnp.where(cols == first, -jnp.inf, work)
    pad_i = jnp.full((_BR, _KP - _K), -1, jnp.int32)
    pad_v = jnp.zeros((_BR, _KP - _K), _F32)
    idx_ref[...] = jnp.concatenate(idxs + [pad_i], axis=1)
    val_ref[...] = jnp.concatenate(vals + [pad_v], axis=1)


def _mask_block(idx_ref, idxt_ref, i, cols, rows):
    ib = idx_ref[pl.ds(i * _BR, _BR), :]
    m = ib[:, 0:1] == cols
    for k in range(_K):
        if k:
            m = m | (ib[:, k:k + 1] == cols)
        m = m | (idxt_ref[k:k + 1, :] == rows)
    return m


_NW = 16
_RW = _N // _NW
_EW = _RW * _KP
_ER = _N * _KP // 128
_ECH = _EW // 128


def _srow_sc_body(idxc1_hbm, idxc2_hbm, vals1_hbm, vals2_hbm, out_hbm,
                  idxf_v, idxs_v, vals1_v, vals2_v, own_v, tmp_v, zero_v,
                  shared):
    w = lax.axis_index("s")
    lanes = lax.iota(jnp.int32, 16)

    pltpu.sync_copy(idxc1_hbm, idxf_v)
    pltpu.sync_copy(idxc2_hbm.at[pl.ds(w * _ECH, _ECH)], idxs_v)
    pltpu.sync_copy(vals1_hbm.at[pl.ds(w * _EW, _EW)], vals1_v)
    pltpu.sync_copy(vals2_hbm.at[pl.ds(w * _ECH, _ECH)], vals2_v)

    @pl.when(w == 0)
    def _():
        def zbody(t, c):
            zero_v[pl.ds(t * 16, 16)] = jnp.zeros((16,), _F32)
            return c
        lax.fori_loop(0, _N // 16, zbody, 0)
        pltpu.sync_copy(zero_v, shared)

    plsc.subcore_barrier()

    def sbody(c, carry):
        pltpu.sync_copy(vals2_v.at[c], shared.at[idxs_v.at[c]], add=True)
        return carry
    lax.fori_loop(0, _ECH, sbody, 0)

    def gbody(g, carry):
        ivec = w * _RW + g * 16 + lanes
        acc = jnp.zeros((16,), _F32)
        for k in range(_K):
            lf = g * 256 + lanes * 16 + k
            gf = w * _EW + lf
            vi = plsc.load_gather(vals1_v, [lf])
            jc = plsc.load_gather(idxf_v, [gf])
            m = None
            for kk in range(_K):
                t = plsc.load_gather(idxf_v, [jc * _KP + kk])
                e = t == ivec
                m = e if m is None else (m | e)
            acc = acc + jnp.where(m, 0.0, vi)
        own_v[pl.ds(g * 16, 16)] = acc
        return carry
    lax.fori_loop(0, _RW // 16, gbody, 0)

    plsc.subcore_barrier()

    pltpu.sync_copy(shared.at[pl.ds(w * _RW, _RW)], tmp_v)

    def fbody(t, carry):
        s = t * 16
        tmp_v[pl.ds(s, 16)] = tmp_v[pl.ds(s, 16)] + own_v[pl.ds(s, 16)]
        return carry
    lax.fori_loop(0, _RW // 16, fbody, 0)
    pltpu.sync_copy(tmp_v, out_hbm.at[pl.ds(w * _RW, _RW)])


def _srow_sc(idx, vals):
    idxc = jnp.maximum(idx, 0)
    mesh = plsc.VectorSubcoreMesh(
        core_axis_name="c", subcore_axis_name="s", num_cores=1)
    return pl.kernel(
        _srow_sc_body,
        out_type=jax.ShapeDtypeStruct((_N,), _F32),
        mesh=mesh,
        compiler_params=pltpu.CompilerParams(needs_layout_passes=False),
        scratch_types=[
            pltpu.VMEM((_N * _KP,), jnp.int32),
            pltpu.VMEM((_ECH, 128), jnp.int32),
            pltpu.VMEM((_EW,), _F32),
            pltpu.VMEM((_ECH, 128), _F32),
            pltpu.VMEM((_RW,), _F32),
            pltpu.VMEM((_RW,), _F32),
            pltpu.VMEM((_N,), _F32),
            pltpu.VMEM_SHARED((_N,), _F32),
        ],
    )(idxc.reshape(_N * _KP), idxc.reshape(_ER, 128),
      vals.reshape(_N * _KP), vals.reshape(_ER, 128))


def _dninv_body(d_ref, srow_ref, dninv_ref):
    dn = d_ref[...] + srow_ref[...]
    dninv_ref[...] = 1.0 / (jnp.sqrt(dn) + _EOS)


def _gcn1_body(a_ref, emb_ref, idx_ref, idxt_ref, x_ref, w_ref, b_ref,
               dninv_ref, dninvt_ref, o_ref, ah_ref, ys_ref):
    i = pl.program_id(0)

    @pl.when(i == 0)
    def _():
        ys_ref[...] = (
            jnp.dot(x_ref[...], w_ref[...], preferred_element_type=_F32)
            + b_ref[...])

    sim = _sim_block(emb_ref, i)
    cols = jax.lax.broadcasted_iota(jnp.int32, (_BR, _N), 1)
    rows = jax.lax.broadcasted_iota(jnp.int32, (_BR, _N), 0) + i * _BR
    mask = _mask_block(idx_ref, idxt_ref, i, cols, rows)
    ahat = a_ref[...] + jnp.where(mask, sim, 0.0)
    ahat = (dninv_ref[pl.ds(i * _BR, _BR), :] * ahat) * dninvt_ref[...]
    ah_ref[...] = ahat
    z = jnp.dot(ahat, ys_ref[...], preferred_element_type=_F32)
    o_ref[...] = jnp.maximum(z, 0.0)


def _gcn2_body(ah_ref, x_ref, w_ref, b_ref, o_ref, ys_ref):
    i = pl.program_id(0)

    @pl.when(i == 0)
    def _():
        ys_ref[...] = (
            jnp.dot(x_ref[...], w_ref[...], preferred_element_type=_F32)
            + b_ref[...])

    o_ref[...] = jnp.dot(ah_ref[...], ys_ref[...],
                         preferred_element_type=_F32)


def _full(shape):
    nd = len(shape)
    return pl.BlockSpec(shape, lambda i, _nd=nd: (0,) * _nd)


_A_SPEC = pl.BlockSpec((_BR, _N), lambda i: (i, 0))
_ROW_SPEC = pl.BlockSpec((_BR, _D), lambda i: (i, 0))
_COL1_SPEC = pl.BlockSpec((_BR, 1), lambda i: (i, 0))


def kernel(input, Adj, W1, b1, W2, b2, Wg1, bg1, Wg2, bg2):
    x = input[0]
    A = Adj[0]
    b1r, b2r = b1[None, :], b2[None, :]
    bg1r, bg2r = bg1[None, :], bg2[None, :]

    d, dinv = pl.pallas_call(
        _deg_body,
        grid=(_NB,),
        in_specs=[_A_SPEC],
        out_specs=[_COL1_SPEC, _COL1_SPEC],
        out_shape=[jax.ShapeDtypeStruct((_N, 1), _F32)] * 2,
    )(A)

    dinvt = dinv.reshape(1, _N)
    prop = lambda mode, xin, w, b: pl.pallas_call(
        functools.partial(_prop_body, mode=mode),
        grid=(_NB,),
        in_specs=[_A_SPEC, _full((_N, _D)), _full((_D, _D)),
                  _full((1, _D)), _full((_N, 1)), _full((1, _N))],
        out_specs=_ROW_SPEC,
        out_shape=jax.ShapeDtypeStruct((_N, _D), _F32),
        scratch_shapes=[pltpu.VMEM((_N, _D), _F32)],
    )(A, xin, w, b, dinv, dinvt)

    emb1 = prop("tanh", x, Wg1, bg1r)
    emb = prop("norm", emb1, Wg2, bg2r)

    idx, vals = pl.pallas_call(
        _topk_body,
        grid=(_NB,),
        in_specs=[_full((_N, _D))],
        out_specs=[pl.BlockSpec((_BR, _KP), lambda i: (i, 0))] * 2,
        out_shape=[jax.ShapeDtypeStruct((_N, _KP), jnp.int32),
                   jax.ShapeDtypeStruct((_N, _KP), _F32)],
    )(emb)
    idxt = idx.T.copy()

    srow = _srow_sc(idx, vals)
    dninv = pl.pallas_call(
        _dninv_body,
        out_shape=jax.ShapeDtypeStruct((_N, 1), _F32),
    )(d, srow[:, None])

    dninvt = dninv.reshape(1, _N)
    h, ah = pl.pallas_call(
        _gcn1_body,
        grid=(_NB,),
        in_specs=[_A_SPEC, _full((_N, _D)), _full((_N, _KP)),
                  _full((_KP, _N)), _full((_N, _D)), _full((_D, _D)),
                  _full((1, _D)), _full((_N, 1)), _full((1, _N))],
        out_specs=[_ROW_SPEC, _A_SPEC],
        out_shape=[jax.ShapeDtypeStruct((_N, _D), _F32),
                   jax.ShapeDtypeStruct((_N, _N), _F32)],
        scratch_shapes=[pltpu.VMEM((_N, _D), _F32)],
    )(A, emb, idx, idxt, x, W1, b1r, dninv, dninvt)

    out = pl.pallas_call(
        _gcn2_body,
        grid=(_NB,),
        in_specs=[_A_SPEC, _full((_N, _D)), _full((_D, _D)), _full((1, _D))],
        out_specs=_ROW_SPEC,
        out_shape=jax.ShapeDtypeStruct((_N, _D), _F32),
        scratch_shapes=[pltpu.VMEM((_N, _D), _F32)],
    )(ah, h, W2, b2r)
    return out[None]

# --- scband reference (transcript-rebuilt; emitter-appended) ---
"""Pipeline reference for scband-grcn-85701777424791 (READ-ONLY COPY).

The authoritative reference and input builder live on the scoring server;
editing this copy changes nothing except your own understanding.
"""

import jax, jax.numpy as jnp
import numpy as np

EOS = 1e-10
K = 10
NUM_FEATURES = 128


def sym_normalize(adj):
    inv_sqrt_degree = 1.0 / (jnp.sqrt(adj.sum(axis=1)) + EOS)
    return inv_sqrt_degree[:, None] * adj * inv_sqrt_degree[None, :]


def gcn_dense(x, adj, W, b):
    # GCNConv_dense: Adj @ Linear(x)
    return adj @ (x @ W + b)


def _linear_params(key, fan_in, fan_out):
    k1, k2 = jax.random.split(key)
    lim = 1.0 / np.sqrt(fan_in)
    W = jax.random.uniform(k1, (fan_in, fan_out), minval=-lim, maxval=lim, dtype=jnp.float32)
    b = jax.random.uniform(k2, (fan_out,), minval=-lim, maxval=lim, dtype=jnp.float32)
    return W, b


def setup_inputs(seed: int = 0) -> dict:
    key = jax.random.key(seed)
    ks = jax.random.split(key, 8)
    B, N, D = 1, 4096, 128
    inp = {}
    inp['input'] = jax.random.normal(ks[0], (B, N, D), dtype=jnp.float32)
    inp['Adj'] = jax.random.uniform(ks[1], (B, N, N), dtype=jnp.float32)
    # conv1: num_features(128) -> nhid(128)
    inp['W1'], inp['b1'] = _linear_params(ks[2], 128, 128)
    # conv2: nhid(128) -> num_classes(128)
    inp['W2'], inp['b2'] = _linear_params(ks[3], 128, 128)
    # node_graph: num_features(128) -> node_graph_hid_dim1(128)
    inp['Wg1'], inp['bg1'] = _linear_params(ks[4], 128, 128)
    # node_graph2: hid1(128) -> node_graph_hid_dim2(128)
    inp['Wg2'], inp['bg2'] = _linear_params(ks[5], 128, 128)
    return inp


def _forward_single(x, A, W1, b1, W2, b2, Wg1, bg1, Wg2, bg2):
    half = NUM_FEATURES // 2
    N = x.shape[0]
    # node embeddings on normalized input graph
    normA = sym_normalize(A)
    emb = jnp.tanh(gcn_dense(x, normA, Wg1, bg1))
    emb = gcn_dense(emb, normA, Wg2, bg2)
    # F.normalize(dim=1, p=2) with eps clamp 1e-12
    norm = jnp.maximum(jnp.linalg.norm(emb, axis=1, keepdims=True), 1e-12)
    emb = emb / norm
    # similarity graph split into two halves of num_features
    sim = emb[:, :half] @ emb[:, :half].T + emb[:, half:] @ emb[:, half:].T
    # knn sparsification (dense mask)
    vals, idx = jax.lax.top_k(sim, K)
    rows = jnp.arange(N)[:, None]
    mask = jnp.zeros_like(sim).at[rows, idx].set(1.0)
    mask = mask.at[idx, rows].set(1.0)
    mask = jax.lax.stop_gradient(mask)  # mask.requires_grad = False
    sparse_graph = sim * mask
    Adj_new = sym_normalize(A + sparse_graph)
    h = jax.nn.relu(gcn_dense(x, Adj_new, W1, b1))
    # dropout inactive (training=False)
    return gcn_dense(h, Adj_new, W2, b2)


def reference(input, Adj, W1, b1, W2, b2, Wg1, bg1, Wg2, bg2):
    def per_sample(x, A):
        return _forward_single(x, A, W1, b1, W2, b2, Wg1, bg1, Wg2, bg2)
    return jax.vmap(per_sample)(input, Adj)

if __name__ == "__main__":
    import jax
    _d = setup_inputs()
    print(jax.jit(kernel)(*tuple(_d.values())))

</pallas_src>

<mosaic_0001>
#map = affine_map<(d0, d1) -> (0)>
#map1 = affine_map<(d0, d1) -> (0, 0)>
module attributes {stable_mosaic.version = 14 : i64} {
  func.func @_srow_sc_body(%arg0: i32, %arg1: i32, %arg2: memref<65536xi32, #tpu.memory_space<hbm>>, %arg3: memref<512x128xi32, #tpu.memory_space<hbm>>, %arg4: memref<65536xf32, #tpu.memory_space<hbm>>, %arg5: memref<512x128xf32, #tpu.memory_space<hbm>>, %arg6: memref<4096xf32, #tpu.memory_space<hbm>>, %arg7: memref<65536xi32, #tpu.memory_space<vmem>>, %arg8: memref<32x128xi32, #tpu.memory_space<vmem>>, %arg9: memref<4096xf32, #tpu.memory_space<vmem>>, %arg10: memref<32x128xf32, #tpu.memory_space<vmem>>, %arg11: memref<256xf32, #tpu.memory_space<vmem>>, %arg12: memref<256xf32, #tpu.memory_space<vmem>>, %arg13: memref<4096xf32, #tpu.memory_space<vmem>>, %arg14: memref<4096xf32, #tpu.memory_space<vmem_shared>>) attributes {dimension_semantics = [#tpu.dimension_semantics<core_parallel>, #tpu.dimension_semantics<subcore_parallel>], iteration_bounds = array<i64: 1, 16>, scalar_prefetch = 0 : i64, scratch_operands = 8 : i64, tpu.core_type = #tpu.core_type<sc_vector_subcore>, window_params = [{transform_indices = #map}, {transform_indices = #map1}, {transform_indices = #map}, {transform_indices = #map1}, {transform_indices = #map}]} {
    %iota3A = tpu.iota {dimensions = array<i32: 0>} : vector<16xi32>
    "tpu.region"() ({
      %run_scoped3A = tpu.sem_alloc : memref<!tpu.dma_semaphore, #tpu.memory_space<semaphore_mem>>
      tpu.enqueue_dma source(%arg2 : memref<65536xi32, #tpu.memory_space<hbm>>) target(%arg7 : memref<65536xi32, #tpu.memory_space<vmem>>) target_semaphore(%run_scoped3A : memref<!tpu.dma_semaphore, #tpu.memory_space<semaphore_mem>>)
      tpu.wait_dma2 semaphore(%run_scoped3A : memref<!tpu.dma_semaphore, #tpu.memory_space<semaphore_mem>>) src(%arg2 : memref<65536xi32, #tpu.memory_space<hbm>>) dst(%arg7 : memref<65536xi32, #tpu.memory_space<vmem>>)
      tpu.yield
    }) : () -> ()
    %mul3A = arith.constant 32 : i32
    %mul3A_0 = arith.muli %arg1, %mul3A : i32
    "tpu.region"() ({
      %run_scoped3A = tpu.sem_alloc : memref<!tpu.dma_semaphore, #tpu.memory_space<semaphore_mem>>
      %dma_start3A = arith.constant 0 : i32
      %dma_start3A_29 = tpu.memref_slice %arg3[%mul3A_0, %dma_start3A] : memref<512x128xi32, #tpu.memory_space<hbm>> -> memref<32x128xi32, #tpu.memory_space<hbm>>
      %dma_start3A_30 = arith.constant 0 : i32
      %dma_start3A_31 = tpu.memref_slice %arg3[%mul3A_0, %dma_start3A_30] : memref<512x128xi32, #tpu.memory_space<hbm>> -> memref<32x128xi32, #tpu.memory_space<hbm>>
      tpu.enqueue_dma source(%dma_start3A_31 : memref<32x128xi32, #tpu.memory_space<hbm>>) target(%arg8 : memref<32x128xi32, #tpu.memory_space<vmem>>) target_semaphore(%run_scoped3A : memref<!tpu.dma_semaphore, #tpu.memory_space<semaphore_mem>>)
      %dma_wait3A = arith.constant 0 : i32
      %dma_wait3A_32 = tpu.memref_slice %arg3[%mul3A_0, %dma_wait3A] : memref<512x128xi32, #tpu.memory_space<hbm>> -> memref<32x128xi32, #tpu.memory_space<hbm>>
      %dma_wait3A_33 = arith.constant 0 : i32
      %dma_wait3A_34 = tpu.memref_slice %arg3[%mul3A_0, %dma_wait3A_33] : memref<512x128xi32, #tpu.memory_space<hbm>> -> memref<32x128xi32, #tpu.memory_space<hbm>>
      tpu.wait_dma2 semaphore(%run_scoped3A : memref<!tpu.dma_semaphore, #tpu.memory_space<semaphore_mem>>) src(%dma_wait3A_34 : memref<32x128xi32, #tpu.memory_space<hbm>>) dst(%arg8 : memref<32x128xi32, #tpu.memory_space<vmem>>)
      tpu.yield
    }) : () -> ()
    %mul3A_1 = arith.constant 4096 : i32
    %mul3A_2 = arith.muli %arg1, %mul3A_1 : i32
    "tpu.region"() ({
      %run_scoped3A = tpu.sem_alloc : memref<!tpu.dma_semaphore, #tpu.memory_space<semaphore_mem>>
      %dma_start3A = tpu.memref_slice %arg4[%mul3A_2] : memref<65536xf32, #tpu.memory_space<hbm>> -> memref<4096xf32, #tpu.memory_space<hbm>>
      %dma_start3A_29 = tpu.memref_slice %arg4[%mul3A_2] : memref<65536xf32, #tpu.memory_space<hbm>> -> memref<4096xf32, #tpu.memory_space<hbm>>
      tpu.enqueue_dma source(%dma_start3A_29 : memref<4096xf32, #tpu.memory_space<hbm>>) target(%arg9 : memref<4096xf32, #tpu.memory_space<vmem>>) target_semaphore(%run_scoped3A : memref<!tpu.dma_semaphore, #tpu.memory_space<semaphore_mem>>)
      %dma_wait3A = tpu.memref_slice %arg4[%mul3A_2] : memref<65536xf32, #tpu.memory_space<hbm>> -> memref<4096xf32, #tpu.memory_space<hbm>>
      %dma_wait3A_30 = tpu.memref_slice %arg4[%mul3A_2] : memref<65536xf32, #tpu.memory_space<hbm>> -> memref<4096xf32, #tpu.memory_space<hbm>>
      tpu.wait_dma2 semaphore(%run_scoped3A : memref<!tpu.dma_semaphore, #tpu.memory_space<semaphore_mem>>) src(%dma_wait3A_30 : memref<4096xf32, #tpu.memory_space<hbm>>) dst(%arg9 : memref<4096xf32, #tpu.memory_space<vmem>>)
      tpu.yield
    }) : () -> ()
    %mul3A_3 = arith.constant 32 : i32
    %mul3A_4 = arith.muli %arg1, %mul3A_3 : i32
    "tpu.region"() ({
      %run_scoped3A = tpu.sem_alloc : memref<!tpu.dma_semaphore, #tpu.memory_space<semaphore_mem>>
      %dma_start3A = arith.constant 0 : i32
      %dma_start3A_29 = tpu.memref_slice %arg5[%mul3A_4, %dma_start3A] : memref<512x128xf32, #tpu.memory_space<hbm>> -> memref<32x128xf32, #tpu.memory_space<hbm>>
      %dma_start3A_30 = arith.constant 0 : i32
      %dma_start3A_31 = tpu.memref_slice %arg5[%mul3A_4, %dma_start3A_30] : memref<512x128xf32, #tpu.memory_space<hbm>> -> memref<32x128xf32, #tpu.memory_space<hbm>>
      tpu.enqueue_dma source(%dma_start3A_31 : memref<32x128xf32, #tpu.memory_space<hbm>>) target(%arg10 : memref<32x128xf32, #tpu.memory_space<vmem>>) target_semaphore(%run_scoped3A : memref<!tpu.dma_semaphore, #tpu.memory_space<semaphore_mem>>)
      %dma_wait3A = arith.constant 0 : i32
      %dma_wait3A_32 = tpu.memref_slice %arg5[%mul3A_4, %dma_wait3A] : memref<512x128xf32, #tpu.memory_space<hbm>> -> memref<32x128xf32, #tpu.memory_space<hbm>>
      %dma_wait3A_33 = arith.constant 0 : i32
      %dma_wait3A_34 = tpu.memref_slice %arg5[%mul3A_4, %dma_wait3A_33] : memref<512x128xf32, #tpu.memory_space<hbm>> -> memref<32x128xf32, #tpu.memory_space<hbm>>
      tpu.wait_dma2 semaphore(%run_scoped3A : memref<!tpu.dma_semaphore, #tpu.memory_space<semaphore_mem>>) src(%dma_wait3A_34 : memref<32x128xf32, #tpu.memory_space<hbm>>) dst(%arg10 : memref<32x128xf32, #tpu.memory_space<vmem>>)
      tpu.yield
    }) : () -> ()
    %eq3A = arith.constant 0 : i32
    %eq3A_5 = arith.cmpi eq, %arg1, %eq3A : i32
    %convert_element_type3A = arith.extui %eq3A_5 : i1 to i32
    %cond3A = arith.constant 0 : i32
    %cond3A_6 = arith.cmpi ne, %convert_element_type3A, %cond3A : i32
    scf.if %cond3A_6 {
      %scan3A_29 = arith.constant 0 : i32
      %scan3A_30 = arith.constant 0 : i32
      %scan3A_31 = arith.constant 256 : i32
      %scan3A_32 = arith.addi %scan3A_30, %scan3A_31 : i32
      %scan3A_33 = arith.constant 1 : i32
      scf.for %scan3A_35 = %scan3A_30 to %scan3A_32 step %scan3A_33  : i32 {
        %broadcast_in_dim3A = arith.constant 0.000000e+00 : f32
        %broadcast_in_dim3A_36 = vector.broadcast %broadcast_in_dim3A : f32 to vector<16xf32>
        %mul3A_37 = arith.constant 16 : i32
        %mul3A_38 = arith.muli %scan3A_35, %mul3A_37 : i32
        %swap3A = arith.index_cast %mul3A_38 : i32 to index
        %swap3A_39 = tpu.vector_load %arg13[%swap3A] {strides = array<i32>} : memref<4096xf32, #tpu.memory_space<vmem>>, vector<16xf32>,
        tpu.vector_store %arg13[%swap3A], %broadcast_in_dim3A_36 {strides = array<i32>} : memref<4096xf32, #tpu.memory_space<vmem>>, vector<16xf32>,
      }
      %scan3A_34 = arith.constant 256 : i32
      "tpu.region"() ({
        %run_scoped3A = tpu.sem_alloc : memref<!tpu.dma_semaphore, #tpu.memory_space<semaphore_mem>>
        tpu.enqueue_dma source(%arg13 : memref<4096xf32, #tpu.memory_space<vmem>>) target(%arg14 : memref<4096xf32, #tpu.memory_space<vmem_shared>>) target_semaphore(%run_scoped3A : memref<!tpu.dma_semaphore, #tpu.memory_space<semaphore_mem>>)
        tpu.wait_dma2 semaphore(%run_scoped3A : memref<!tpu.dma_semaphore, #tpu.memory_space<semaphore_mem>>) src(%arg13 : memref<4096xf32, #tpu.memory_space<vmem>>) dst(%arg14 : memref<4096xf32, #tpu.memory_space<vmem_shared>>)
        tpu.yield
      }) : () -> ()
    } else {
    }
    %barrier3A = arith.constant 0 : index
    tpu.barrier barrier_id(%barrier3A)
    %scan3A = arith.constant 0 : i32
    %scan3A_7 = arith.constant 0 : i32
    %scan3A_8 = arith.constant 32 : i32
    %scan3A_9 = arith.addi %scan3A_7, %scan3A_8 : i32
    %scan3A_10 = arith.constant 1 : i32
    scf.for %scan3A_29 = %scan3A_7 to %scan3A_9 step %scan3A_10  : i32 {
      "tpu.region"() ({
        %run_scoped3A = tpu.sem_alloc : memref<!tpu.dma_semaphore, #tpu.memory_space<semaphore_mem>>
        %dma_start3A = arith.constant 0 : i32
        %dma_start3A_30 = tpu.memref_slice %arg10[%scan3A_29, %dma_start3A] : memref<32x128xf32, #tpu.memory_space<vmem>> -> memref<1x128xf32, #tpu.memory_space<vmem>>
        %dma_start3A_31 = tpu.memref_squeeze %dma_start3A_30 : memref<1x128xf32, #tpu.memory_space<vmem>> -> memref<128xf32, #tpu.memory_space<vmem>>
        %dma_start3A_32 = arith.constant 0 : i32
        %dma_start3A_33 = tpu.memref_slice %arg8[%scan3A_29, %dma_start3A_32] : memref<32x128xi32, #tpu.memory_space<vmem>> -> memref<1x128xi32, #tpu.memory_space<vmem>>
        %dma_start3A_34 = tpu.memref_squeeze %dma_start3A_33 : memref<1x128xi32, #tpu.memory_space<vmem>> -> memref<128xi32, #tpu.memory_space<vmem>>
        %dma_start3A_35 = arith.constant 0 : i32
        %dma_start3A_36 = tpu.memref_slice %arg14[%dma_start3A_35] : memref<4096xf32, #tpu.memory_space<vmem_shared>> -> memref<4096xf32, #tpu.memory_space<vmem_shared>>
        tpu.enqueue_indirect_dma source(%dma_start3A_31 : memref<128xf32, #tpu.memory_space<vmem>>) target(%dma_start3A_36 : memref<4096xf32, #tpu.memory_space<vmem_shared>>) offsets(%dma_start3A_34 : memref<128xi32, #tpu.memory_space<vmem>>) semaphore(%run_scoped3A : memref<!tpu.dma_semaphore, #tpu.memory_space<semaphore_mem>>) {add = true}
        %dma_wait3A = arith.constant 0 : i32
        %dma_wait3A_37 = tpu.memref_slice %arg10[%scan3A_29, %dma_wait3A] : memref<32x128xf32, #tpu.memory_space<vmem>> -> memref<1x128xf32, #tpu.memory_space<vmem>>
        %dma_wait3A_38 = tpu.memref_squeeze %dma_wait3A_37 : memref<1x128xf32, #tpu.memory_space<vmem>> -> memref<128xf32, #tpu.memory_space<vmem>>
        %dma_wait3A_39 = arith.constant 0 : i32
        %dma_wait3A_40 = tpu.memref_slice %arg8[%scan3A_29, %dma_wait3A_39] : memref<32x128xi32, #tpu.memory_space<vmem>> -> memref<1x128xi32, #tpu.memory_space<vmem>>
        %dma_wait3A_41 = tpu.memref_squeeze %dma_wait3A_40 : memref<1x128xi32, #tpu.memory_space<vmem>> -> memref<128xi32, #tpu.memory_space<vmem>>
        %dma_wait3A_42 = arith.constant 0 : i32
        %dma_wait3A_43 = tpu.memref_slice %arg14[%dma_wait3A_42] : memref<4096xf32, #tpu.memory_space<vmem_shared>> -> memref<4096xf32, #tpu.memory_space<vmem_shared>>
        tpu.wait_indirect_dma semaphore(%run_scoped3A : memref<!tpu.dma_semaphore, #tpu.memory_space<semaphore_mem>>) src(%dma_wait3A_38 : memref<128xf32, #tpu.memory_space<vmem>>) dst(%dma_wait3A_43 : memref<4096xf32, #tpu.memory_space<vmem_shared>>)
        tpu.yield
      }) : () -> ()
    }
    %scan3A_11 = arith.constant 32 : i32
    %scan3A_12 = arith.constant 0 : i32
    %scan3A_13 = arith.constant 0 : i32
    %scan3A_14 = arith.constant 16 : i32
    %scan3A_15 = arith.addi %scan3A_13, %scan3A_14 : i32
    %scan3A_16 = arith.constant 1 : i32
    scf.for %scan3A_29 = %scan3A_13 to %scan3A_15 step %scan3A_16  : i32 {
      %mul3A_30 = arith.constant 256 : i32
      %mul3A_31 = arith.muli %arg1, %mul3A_30 : i32
      %mul3A_32 = arith.constant 16 : i32
      %mul3A_33 = arith.muli %scan3A_29, %mul3A_32 : i32
      %add3A = arith.addi %mul3A_31, %mul3A_33 : i32
      %add3A_34 = vector.broadcast %add3A : i32 to vector<16xi32>
      %add3A_35 = arith.addi %add3A_34, %iota3A : vector<16xi32>
      %broadcast_in_dim3A = arith.constant 0.000000e+00 : f32
      %broadcast_in_dim3A_36 = vector.broadcast %broadcast_in_dim3A : f32 to vector<16xf32>
      %mul3A_37 = arith.constant 256 : i32
      %mul3A_38 = arith.muli %scan3A_29, %mul3A_37 : i32
      %mul3A_39 = arith.constant 16 : i32
      %mul3A_40 = vector.broadcast %mul3A_39 : i32 to vector<16xi32>
      %mul3A_41 = arith.muli %iota3A, %mul3A_40 : vector<16xi32>
      %add3A_42 = vector.broadcast %mul3A_38 : i32 to vector<16xi32>
      %add3A_43 = arith.addi %add3A_42, %mul3A_41 : vector<16xi32>
      %add3A_44 = arith.constant 0 : i32
      %add3A_45 = vector.broadcast %add3A_44 : i32 to vector<16xi32>
      %add3A_46 = arith.addi %add3A_43, %add3A_45 : vector<16xi32>
      %mul3A_47 = arith.constant 4096 : i32
      %mul3A_48 = arith.muli %arg1, %mul3A_47 : i32
      %add3A_49 = vector.broadcast %mul3A_48 : i32 to vector<16xi32>
      %add3A_50 = arith.addi %add3A_49, %add3A_46 : vector<16xi32>
      %gather3A = tpu.vector_load_idx %arg9[%add3A_46] : memref<4096xf32, #tpu.memory_space<vmem>>[vector<16xi32>], vector<16xf32>,
      %gather3A_51 = tpu.vector_load_idx %arg7[%add3A_50] : memref<65536xi32, #tpu.memory_space<vmem>>[vector<16xi32>], vector<16xi32>,
      %mul3A_52 = arith.constant 16 : i32
      %mul3A_53 = vector.broadcast %mul3A_52 : i32 to vector<16xi32>
      %mul3A_54 = arith.muli %gather3A_51, %mul3A_53 : vector<16xi32>
      %add3A_55 = arith.constant 0 : i32
      %add3A_56 = vector.broadcast %add3A_55 : i32 to vector<16xi32>
      %add3A_57 = arith.addi %mul3A_54, %add3A_56 : vector<16xi32>
      %gather3A_58 = tpu.vector_load_idx %arg7[%add3A_57] : memref<65536xi32, #tpu.memory_space<vmem>>[vector<16xi32>], vector<16xi32>,
      %eq3A_59 = arith.cmpi eq, %gather3A_58, %add3A_35 : vector<16xi32>
      %mul3A_60 = arith.constant 16 : i32
      %mul3A_61 = vector.broadcast %mul3A_60 : i32 to vector<16xi32>
      %mul3A_62 = arith.muli %gather3A_51, %mul3A_61 : vector<16xi32>
      %add3A_63 = arith.constant 1 : i32
      %add3A_64 = vector.broadcast %add3A_63 : i32 to vector<16xi32>
      %add3A_65 = arith.addi %mul3A_62, %add3A_64 : vector<16xi32>
      %gather3A_66 = tpu.vector_load_idx %arg7[%add3A_65] : memref<65536xi32, #tpu.memory_space<vmem>>[vector<16xi32>], vector<16xi32>,
      %eq3A_67 = arith.cmpi eq, %gather3A_66, %add3A_35 : vector<16xi32>
      %or3A = arith.ori %eq3A_59, %eq3A_67 : vector<16xi1>
      %mul3A_68 = arith.constant 16 : i32
      %mul3A_69 = vector.broadcast %mul3A_68 : i32 to vector<16xi32>
      %mul3A_70 = arith.muli %gather3A_51, %mul3A_69 : vector<16xi32>
      %add3A_71 = arith.constant 2 : i32
      %add3A_72 = vector.broadcast %add3A_71 : i32 to vector<16xi32>
      %add3A_73 = arith.addi %mul3A_70, %add3A_72 : vector<16xi32>
      %gather3A_74 = tpu.vector_load_idx %arg7[%add3A_73] : memref<65536xi32, #tpu.memory_space<vmem>>[vector<16xi32>], vector<16xi32>,
      %eq3A_75 = arith.cmpi eq, %gather3A_74, %add3A_35 : vector<16xi32>
      %or3A_76 = arith.ori %or3A, %eq3A_75 : vector<16xi1>
      %mul3A_77 = arith.constant 16 : i32
      %mul3A_78 = vector.broadcast %mul3A_77 : i32 to vector<16xi32>
      %mul3A_79 = arith.muli %gather3A_51, %mul3A_78 : vector<16xi32>
      %add3A_80 = arith.constant 3 : i32
      %add3A_81 = vector.broadcast %add3A_80 : i32 to vector<16xi32>
      %add3A_82 = arith.addi %mul3A_79, %add3A_81 : vector<16xi32>
      %gather3A_83 = tpu.vector_load_idx %arg7[%add3A_82] : memref<65536xi32, #tpu.memory_space<vmem>>[vector<16xi32>], vector<16xi32>,
      %eq3A_84 = arith.cmpi eq, %gather3A_83, %add3A_35 : vector<16xi32>
      %or3A_85 = arith.ori %or3A_76, %eq3A_84 : vector<16xi1>
      %mul3A_86 = arith.constant 16 : i32
      %mul3A_87 = vector.broadcast %mul3A_86 : i32 to vector<16xi32>
      %mul3A_88 = arith.muli %gather3A_51, %mul3A_87 : vector<16xi32>
      %add3A_89 = arith.constant 4 : i32
      %add3A_90 = vector.broadcast %add3A_89 : i32 to vector<16xi32>
      %add3A_91 = arith.addi %mul3A_88, %add3A_90 : vector<16xi32>
      %gather3A_92 = tpu.vector_load_idx %arg7[%add3A_91] : memref<65536xi32, #tpu.memory_space<vmem>>[vector<16xi32>], vector<16xi32>,
      %eq3A_93 = arith.cmpi eq, %gather3A_92, %add3A_35 : vector<16xi32>
      %or3A_94 = arith.ori %or3A_85, %eq3A_93 : vector<16xi1>
      %mul3A_95 = arith.constant 16 : i32
      %mul3A_96 = vector.broadcast %mul3A_95 : i32 to vector<16xi32>
      %mul3A_97 = arith.muli %gather3A_51, %mul3A_96 : vector<16xi32>
      %add3A_98 = arith.constant 5 : i32
      %add3A_99 = vector.broadcast %add3A_98 : i32 to vector<16xi32>
      %add3A_100 = arith.addi %mul3A_97, %add3A_99 : vector<16xi32>
      %gather3A_101 = tpu.vector_load_idx %arg7[%add3A_100] : memref<65536xi32, #tpu.memory_space<vmem>>[vector<16xi32>], vector<16xi32>,
      %eq3A_102 = arith.cmpi eq, %gather3A_101, %add3A_35 : vector<16xi32>
      %or3A_103 = arith.ori %or3A_94, %eq3A_102 : vector<16xi1>
      %mul3A_104 = arith.constant 16 : i32
      %mul3A_105 = vector.broadcast %mul3A_104 : i32 to vector<16xi32>
      %mul3A_106 = arith.muli %gather3A_51, %mul3A_105 : vector<16xi32>
      %add3A_107 = arith.constant 6 : i32
      %add3A_108 = vector.broadcast %add3A_107 : i32 to vector<16xi32>
      %add3A_109 = arith.addi %mul3A_106, %add3A_108 : vector<16xi32>
      %gather3A_110 = tpu.vector_load_idx %arg7[%add3A_109] : memref<65536xi32, #tpu.memory_space<vmem>>[vector<16xi32>], vector<16xi32>,
      %eq3A_111 = arith.cmpi eq, %gather3A_110, %add3A_35 : vector<16xi32>
      %or3A_112 = arith.ori %or3A_103, %eq3A_111 : vector<16xi1>
      %mul3A_113 = arith.constant 16 : i32
      %mul3A_114 = vector.broadcast %mul3A_113 : i32 to vector<16xi32>
      %mul3A_115 = arith.muli %gather3A_51, %mul3A_114 : vector<16xi32>
      %add3A_116 = arith.constant 7 : i32
      %add3A_117 = vector.broadcast %add3A_116 : i32 to vector<16xi32>
      %add3A_118 = arith.addi %mul3A_115, %add3A_117 : vector<16xi32>
      %gather3A_119 = tpu.vector_load_idx %arg7[%add3A_118] : memref<65536xi32, #tpu.memory_space<vmem>>[vector<16xi32>], vector<16xi32>,
      %eq3A_120 = arith.cmpi eq, %gather3A_119, %add3A_35 : vector<16xi32>
      %or3A_121 = arith.ori %or3A_112, %eq3A_120 : vector<16xi1>
      %mul3A_122 = arith.constant 16 : i32
      %mul3A_123 = vector.broadcast %mul3A_122 : i32 to vector<16xi32>
      %mul3A_124 = arith.muli %gather3A_51, %mul3A_123 : vector<16xi32>
      %add3A_125 = arith.constant 8 : i32
      %add3A_126 = vector.broadcast %add3A_125 : i32 to vector<16xi32>
      %add3A_127 = arith.addi %mul3A_124, %add3A_126 : vector<16xi32>
      %gather3A_128 = tpu.vector_load_idx %arg7[%add3A_127] : memref<65536xi32, #tpu.memory_space<vmem>>[vector<16xi32>], vector<16xi32>,
      %eq3A_129 = arith.cmpi eq, %gather3A_128, %add3A_35 : vector<16xi32>
      %or3A_130 = arith.ori %or3A_121, %eq3A_129 : vector<16xi1>
      %mul3A_131 = arith.constant 16 : i32
      %mul3A_132 = vector.broadcast %mul3A_131 : i32 to vector<16xi32>
      %mul3A_133 = arith.muli %gather3A_51, %mul3A_132 : vector<16xi32>
      %add3A_134 = arith.constant 9 : i32
      %add3A_135 = vector.broadcast %add3A_134 : i32 to vector<16xi32>
      %add3A_136 = arith.addi %mul3A_133, %add3A_135 : vector<16xi32>
      %gather3A_137 = tpu.vector_load_idx %arg7[%add3A_136] : memref<65536xi32, #tpu.memory_space<vmem>>[vector<16xi32>], vector<16xi32>,
      %eq3A_138 = arith.cmpi eq, %gather3A_137, %add3A_35 : vector<16xi32>
      %or3A_139 = arith.ori %or3A_130, %eq3A_138 : vector<16xi1>
      %jit3A = arith.constant 0.000000e+00 : f32
      %broadcast_in_dim3A_140 = vector.broadcast %jit3A : f32 to vector<16xf32>
      %select_n3A = arith.select %or3A_139, %broadcast_in_dim3A_140, %gather3A : vector<16xi1>, vector<16xf32>
      %add3A_141 = arith.addf %broadcast_in_dim3A_36, %select_n3A : vector<16xf32>
      %mul3A_142 = arith.constant 256 : i32
      %mul3A_143 = arith.muli %scan3A_29, %mul3A_142 : i32
      %mul3A_144 = arith.constant 16 : i32
      %mul3A_145 = vector.broadcast %mul3A_144 : i32 to vector<16xi32>
      %mul3A_146 = arith.muli %iota3A, %mul3A_145 : vector<16xi32>
      %add3A_147 = vector.broadcast %mul3A_143 : i32 to vector<16xi32>
      %add3A_148 = arith.addi %add3A_147, %mul3A_146 : vector<16xi32>
      %add3A_149 = arith.constant 1 : i32
      %add3A_150 = vector.broadcast %add3A_149 : i32 to vector<16xi32>
      %add3A_151 = arith.addi %add3A_148, %add3A_150 : vector<16xi32>
      %mul3A_152 = arith.constant 4096 : i32
      %mul3A_153 = arith.muli %arg1, %mul3A_152 : i32
      %add3A_154 = vector.broadcast %mul3A_153 : i32 to vector<16xi32>
      %add3A_155 = arith.addi %add3A_154, %add3A_151 : vector<16xi32>
      %gather3A_156 = tpu.vector_load_idx %arg9[%add3A_151] : memref<4096xf32, #tpu.memory_space<vmem>>[vector<16xi32>], vector<16xf32>,
      %gather3A_157 = tpu.vector_load_idx %arg7[%add3A_155] : memref<65536xi32, #tpu.memory_space<vmem>>[vector<16xi32>], vector<16xi32>,
      %mul3A_158 = arith.constant 16 : i32
      %mul3A_159 = vector.broadcast %mul3A_158 : i32 to vector<16xi32>
      %mul3A_160 = arith.muli %gather3A_157, %mul3A_159 : vector<16xi32>
      %add3A_161 = arith.constant 0 : i32
      %add3A_162 = vector.broadcast %add3A_161 : i32 to vector<16xi32>
      %add3A_163 = arith.addi %mul3A_160, %add3A_162 : vector<16xi32>
      %gather3A_164 = tpu.vector_load_idx %arg7[%add3A_163] : memref<65536xi32, #tpu.memory_space<vmem>>[vector<16xi32>], vector<16xi32>,
      %eq3A_165 = arith.cmpi eq, %gather3A_164, %add3A_35 : vector<16xi32>
      %mul3A_166 = arith.constant 16 : i32
      %mul3A_167 = vector.broadcast %mul3A_166 : i32 to vector<16xi32>
      %mul3A_168 = arith.muli %gather3A_157, %mul3A_167 : vector<16xi32>
      %add3A_169 = arith.constant 1 : i32
      %add3A_170 = vector.broadcast %add3A_169 : i32 to vector<16xi32>
      %add3A_171 = arith.addi %mul3A_168, %add3A_170 : vector<16xi32>
      %gather3A_172 = tpu.vector_load_idx %arg7[%add3A_171] : memref<65536xi32, #tpu.memory_space<vmem>>[vector<16xi32>], vector<16xi32>,
      %eq3A_173 = arith.cmpi eq, %gather3A_172, %add3A_35 : vector<16xi32>
      %or3A_174 = arith.ori %eq3A_165, %eq3A_173 : vector<16xi1>
      %mul3A_175 = arith.constant 16 : i32
      %mul3A_176 = vector.broadcast %mul3A_175 : i32 to vector<16xi32>
      %mul3A_177 = arith.muli %gather3A_157, %mul3A_176 : vector<16xi32>
      %add3A_178 = arith.constant 2 : i32
      %add3A_179 = vector.broadcast %add3A_178 : i32 to vector<16xi32>
      %add3A_180 = arith.addi %mul3A_177, %add3A_179 : vector<16xi32>
      %gather3A_181 = tpu.vector_load_idx %arg7[%add3A_180] : memref<65536xi32, #tpu.memory_space<vmem>>[vector<16xi32>], vector<16xi32>,
      %eq3A_182 = arith.cmpi eq, %gather3A_181, %add3A_35 : vector<16xi32>
      %or3A_183 = arith.ori %or3A_174, %eq3A_182 : vector<16xi1>
      %mul3A_184 = arith.constant 16 : i32
      %mul3A_185 = vector.broadcast %mul3A_184 : i32 to vector<16xi32>
      %mul3A_186 = arith.muli %gather3A_157, %mul3A_185 : vector<16xi32>
      %add3A_187 = arith.constant 3 : i32
      %add3A_188 = vector.broadcast %add3A_187 : i32 to vector<16xi32>
      %add3A_189 = arith.addi %mul3A_186, %add3A_188 : vector<16xi32>
      %gather3A_190 = tpu.vector_load_idx %arg7[%add3A_189] : memref<65536xi32, #tpu.memory_space<vmem>>[vector<16xi32>], vector<16xi32>,
      %eq3A_191 = arith.cmpi eq, %gather3A_190, %add3A_35 : vector<16xi32>
      %or3A_192 = arith.ori %or3A_183, %eq3A_191 : vector<16xi1>
      %mul3A_193 = arith.constant 16 : i32
      %mul3A_194 = vector.broadcast %mul3A_193 : i32 to vector<16xi32>
      %mul3A_195 = arith.muli %gather3A_157, %mul3A_194 : vector<16xi32>
      %add3A_196 = arith.constant 4 : i32
      %add3A_197 = vector.broadcast %add3A_196 : i32 to vector<16xi32>
      %add3A_198 = arith.addi %mul3A_195, %add3A_197 : vector<16xi32>
      %gather3A_199 = tpu.vector_load_idx %arg7[%add3A_198] : memref<65536xi32, #tpu.memory_space<vmem>>[vector<16xi32>], vector<16xi32>,
      %eq3A_200 = arith.cmpi eq, %gather3A_199, %add3A_35 : vector<16xi32>
      %or3A_201 = arith.ori %or3A_192, %eq3A_200 : vector<16xi1>
      %mul3A_202 = arith.constant 16 : i32
      %mul3A_203 = vector.broadcast %mul3A_202 : i32 to vector<16xi32>
      %mul3A_204 = arith.muli %gather3A_157, %mul3A_203 : vector<16xi32>
      %add3A_205 = arith.constant 5 : i32
      %add3A_206 = vector.broadcast %add3A_205 : i32 to vector<16xi32>
      %add3A_207 = arith.addi %mul3A_204, %add3A_206 : vector<16xi32>
      %gather3A_208 = tpu.vector_load_idx %arg7[%add3A_207] : memref<65536xi32, #tpu.memory_space<vmem>>[vector<16xi32>], vector<16xi32>,
      %eq3A_209 = arith.cmpi eq, %gather3A_208, %add3A_35 : vector<16xi32>
      %or3A_210 = arith.ori %or3A_201, %eq3A_209 : vector<16xi1>
      %mul3A_211 = arith.constant 16 : i32
      %mul3A_212 = vector.broadcast %mul3A_211 : i32 to vector<16xi32>
      %mul3A_213 = arith.muli %gather3A_157, %mul3A_212 : vector<16xi32>
      %add3A_214 = arith.constant 6 : i32
      %add3A_215 = vector.broadcast %add3A_214 : i32 to vector<16xi32>
      %add3A_216 = arith.addi %mul3A_213, %add3A_215 : vector<16xi32>
      %gather3A_217 = tpu.vector_load_idx %arg7[%add3A_216] : memref<65536xi32, #tpu.memory_space<vmem>>[vector<16xi32>], vector<16xi32>,
      %eq3A_218 = arith.cmpi eq, %gather3A_217, %add3A_35 : vector<16xi32>
      %or3A_219 = arith.ori %or3A_210, %eq3A_218 : vector<16xi1>
      %mul3A_220 = arith.constant 16 : i32
      %mul3A_221 = vector.broadcast %mul3A_220 : i32 to vector<16xi32>
      %mul3A_222 = arith.muli %gather3A_157, %mul3A_221 : vector<16xi32>
      %add3A_223 = arith.constant 7 : i32
      %add3A_224 = vector.broadcast %add3A_223 : i32 to vector<16xi32>
      %add3A_225 = arith.addi %mul3A_222, %add3A_224 : vector<16xi32>
      %gather3A_226 = tpu.vector_load_idx %arg7[%add3A_225] : memref<65536xi32, #tpu.memory_space<vmem>>[vector<16xi32>], vector<16xi32>,
      %eq3A_227 = arith.cmpi eq, %gather3A_226, %add3A_35 : vector<16xi32>
      %or3A_228 = arith.ori %or3A_219, %eq3A_227 : vector<16xi1>
      %mul3A_229 = arith.constant 16 : i32
      %mul3A_230 = vector.broadcast %mul3A_229 : i32 to vector<16xi32>
      %mul3A_231 = arith.muli %gather3A_157, %mul3A_230 : vector<16xi32>
      %add3A_232 = arith.constant 8 : i32
      %add3A_233 = vector.broadcast %add3A_232 : i32 to vector<16xi32>
      %add3A_234 = arith.addi %mul3A_231, %add3A_233 : vector<16xi32>
      %gather3A_235 = tpu.vector_load_idx %arg7[%add3A_234] : memref<65536xi32, #tpu.memory_space<vmem>>[vector<16xi32>], vector<16xi32>,
      %eq3A_236 = arith.cmpi eq, %gather3A_235, %add3A_35 : vector<16xi32>
      %or3A_237 = arith.ori %or3A_228, %eq3A_236 : vector<16xi1>
      %mul3A_238 = arith.constant 16 : i32
      %mul3A_239 = vector.broadcast %mul3A_238 : i32 to vector<16xi32>
      %mul3A_240 = arith.muli %gather3A_157, %mul3A_239 : vector<16xi32>
      %add3A_241 = arith.constant 9 : i32
      %add3A_242 = vector.broadcast %add3A_241 : i32 to vector<16xi32>
      %add3A_243 = arith.addi %mul3A_240, %add3A_242 : vector<16xi32>
      %gather3A_244 = tpu.vector_load_idx %arg7[%add3A_243] : memref<65536xi32, #tpu.memory_space<vmem>>[vector<16xi32>], vector<16xi32>,
      %eq3A_245 = arith.cmpi eq, %gather3A_244, %add3A_35 : vector<16xi32>
      %or3A_246 = arith.ori %or3A_237, %eq3A_245 : vector<16xi1>
      %jit3A_247 = arith.constant 0.000000e+00 : f32
      %broadcast_in_dim3A_248 = vector.broadcast %jit3A_247 : f32 to vector<16xf32>
      %select_n3A_249 = arith.select %or3A_246, %broadcast_in_dim3A_248, %gather3A_156 : vector<16xi1>, vector<16xf32>
      %add3A_250 = arith.addf %add3A_141, %select_n3A_249 : vector<16xf32>
      %mul3A_251 = arith.constant 256 : i32
      %mul3A_252 = arith.muli %scan3A_29, %mul3A_251 : i32
      %mul3A_253 = arith.constant 16 : i32
      %mul3A_254 = vector.broadcast %mul3A_253 : i32 to vector<16xi32>
      %mul3A_255 = arith.muli %iota3A, %mul3A_254 : vector<16xi32>
      %add3A_256 = vector.broadcast %mul3A_252 : i32 to vector<16xi32>
      %add3A_257 = arith.addi %add3A_256, %mul3A_255 : vector<16xi32>
      %add3A_258 = arith.constant 2 : i32
      %add3A_259 = vector.broadcast %add3A_258 : i32 to vector<16xi32>
      %add3A_260 = arith.addi %add3A_257, %add3A_259 : vector<16xi32>
      %mul3A_261 = arith.constant 4096 : i32
      %mul3A_262 = arith.muli %arg1, %mul3A_261 : i32
      %add3A_263 = vector.broadcast %mul3A_262 : i32 to vector<16xi32>
      %add3A_264 = arith.addi %add3A_263, %add3A_260 : vector<16xi32>
      %gather3A_265 = tpu.vector_load_idx %arg9[%add3A_260] : memref<4096xf32, #tpu.memory_space<vmem>>[vector<16xi32>], vector<16xf32>,
      %gather3A_266 = tpu.vector_load_idx %arg7[%add3A_264] : memref<65536xi32, #tpu.memory_space<vmem>>[vector<16xi32>], vector<16xi32>,
      %mul3A_267 = arith.constant 16 : i32
      %mul3A_268 = vector.broadcast %mul3A_267 : i32 to vector<16xi32>
      %mul3A_269 = arith.muli %gather3A_266, %mul3A_268 : vector<16xi32>
      %add3A_270 = arith.constant 0 : i32
      %add3A_271 = vector.broadcast %add3A_270 : i32 to vector<16xi32>
      %add3A_272 = arith.addi %mul3A_269, %add3A_271 : vector<16xi32>
      %gather3A_273 = tpu.vector_load_idx %arg7[%add3A_272] : memref<65536xi32, #tpu.memory_space<vmem>>[vector<16xi32>], vector<16xi32>,
      %eq3A_274 = arith.cmpi eq, %gather3A_273, %add3A_35 : vector<16xi32>
      %mul3A_275 = arith.constant 16 : i32
      %mul3A_276 = vector.broadcast %mul3A_275 : i32 to vector<16xi32>
      %mul3A_277 = arith.muli %gather3A_266, %mul3A_276 : vector<16xi32>
      %add3A_278 = arith.constant 1 : i32
      %add3A_279 = vector.broadcast %add3A_278 : i32 to vector<16xi32>
      %add3A_280 = arith.addi %mul3A_277, %add3A_279 : vector<16xi32>
      %gather3A_281 = tpu.vector_load_idx %arg7[%add3A_280] : memref<65536xi32, #tpu.memory_space<vmem>>[vector<16xi32>], vector<16xi32>,
      %eq3A_282 = arith.cmpi eq, %gather3A_281, %add3A_35 : vector<16xi32>
      %or3A_283 = arith.ori %eq3A_274, %eq3A_282 : vector<16xi1>
      %mul3A_284 = arith.constant 16 : i32
      %mul3A_285 = vector.broadcast %mul3A_284 : i32 to vector<16xi32>
      %mul3A_286 = arith.muli %gather3A_266, %mul3A_285 : vector<16xi32>
      %add3A_287 = arith.constant 2 : i32
      %add3A_288 = vector.broadcast %add3A_287 : i32 to vector<16xi32>
      %add3A_289 = arith.addi %mul3A_286, %add3A_288 : vector<16xi32>
      %gather3A_290 = tpu.vector_load_idx %arg7[%add3A_289] : memref<65536xi32, #tpu.memory_space<vmem>>[vector<16xi32>], vector<16xi32>,
      %eq3A_291 = arith.cmpi eq, %gather3A_290, %add3A_35 : vector<16xi32>
      %or3A_292 = arith.ori %or3A_283, %eq3A_291 : vector<16xi1>
      %mul3A_293 = arith.constant 16 : i32
      %mul3A_294 = vector.broadcast %mul3A_293 : i32 to vector<16xi32>
      %mul3A_295 = arith.muli %gather3A_266, %mul3A_294 : vector<16xi32>
      %add3A_296 = arith.constant 3 : i32
      %add3A_297 = vector.broadcast %add3A_296 : i32 to vector<16xi32>
      %add3A_298 = arith.addi %mul3A_295, %add3A_297 : vector<16xi32>
      %gather3A_299 = tpu.vector_load_idx %arg7[%add3A_298] : memref<65536xi32, #tpu.memory_space<vmem>>[vector<16xi32>], vector<16xi32>,
      %eq3A_300 = arith.cmpi eq, %gather3A_299, %add3A_35 : vector<16xi32>
      %or3A_301 = arith.ori %or3A_292, %eq3A_300 : vector<16xi1>
      %mul3A_302 = arith.constant 16 : i32
      %mul3A_303 = vector.broadcast %mul3A_302 : i32 to vector<16xi32>
      %mul3A_304 = arith.muli %gather3A_266, %mul3A_303 : vector<16xi32>
      %add3A_305 = arith.constant 4 : i32
      %add3A_306 = vector.broadcast %add3A_305 : i32 to vector<16xi32>
      %add3A_307 = arith.addi %mul3A_304, %add3A_306 : vector<16xi32>
      %gather3A_308 = tpu.vector_load_idx %arg7[%add3A_307] : memref<65536xi32, #tpu.memory_space<vmem>>[vector<16xi32>], vector<16xi32>,
      %eq3A_309 = arith.cmpi eq, %gather3A_308, %add3A_35 : vector<16xi32>
      %or3A_310 = arith.ori %or3A_301, %eq3A_309 : vector<16xi1>
      %mul3A_311 = arith.constant 16 : i32
      %mul3A_312 = vector.broadcast %mul3A_311 : i32 to vector<16xi32>
      %mul3A_313 = arith.muli %gather3A_266, %mul3A_312 : vector<16xi32>
      %add3A_314 = arith.constant 5 : i32
      %add3A_315 = vector.broadcast %add3A_314 : i32 to vector<16xi32>
      %add3A_316 = arith.addi %mul3A_313, %add3A_315 : vector<16xi32>
      %gather3A_317 = tpu.vector_load_idx %arg7[%add3A_316] : memref<65536xi32, #tpu.memory_space<vmem>>[vector<16xi32>], vector<16xi32>,
      %eq3A_318 = arith.cmpi eq, %gather3A_317, %add3A_35 : vector<16xi32>
      %or3A_319 = arith.ori %or3A_310, %eq3A_318 : vector<16xi1>
      %mul3A_320 = arith.constant 16 : i32
      %mul3A_321 = vector.broadcast %mul3A_320 : i32 to vector<16xi32>
      %mul3A_322 = arith.muli %gather3A_266, %mul3A_321 : vector<16xi32>
      %add3A_323 = arith.constant 6 : i32
      %add3A_324 = vector.broadcast %add3A_323 : i32 to vector<16xi32>
      %add3A_325 = arith.addi %mul3A_322, %add3A_324 : vector<16xi32>
      %gather3A_326 = tpu.vector_load_idx %arg7[%add3A_325] : memref<65536xi32, #tpu.memory_space<vmem>>[vector<16xi32>], vector<16xi32>,
      %eq3A_327 = arith.cmpi eq, %gather3A_326, %add3A_35 : vector<16xi32>
      %or3A_328 = arith.ori %or3A_319, %eq3A_327 : vector<16xi1>
      %mul3A_329 = arith.constant 16 : i32
      %mul3A_330 = vector.broadcast %mul3A_329 : i32 to vector<16xi32>
      %mul3A_331 = arith.muli %gather3A_266, %mul3A_330 : vector<16xi32>
      %add3A_332 = arith.constant 7 : i32
      %add3A_333 = vector.broadcast %add3A_332 : i32 to vector<16xi32>
      %add3A_334 = arith.addi %mul3A_331, %add3A_333 : vector<16xi32>
      %gather3A_335 = tpu.vector_load_idx %arg7[%add3A_334] : memref<65536xi32, #tpu.memory_space<vmem>>[vector<16xi32>], vector<16xi32>,
      %eq3A_336 = arith.cmpi eq, %gather3A_335, %add3A_35 : vector<16xi32>
      %or3A_337 = arith.ori %or3A_328, %eq3A_336 : vector<16xi1>
      %mul3A_338 = arith.constant 16 : i32
      %mul3A_339 = vector.broadcast %mul3A_338 : i32 to vector<16xi32>
      %mul3A_340 = arith.muli %gather3A_266, %mul3A_339 : vector<16xi32>
      %add3A_341 = arith.constant 8 : i32
      %add3A_342 = vector.broadcast %add3A_341 : i32 to vector<16xi32>
      %add3A_343 = arith.addi %mul3A_340, %add3A_342 : vector<16xi32>
      %gather3A_344 = tpu.vector_load_idx %arg7[%add3A_343] : memref<65536xi32, #tpu.memory_space<vmem>>[vector<16xi32>], vector<16xi32>,
      %eq3A_345 = arith.cmpi eq, %gather3A_344, %add3A_35 : vector<16xi32>
      %or3A_346 = arith.ori %or3A_337, %eq3A_345 : vector<16xi1>
      %mul3A_347 = arith.constant 16 : i32
      %mul3A_348 = vector.broadcast %mul3A_347 : i32 to vector<16xi32>
      %mul3A_349 = arith.muli %gather3A_266, %mul3A_348 : vector<16xi32>
      %add3A_350 = arith.constant 9 : i32
      %add3A_351 = vector.broadcast %add3A_350 : i32 to vector<16xi32>
      %add3A_352 = arith.addi %mul3A_349, %add3A_351 : vector<16xi32>
      %gather3A_353 = tpu.vector_load_idx %arg7[%add3A_352] : memref<65536xi32, #tpu.memory_space<vmem>>[vector<16xi32>], vector<16xi32>,
      %eq3A_354 = arith.cmpi eq, %gather3A_353, %add3A_35 : vector<16xi32>
      %or3A_355 = arith.ori %or3A_346, %eq3A_354 : vector<16xi1>
      %jit3A_356 = arith.constant 0.000000e+00 : f32
      %broadcast_in_dim3A_357 = vector.broadcast %jit3A_356 : f32 to vector<16xf32>
      %select_n3A_358 = arith.select %or3A_355, %broadcast_in_dim3A_357, %gather3A_265 : vector<16xi1>, vector<16xf32>
      %add3A_359 = arith.addf %add3A_250, %select_n3A_358 : vector<16xf32>
      %mul3A_360 = arith.constant 256 : i32
      %mul3A_361 = arith.muli %scan3A_29, %mul3A_360 : i32
      %mul3A_362 = arith.constant 16 : i32
      %mul3A_363 = vector.broadcast %mul3A_362 : i32 to vector<16xi32>
      %mul3A_364 = arith.muli %iota3A, %mul3A_363 : vector<16xi32>
      %add3A_365 = vector.broadcast %mul3A_361 : i32 to vector<16xi32>
      %add3A_366 = arith.addi %add3A_365, %mul3A_364 : vector<16xi32>
      %add3A_367 = arith.constant 3 : i32
      %add3A_368 = vector.broadcast %add3A_367 : i32 to vector<16xi32>
      %add3A_369 = arith.addi %add3A_366, %add3A_368 : vector<16xi32>
      %mul3A_370 = arith.constant 4096 : i32
      %mul3A_371 = arith.muli %arg1, %mul3A_370 : i32
      %add3A_372 = vector.broadcast %mul3A_371 : i32 to vector<16xi32>
      %add3A_373 = arith.addi %add3A_372, %add3A_369 : vector<16xi32>
      %gather3A_374 = tpu.vector_load_idx %arg9[%add3A_369] : memref<4096xf32, #tpu.memory_space<vmem>>[vector<16xi32>], vector<16xf32>,
      %gather3A_375 = tpu.vector_load_idx %arg7[%add3A_373] : memref<65536xi32, #tpu.memory_space<vmem>>[vector<16xi32>], vector<16xi32>,
      %mul3A_376 = arith.constant 16 : i32
      %mul3A_377 = vector.broadcast %mul3A_376 : i32 to vector<16xi32>
      %mul3A_378 = arith.muli %gather3A_375, %mul3A_377 : vector<16xi32>
      %add3A_379 = arith.constant 0 : i32
      %add3A_380 = vector.broadcast %add3A_379 : i32 to vector<16xi32>
      %add3A_381 = arith.addi %mul3A_378, %add3A_380 : vector<16xi32>
      %gather3A_382 = tpu.vector_load_idx %arg7[%add3A_381] : memref<65536xi32, #tpu.memory_space<vmem>>[vector<16xi32>], vector<16xi32>,
      %eq3A_383 = arith.cmpi eq, %gather3A_382, %add3A_35 : vector<16xi32>
      %mul3A_384 = arith.constant 16 : i32
      %mul3A_385 = vector.broadcast %mul3A_384 : i32 to vector<16xi32>
      %mul3A_386 = arith.muli %gather3A_375, %mul3A_385 : vector<16xi32>
      %add3A_387 = arith.constant 1 : i32
      %add3A_388 = vector.broadcast %add3A_387 : i32 to vector<16xi32>
      %add3A_389 = arith.addi %mul3A_386, %add3A_388 : vector<16xi32>
      %gather3A_390 = tpu.vector_load_idx %arg7[%add3A_389] : memref<65536xi32, #tpu.memory_space<vmem>>[vector<16xi32>], vector<16xi32>,
      %eq3A_391 = arith.cmpi eq, %gather3A_390, %add3A_35 : vector<16xi32>
      %or3A_392 = arith.ori %eq3A_383, %eq3A_391 : vector<16xi1>
      %mul3A_393 = arith.constant 16 : i32
      %mul3A_394 = vector.broadcast %mul3A_393 : i32 to vector<16xi32>
      %mul3A_395 = arith.muli %gather3A_375, %mul3A_394 : vector<16xi32>
      %add3A_396 = arith.constant 2 : i32
      %add3A_397 = vector.broadcast %add3A_396 : i32 to vector<16xi32>
      %add3A_398 = arith.addi %mul3A_395, %add3A_397 : vector<16xi32>
      %gather3A_399 = tpu.vector_load_idx %arg7[%add3A_398] : memref<65536xi32, #tpu.memory_space<vmem>>[vector<16xi32>], vector<16xi32>,
      %eq3A_400 = arith.cmpi eq, %gather3A_399, %add3A_35 : vector<16xi32>
      %or3A_401 = arith.ori %or3A_392, %eq3A_400 : vector<16xi1>
      %mul3A_402 = arith.constant 16 : i32
      %mul3A_403 = vector.broadcast %mul3A_402 : i32 to vector<16xi32>
      %mul3A_404 = arith.muli %gather3A_375, %mul3A_403 : vector<16xi32>
      %add3A_405 = arith.constant 3 : i32
      %add3A_406 = vector.broadcast %add3A_405 : i32 to vector<16xi32>
      %add3A_407 = arith.addi %mul3A_404, %add3A_406 : vector<16xi32>
      %gather3A_408 = tpu.vector_load_idx %arg7[%add3A_407] : memref<65536xi32, #tpu.memory_space<vmem>>[vector<16xi32>], vector<16xi32>,
      %eq3A_409 = arith.cmpi eq, %gather3A_408, %add3A_35 : vector<16xi32>
      %or3A_410 = arith.ori %or3A_401, %eq3A_409 : vector<16xi1>
      %mul3A_411 = arith.constant 16 : i32
      %mul3A_412 = vector.broadcast %mul3A_411 : i32 to vector<16xi32>
      %mul3A_413 = arith.muli %gather3A_375, %mul3A_412 : vector<16xi32>
      %add3A_414 = arith.constant 4 : i32
      %add3A_415 = vector.broadcast %add3A_414 : i32 to vector<16xi32>
      %add3A_416 = arith.addi %mul3A_413, %add3A_415 : vector<16xi32>
      %gather3A_417 = tpu.vector_load_idx %arg7[%add3A_416] : memref<65536xi32, #tpu.memory_space<vmem>>[vector<16xi32>], vector<16xi32>,
      %eq3A_418 = arith.cmpi eq, %gather3A_417, %add3A_35 : vector<16xi32>
      %or3A_419 = arith.ori %or3A_410, %eq3A_418 : vector<16xi1>
      %mul3A_420 = arith.constant 16 : i32
      %mul3A_421 = vector.broadcast %mul3A_420 : i32 to vector<16xi32>
      %mul3A_422 = arith.muli %gather3A_375, %mul3A_421 : vector<16xi32>
      %add3A_423 = arith.constant 5 : i32
      %add3A_424 = vector.broadcast %add3A_423 : i32 to vector<16xi32>
      %add3A_425 = arith.addi %mul3A_422, %add3A_424 : vector<16xi32>
      %gather3A_426 = tpu.vector_load_idx %arg7[%add3A_425] : memref<65536xi32, #tpu.memory_space<vmem>>[vector<16xi32>], vector<16xi32>,
      %eq3A_427 = arith.cmpi eq, %gather3A_426, %add3A_35 : vector<16xi32>
      %or3A_428 = arith.ori %or3A_419, %eq3A_427 : vector<16xi1>
      %mul3A_429 = arith.constant 16 : i32
      %mul3A_430 = vector.broadcast %mul3A_429 : i32 to vector<16xi32>
      %mul3A_431 = arith.muli %gather3A_375, %mul3A_430 : vector<16xi32>
      %add3A_432 = arith.constant 6 : i32
      %add3A_433 = vector.broadcast %add3A_432 : i32 to vector<16xi32>
      %add3A_434 = arith.addi %mul3A_431, %add3A_433 : vector<16xi32>
      %gather3A_435 = tpu.vector_load_idx %arg7[%add3A_434] : memref<65536xi32, #tpu.memory_space<vmem>>[vector<16xi32>], vector<16xi32>,
      %eq3A_436 = arith.cmpi eq, %gather3A_435, %add3A_35 : vector<16xi32>
      %or3A_437 = arith.ori %or3A_428, %eq3A_436 : vector<16xi1>
      %mul3A_438 = arith.constant 16 : i32
      %mul3A_439 = vector.broadcast %mul3A_438 : i32 to vector<16xi32>
      %mul3A_440 = arith.muli %gather3A_375, %mul3A_439 : vector<16xi32>
      %add3A_441 = arith.constant 7 : i32
      %add3A_442 = vector.broadcast %add3A_441 : i32 to vector<16xi32>
      %add3A_443 = arith.addi %mul3A_440, %add3A_442 : vector<16xi32>
      %gather3A_444 = tpu.vector_load_idx %arg7[%add3A_443] : memref<65536xi32, #tpu.memory_space<vmem>>[vector<16xi32>], vector<16xi32>,
      %eq3A_445 = arith.cmpi eq, %gather3A_444, %add3A_35 : vector<16xi32>
      %or3A_446 = arith.ori %or3A_437, %eq3A_445 : vector<16xi1>
      %mul3A_447 = arith.constant 16 : i32
      %mul3A_448 = vector.broadcast %mul3A_447 : i32 to vector<16xi32>
      %mul3A_449 = arith.muli %gather3A_375, %mul3A_448 : vector<16xi32>
      %add3A_450 = arith.constant 8 : i32
      %add3A_451 = vector.broadcast %add3A_450 : i32 to vector<16xi32>
      %add3A_452 = arith.addi %mul3A_449, %add3A_451 : vector<16xi32>
      %gather3A_453 = tpu.vector_load_idx %arg7[%add3A_452] : memref<65536xi32, #tpu.memory_space<vmem>>[vector<16xi32>], vector<16xi32>,
      %eq3A_454 = arith.cmpi eq, %gather3A_453, %add3A_35 : vector<16xi32>
      %or3A_455 = arith.ori %or3A_446, %eq3A_454 : vector<16xi1>
      %mul3A_456 = arith.constant 16 : i32
      %mul3A_457 = vector.broadcast %mul3A_456 : i32 to vector<16xi32>
      %mul3A_458 = arith.muli %gather3A_375, %mul3A_457 : vector<16xi32>
      %add3A_459 = arith.constant 9 : i32
      %add3A_460 = vector.broadcast %add3A_459 : i32 to vector<16xi32>
      %add3A_461 = arith.addi %mul3A_458, %add3A_460 : vector<16xi32>
      %gather3A_462 = tpu.vector_load_idx %arg7[%add3A_461] : memref<65536xi32, #tpu.memory_space<vmem>>[vector<16xi32>], vector<16xi32>,
      %eq3A_463 = arith.cmpi eq, %gather3A_462, %add3A_35 : vector<16xi32>
      %or3A_464 = arith.ori %or3A_455, %eq3A_463 : vector<16xi1>
      %jit3A_465 = arith.constant 0.000000e+00 : f32
      %broadcast_in_dim3A_466 = vector.broadcast %jit3A_465 : f32 to vector<16xf32>
      %select_n3A_467 = arith.select %or3A_464, %broadcast_in_dim3A_466, %gather3A_374 : vector<16xi1>, vector<16xf32>
      %add3A_468 = arith.addf %add3A_359, %select_n3A_467 : vector<16xf32>
      %mul3A_469 = arith.constant 256 : i32
      %mul3A_470 = arith.muli %scan3A_29, %mul3A_469 : i32
      %mul3A_471 = arith.constant 16 : i32
      %mul3A_472 = vector.broadcast %mul3A_471 : i32 to vector<16xi32>
      %mul3A_473 = arith.muli %iota3A, %mul3A_472 : vector<16xi32>
      %add3A_474 = vector.broadcast %mul3A_470 : i32 to vector<16xi32>
      %add3A_475 = arith.addi %add3A_474, %mul3A_473 : vector<16xi32>
      %add3A_476 = arith.constant 4 : i32
      %add3A_477 = vector.broadcast %add3A_476 : i32 to vector<16xi32>
      %add3A_478 = arith.addi %add3A_475, %add3A_477 : vector<16xi32>
      %mul3A_479 = arith.constant 4096 : i32
      %mul3A_480 = arith.muli %arg1, %mul3A_479 : i32
      %add3A_481 = vector.broadcast %mul3A_480 : i32 to vector<16xi32>
      %add3A_482 = arith.addi %add3A_481, %add3A_478 : vector<16xi32>
      %gather3A_483 = tpu.vector_load_idx %arg9[%add3A_478] : memref<4096xf32, #tpu.memory_space<vmem>>[vector<16xi32>], vector<16xf32>,
      %gather3A_484 = tpu.vector_load_idx %arg7[%add3A_482] : memref<65536xi32, #tpu.memory_space<vmem>>[vector<16xi32>], vector<16xi32>,
      %mul3A_485 = arith.constant 16 : i32
      %mul3A_486 = vector.broadcast %mul3A_485 : i32 to vector<16xi32>
      %mul3A_487 = arith.muli %gather3A_484, %mul3A_486 : vector<16xi32>
      %add3A_488 = arith.constant 0 : i32
      %add3A_489 = vector.broadcast %add3A_488 : i32 to vector<16xi32>
      %add3A_490 = arith.addi %mul3A_487, %add3A_489 : vector<16xi32>
      %gather3A_491 = tpu.vector_load_idx %arg7[%add3A_490] : memref<65536xi32, #tpu.memory_space<vmem>>[vector<16xi32>], vector<16xi32>,
      %eq3A_492 = arith.cmpi eq, %gather3A_491, %add3A_35 : vector<16xi32>
      %mul3A_493 = arith.constant 16 : i32
      %mul3A_494 = vector.broadcast %mul3A_493 : i32 to vector<16xi32>
      %mul3A_495 = arith.muli %gather3A_484, %mul3A_494 : vector<16xi32>
      %add3A_496 = arith.constant 1 : i32
      %add3A_497 = vector.broadcast %add3A_496 : i32 to vector<16xi32>
      %add3A_498 = arith.addi %mul3A_495, %add3A_497 : vector<16xi32>
      %gather3A_499 = tpu.vector_load_idx %arg7[%add3A_498] : memref<65536xi32, #tpu.memory_space<vmem>>[vector<16xi32>], vector<16xi32>,
      %eq3A_500 = arith.cmpi eq, %gather3A_499, %add3A_35 : vector<16xi32>
      %or3A_501 = arith.ori %eq3A_492, %eq3A_500 : vector<16xi1>
      %mul3A_502 = arith.constant 16 : i32
      %mul3A_503 = vector.broadcast %mul3A_502 : i32 to vector<16xi32>
      %mul3A_504 = arith.muli %gather3A_484, %mul3A_503 : vector<16xi32>
      %add3A_505 = arith.constant 2 : i32
      %add3A_506 = vector.broadcast %add3A_505 : i32 to vector<16xi32>
      %add3A_507 = arith.addi %mul3A_504, %add3A_506 : vector<16xi32>
      %gather3A_508 = tpu.vector_load_idx %arg7[%add3A_507] : memref<65536xi32, #tpu.memory_space<vmem>>[vector<16xi32>], vector<16xi32>,
      %eq3A_509 = arith.cmpi eq, %gather3A_508, %add3A_35 : vector<16xi32>
      %or3A_510 = arith.ori %or3A_501, %eq3A_509 : vector<16xi1>
      %mul3A_511 = arith.constant 16 : i32
      %mul3A_512 = vector.broadcast %mul3A_511 : i32 to vector<16xi32>
      %mul3A_513 = arith.muli %gather3A_484, %mul3A_512 : vector<16xi32>
      %add3A_514 = arith.constant 3 : i32
      %add3A_515 = vector.broadcast %add3A_514 : i32 to vector<16xi32>
      %add3A_516 = arith.addi %mul3A_513, %add3A_515 : vector<16xi32>
      %gather3A_517 = tpu.vector_load_idx %arg7[%add3A_516] : memref<65536xi32, #tpu.memory_space<vmem>>[vector<16xi32>], vector<16xi32>,
      %eq3A_518 = arith.cmpi eq, %gather3A_517, %add3A_35 : vector<16xi32>
      %or3A_519 = arith.ori %or3A_510, %eq3A_518 : vector<16xi1>
      %mul3A_520 = arith.constant 16 : i32
      %mul3A_521 = vector.broadcast %mul3A_520 : i32 to vector<16xi32>
      %mul3A_522 = arith.muli %gather3A_484, %mul3A_521 : vector<16xi32>
      %add3A_523 = arith.constant 4 : i32
      %add3A_524 = vector.broadcast %add3A_523 : i32 to vector<16xi32>
      %add3A_525 = arith.addi %mul3A_522, %add3A_524 : vector<16xi32>
      %gather3A_526 = tpu.vector_load_idx %arg7[%add3A_525] : memref<65536xi32, #tpu.memory_space<vmem>>[vector<16xi32>], vector<16xi32>,
      %eq3A_527 = arith.cmpi eq, %gather3A_526, %add3A_35 : vector<16xi32>
      %or3A_528 = arith.ori %or3A_519, %eq3A_527 : vector<16xi1>
      %mul3A_529 = arith.constant 16 : i32
      %mul3A_530 = vector.broadcast %mul3A_529 : i32 to vector<16xi32>
      %mul3A_531 = arith.muli %gather3A_484, %mul3A_530 : vector<16xi32>
      %add3A_532 = arith.constant 5 : i32
      %add3A_533 = vector.broadcast %add3A_532 : i32 to vector<16xi32>
      %add3A_534 = arith.addi %mul3A_531, %add3A_533 : vector<16xi32>
      %gather3A_535 = tpu.vector_load_idx %arg7[%add3A_534] : memref<65536xi32, #tpu.memory_space<vmem>>[vector<16xi32>], vector<16xi32>,
      %eq3A_536 = arith.cmpi eq, %gather3A_535, %add3A_35 : vector<16xi32>
      %or3A_537 = arith.ori %or3A_528, %eq3A_536 : vector<16xi1>
      %mul3A_538 = arith.constant 16 : i32
      %mul3A_539 = vector.broadcast %mul3A_538 : i32 to vector<16xi32>
      %mul3A_540 = arith.muli %gather3A_484, %mul3A_539 : vector<16xi32>
      %add3A_541 = arith.constant 6 : i32
      %add3A_542 = vector.broadcast %add3A_541 : i32 to vector<16xi32>
      %add3A_543 = arith.addi %mul3A_540, %add3A_542 : vector<16xi32>
      %gather3A_544 = tpu.vector_load_idx %arg7[%add3A_543] : memref<65536xi32, #tpu.memory_space<vmem>>[vector<16xi32>], vector<16xi32>,
      %eq3A_545 = arith.cmpi eq, %gather3A_544, %add3A_35 : vector<16xi32>
      %or3A_546 = arith.ori %or3A_537, %eq3A_545 : vector<16xi1>
      %mul3A_547 = arith.constant 16 : i32
      %mul3A_548 = vector.broadcast %mul3A_547 : i32 to vector<16xi32>
      %mul3A_549 = arith.muli %gather3A_484, %mul3A_548 : vector<16xi32>
      %add3A_550 = arith.constant 7 : i32
      %add3A_551 = vector.broadcast %add3A_550 : i32 to vector<16xi32>
      %add3A_552 = arith.addi %mul3A_549, %add3A_551 : vector<16xi32>
      %gather3A_553 = tpu.vector_load_idx %arg7[%add3A_552] : memref<65536xi32, #tpu.memory_space<vmem>>[vector<16xi32>], vector<16xi32>,
      %eq3A_554 = arith.cmpi eq, %gather3A_553, %add3A_35 : vector<16xi32>
      %or3A_555 = arith.ori %or3A_546, %eq3A_554 : vector<16xi1>
      %mul3A_556 = arith.constant 16 : i32
      %mul3A_557 = vector.broadcast %mul3A_556 : i32 to vector<16xi32>
      %mul3A_558 = arith.muli %gather3A_484, %mul3A_557 : vector<16xi32>
      %add3A_559 = arith.constant 8 : i32
      %add3A_560 = vector.broadcast %add3A_559 : i32 to vector<16xi32>
      %add3A_561 = arith.addi %mul3A_558, %add3A_560 : vector<16xi32>
      %gather3A_562 = tpu.vector_load_idx %arg7[%add3A_561] : memref<65536xi32, #tpu.memory_space<vmem>>[vector<16xi32>], vector<16xi32>,
      %eq3A_563 = arith.cmpi eq, %gather3A_562, %add3A_35 : vector<16xi32>
      %or3A_564 = arith.ori %or3A_555, %eq3A_563 : vector<16xi1>
      %mul3A_565 = arith.constant 16 : i32
      %mul3A_566 = vector.broadcast %mul3A_565 : i32 to vector<16xi32>
      %mul3A_567 = arith.muli %gather3A_484, %mul3A_566 : vector<16xi32>
      %add3A_568 = arith.constant 9 : i32
      %add3A_569 = vector.broadcast %add3A_568 : i32 to vector<16xi32>
      %add3A_570 = arith.addi %mul3A_567, %add3A_569 : vector<16xi32>
      %gather3A_571 = tpu.vector_load_idx %arg7[%add3A_570] : memref<65536xi32, #tpu.memory_space<vmem>>[vector<16xi32>], vector<16xi32>,
      %eq3A_572 = arith.cmpi eq, %gather3A_571, %add3A_35 : vector<16xi32>
      %or3A_573 = arith.ori %or3A_564, %eq3A_572 : vector<16xi1>
      %jit3A_574 = arith.constant 0.000000e+00 : f32
      %broadcast_in_dim3A_575 = vector.broadcast %jit3A_574 : f32 to vector<16xf32>
      %select_n3A_576 = arith.select %or3A_573, %broadcast_in_dim3A_575, %gather3A_483 : vector<16xi1>, vector<16xf32>
      %add3A_577 = arith.addf %add3A_468, %select_n3A_576 : vector<16xf32>
      %mul3A_578 = arith.constant 256 : i32
      %mul3A_579 = arith.muli %scan3A_29, %mul3A_578 : i32
      %mul3A_580 = arith.constant 16 : i32
      %mul3A_581 = vector.broadcast %mul3A_580 : i32 to vector<16xi32>
      %mul3A_582 = arith.muli %iota3A, %mul3A_581 : vector<16xi32>
      %add3A_583 = vector.broadcast %mul3A_579 : i32 to vector<16xi32>
      %add3A_584 = arith.addi %add3A_583, %mul3A_582 : vector<16xi32>
      %add3A_585 = arith.constant 5 : i32
      %add3A_586 = vector.broadcast %add3A_585 : i32 to vector<16xi32>
      %add3A_587 = arith.addi %add3A_584, %add3A_586 : vector<16xi32>
      %mul3A_588 = arith.constant 4096 : i32
      %mul3A_589 = arith.muli %arg1, %mul3A_588 : i32
      %add3A_590 = vector.broadcast %mul3A_589 : i32 to vector<16xi32>
      %add3A_591 = arith.addi %add3A_590, %add3A_587 : vector<16xi32>
      %gather3A_592 = tpu.vector_load_idx %arg9[%add3A_587] : memref<4096xf32, #tpu.memory_space<vmem>>[vector<16xi32>], vector<16xf32>,
      %gather3A_593 = tpu.vector_load_idx %arg7[%add3A_591] : memref<65536xi32, #tpu.memory_space<vmem>>[vector<16xi32>], vector<16xi32>,
      %mul3A_594 = arith.constant 16 : i32
      %mul3A_595 = vector.broadcast %mul3A_594 : i32 to vector<16xi32>
      %mul3A_596 = arith.muli %gather3A_593, %mul3A_595 : vector<16xi32>
      %add3A_597 = arith.constant 0 : i32
      %add3A_598 = vector.broadcast %add3A_597 : i32 to vector<16xi32>
      %add3A_599 = arith.addi %mul3A_596, %add3A_598 : vector<16xi32>
      %gather3A_600 = tpu.vector_load_idx %arg7[%add3A_599] : memref<65536xi32, #tpu.memory_space<vmem>>[vector<16xi32>], vector<16xi32>,
      %eq3A_601 = arith.cmpi eq, %gather3A_600, %add3A_35 : vector<16xi32>
      %mul3A_602 = arith.constant 16 : i32
      %mul3A_603 = vector.broadcast %mul3A_602 : i32 to vector<16xi32>
      %mul3A_604 = arith.muli %gather3A_593, %mul3A_603 : vector<16xi32>
      %add3A_605 = arith.constant 1 : i32
      %add3A_606 = vector.broadcast %add3A_605 : i32 to vector<16xi32>
      %add3A_607 = arith.addi %mul3A_604, %add3A_606 : vector<16xi32>
      %gather3A_608 = tpu.vector_load_idx %arg7[%add3A_607] : memref<65536xi32, #tpu.memory_space<vmem>>[vector<16xi32>], vector<16xi32>,
      %eq3A_609 = arith.cmpi eq, %gather3A_608, %add3A_35 : vector<16xi32>
      %or3A_610 = arith.ori %eq3A_601, %eq3A_609 : vector<16xi1>
      %mul3A_611 = arith.constant 16 : i32
      %mul3A_612 = vector.broadcast %mul3A_611 : i32 to vector<16xi32>
      %mul3A_613 = arith.muli %gather3A_593, %mul3A_612 : vector<16xi32>
      %add3A_614 = arith.constant 2 : i32
      %add3A_615 = vector.broadcast %add3A_614 : i32 to vector<16xi32>
      %add3A_616 = arith.addi %mul3A_613, %add3A_615 : vector<16xi32>
      %gather3A_617 = tpu.vector_load_idx %arg7[%add3A_616] : memref<65536xi32, #tpu.memory_space<vmem>>[vector<16xi32>], vector<16xi32>,
      %eq3A_618 = arith.cmpi eq, %gather3A_617, %add3A_35 : vector<16xi32>
      %or3A_619 = arith.ori %or3A_610, %eq3A_618 : vector<16xi1>
      %mul3A_620 = arith.constant 16 : i32
      %mul3A_621 = vector.broadcast %mul3A_620 : i32 to vector<16xi32>
      %mul3A_622 = arith.muli %gather3A_593, %mul3A_621 : vector<16xi32>
      %add3A_623 = arith.constant 3 : i32
      %add3A_624 = vector.broadcast %add3A_623 : i32 to vector<16xi32>
      %add3A_625 = arith.addi %mul3A_622, %add3A_624 : vector<16xi32>
      %gather3A_626 = tpu.vector_load_idx %arg7[%add3A_625] : memref<65536xi32, #tpu.memory_space<vmem>>[vector<16xi32>], vector<16xi32>,
      %eq3A_627 = arith.cmpi eq, %gather3A_626, %add3A_35 : vector<16xi32>
      %or3A_628 = arith.ori %or3A_619, %eq3A_627 : vector<16xi1>
      %mul3A_629 = arith.constant 16 : i32
      %mul3A_630 = vector.broadcast %mul3A_629 : i32 to vector<16xi32>
      %mul3A_631 = arith.muli %gather3A_593, %mul3A_630 : vector<16xi32>
      %add3A_632 = arith.constant 4 : i32
      %add3A_633 = vector.broadcast %add3A_632 : i32 to vector<16xi32>
      %add3A_634 = arith.addi %mul3A_631, %add3A_633 : vector<16xi32>
      %gather3A_635 = tpu.vector_load_idx %arg7[%add3A_634] : memref<65536xi32, #tpu.memory_space<vmem>>[vector<16xi32>], vector<16xi32>,
      %eq3A_636 = arith.cmpi eq, %gather3A_635, %add3A_35 : vector<16xi32>
      %or3A_637 = arith.ori %or3A_628, %eq3A_636 : vector<16xi1>
      %mul3A_638 = arith.constant 16 : i32
      %mul3A_639 = vector.broadcast %mul3A_638 : i32 to vector<16xi32>
      %mul3A_640 = arith.muli %gather3A_593, %mul3A_639 : vector<16xi32>
      %add3A_641 = arith.constant 5 : i32
      %add3A_642 = vector.broadcast %add3A_641 : i32 to vector<16xi32>
      %add3A_643 = arith.addi %mul3A_640, %add3A_642 : vector<16xi32>
      %gather3A_644 = tpu.vector_load_idx %arg7[%add3A_643] : memref<65536xi32, #tpu.memory_space<vmem>>[vector<16xi32>], vector<16xi32>,
      %eq3A_645 = arith.cmpi eq, %gather3A_644, %add3A_35 : vector<16xi32>
      %or3A_646 = arith.ori %or3A_637, %eq3A_645 : vector<16xi1>
      %mul3A_647 = arith.constant 16 : i32
      %mul3A_648 = vector.broadcast %mul3A_647 : i32 to vector<16xi32>
      %mul3A_649 = arith.muli %gather3A_593, %mul3A_648 : vector<16xi32>
      %add3A_650 = arith.constant 6 : i32
      %add3A_651 = vector.broadcast %add3A_650 : i32 to vector<16xi32>
      %add3A_652 = arith.addi %mul3A_649, %add3A_651 : vector<16xi32>
      %gather3A_653 = tpu.vector_load_idx %arg7[%add3A_652] : memref<65536xi32, #tpu.memory_space<vmem>>[vector<16xi32>], vector<16xi32>,
      %eq3A_654 = arith.cmpi eq, %gather3A_653, %add3A_35 : vector<16xi32>
      %or3A_655 = arith.ori %or3A_646, %eq3A_654 : vector<16xi1>
      %mul3A_656 = arith.constant 16 : i32
      %mul3A_657 = vector.broadcast %mul3A_656 : i32 to vector<16xi32>
      %mul3A_658 = arith.muli %gather3A_593, %mul3A_657 : vector<16xi32>
      %add3A_659 = arith.constant 7 : i32
      %add3A_660 = vector.broadcast %add3A_659 : i32 to vector<16xi32>
      %add3A_661 = arith.addi %mul3A_658, %add3A_660 : vector<16xi32>
      %gather3A_662 = tpu.vector_load_idx %arg7[%add3A_661] : memref<65536xi32, #tpu.memory_space<vmem>>[vector<16xi32>], vector<16xi32>,
      %eq3A_663 = arith.cmpi eq, %gather3A_662, %add3A_35 : vector<16xi32>
      %or3A_664 = arith.ori %or3A_655, %eq3A_663 : vector<16xi1>
      %mul3A_665 = arith.constant 16 : i32
      %mul3A_666 = vector.broadcast %mul3A_665 : i32 to vector<16xi32>
      %mul3A_667 = arith.muli %gather3A_593, %mul3A_666 : vector<16xi32>
      %add3A_668 = arith.constant 8 : i32
      %add3A_669 = vector.broadcast %add3A_668 : i32 to vector<16xi32>
      %add3A_670 = arith.addi %mul3A_667, %add3A_669 : vector<16xi32>
      %gather3A_671 = tpu.vector_load_idx %arg7[%add3A_670] : memref<65536xi32, #tpu.memory_space<vmem>>[vector<16xi32>], vector<16xi32>,
      %eq3A_672 = arith.cmpi eq, %gather3A_671, %add3A_35 : vector<16xi32>
      %or3A_673 = arith.ori %or3A_664, %eq3A_672 : vector<16xi1>
      %mul3A_674 = arith.constant 16 : i32
      %mul3A_675 = vector.broadcast %mul3A_674 : i32 to vector<16xi32>
      %mul3A_676 = arith.muli %gather3A_593, %mul3A_675 : vector<16xi32>
      %add3A_677 = arith.constant 9 : i32
      %add3A_678 = vector.broadcast %add3A_677 : i32 to vector<16xi32>
      %add3A_679 = arith.addi %mul3A_676, %add3A_678 : vector<16xi32>
      %gather3A_680 = tpu.vector_load_idx %arg7[%add3A_679] : memref<65536xi32, #tpu.memory_space<vmem>>[vector<16xi32>], vector<16xi32>,
      %eq3A_681 = arith.cmpi eq, %gather3A_680, %add3A_35 : vector<16xi32>
      %or3A_682 = arith.ori %or3A_673, %eq3A_681 : vector<16xi1>
      %jit3A_683 = arith.constant 0.000000e+00 : f32
      %broadcast_in_dim3A_684 = vector.broadcast %jit3A_683 : f32 to vector<16xf32>
      %select_n3A_685 = arith.select %or3A_682, %broadcast_in_dim3A_684, %gather3A_592 : vector<16xi1>, vector<16xf32>
      %add3A_686 = arith.addf %add3A_577, %select_n3A_685 : vector<16xf32>
      %mul3A_687 = arith.constant 256 : i32
      %mul3A_688 = arith.muli %scan3A_29, %mul3A_687 : i32
      %mul3A_689 = arith.constant 16 : i32
      %mul3A_690 = vector.broadcast %mul3A_689 : i32 to vector<16xi32>
      %mul3A_691 = arith.muli %iota3A, %mul3A_690 : vector<16xi32>
      %add3A_692 = vector.broadcast %mul3A_688 : i32 to vector<16xi32>
      %add3A_693 = arith.addi %add3A_692, %mul3A_691 : vector<16xi32>
      %add3A_694 = arith.constant 6 : i32
      %add3A_695 = vector.broadcast %add3A_694 : i32 to vector<16xi32>
      %add3A_696 = arith.addi %add3A_693, %add3A_695 : vector<16xi32>
      %mul3A_697 = arith.constant 4096 : i32
      %mul3A_698 = arith.muli %arg1, %mul3A_697 : i32
      %add3A_699 = vector.broadcast %mul3A_698 : i32 to vector<16xi32>
      %add3A_700 = arith.addi %add3A_699, %add3A_696 : vector<16xi32>
      %gather3A_701 = tpu.vector_load_idx %arg9[%add3A_696] : memref<4096xf32, #tpu.memory_space<vmem>>[vector<16xi32>], vector<16xf32>,
      %gather3A_702 = tpu.vector_load_idx %arg7[%add3A_700] : memref<65536xi32, #tpu.memory_space<vmem>>[vector<16xi32>], vector<16xi32>,
      %mul3A_703 = arith.constant 16 : i32
      %mul3A_704 = vector.broadcast %mul3A_703 : i32 to vector<16xi32>
      %mul3A_705 = arith.muli %gather3A_702, %mul3A_704 : vector<16xi32>
      %add3A_706 = arith.constant 0 : i32
      %add3A_707 = vector.broadcast %add3A_706 : i32 to vector<16xi32>
      %add3A_708 = arith.addi %mul3A_705, %add3A_707 : vector<16xi32>
      %gather3A_709 = tpu.vector_load_idx %arg7[%add3A_708] : memref<65536xi32, #tpu.memory_space<vmem>>[vector<16xi32>], vector<16xi32>,
      %eq3A_710 = arith.cmpi eq, %gather3A_709, %add3A_35 : vector<16xi32>
      %mul3A_711 = arith.constant 16 : i32
      %mul3A_712 = vector.broadcast %mul3A_711 : i32 to vector<16xi32>
      %mul3A_713 = arith.muli %gather3A_702, %mul3A_712 : vector<16xi32>
      %add3A_714 = arith.constant 1 : i32
      %add3A_715 = vector.broadcast %add3A_714 : i32 to vector<16xi32>
      %add3A_716 = arith.addi %mul3A_713, %add3A_715 : vector<16xi32>
      %gather3A_717 = tpu.vector_load_idx %arg7[%add3A_716] : memref<65536xi32, #tpu.memory_space<vmem>>[vector<16xi32>], vector<16xi32>,
      %eq3A_718 = arith.cmpi eq, %gather3A_717, %add3A_35 : vector<16xi32>
      %or3A_719 = arith.ori %eq3A_710, %eq3A_718 : vector<16xi1>
      %mul3A_720 = arith.constant 16 : i32
      %mul3A_721 = vector.broadcast %mul3A_720 : i32 to vector<16xi32>
      %mul3A_722 = arith.muli %gather3A_702, %mul3A_721 : vector<16xi32>
      %add3A_723 = arith.constant 2 : i32
      %add3A_724 = vector.broadcast %add3A_723 : i32 to vector<16xi32>
      %add3A_725 = arith.addi %mul3A_722, %add3A_724 : vector<16xi32>
      %gather3A_726 = tpu.vector_load_idx %arg7[%add3A_725] : memref<65536xi32, #tpu.memory_space<vmem>>[vector<16xi32>], vector<16xi32>,
      %eq3A_727 = arith.cmpi eq, %gather3A_726, %add3A_35 : vector<16xi32>
      %or3A_728 = arith.ori %or3A_719, %eq3A_727 : vector<16xi1>
      %mul3A_729 = arith.constant 16 : i32
      %mul3A_730 = vector.broadcast %mul3A_729 : i32 to vector<16xi32>
      %mul3A_731 = arith.muli %gather3A_702, %mul3A_730 : vector<16xi32>
      %add3A_732 = arith.constant 3 : i32
      %add3A_733 = vector.broadcast %add3A_732 : i32 to vector<16xi32>
      %add3A_734 = arith.addi %mul3A_731, %add3A_733 : vector<16xi32>
      %gather3A_735 = tpu.vector_load_idx %arg7[%add3A_734] : memref<65536xi32, #tpu.memory_space<vmem>>[vector<16xi32>], vector<16xi32>,
      %eq3A_736 = arith.cmpi eq, %gather3A_735, %add3A_35 : vector<16xi32>
      %or3A_737 = arith.ori %or3A_728, %eq3A_736 : vector<16xi1>
      %mul3A_738 = arith.constant 16 : i32
      %mul3A_739 = vector.broadcast %mul3A_738 : i32 to vector<16xi32>
      %mul3A_740 = arith.muli %gather3A_702, %mul3A_739 : vector<16xi32>
      %add3A_741 = arith.constant 4 : i32
      %add3A_742 = vector.broadcast %add3A_741 : i32 to vector<16xi32>
      %add3A_743 = arith.addi %mul3A_740, %add3A_742 : vector<16xi32>
      %gather3A_744 = tpu.vector_load_idx %arg7[%add3A_743] : memref<65536xi32, #tpu.memory_space<vmem>>[vector<16xi32>], vector<16xi32>,
      %eq3A_745 = arith.cmpi eq, %gather3A_744, %add3A_35 : vector<16xi32>
      %or3A_746 = arith.ori %or3A_737, %eq3A_745 : vector<16xi1>
      %mul3A_747 = arith.constant 16 : i32
      %mul3A_748 = vector.broadcast %mul3A_747 : i32 to vector<16xi32>
      %mul3A_749 = arith.muli %gather3A_702, %mul3A_748 : vector<16xi32>
      %add3A_750 = arith.constant 5 : i32
      %add3A_751 = vector.broadcast %add3A_750 : i32 to vector<16xi32>
      %add3A_752 = arith.addi %mul3A_749, %add3A_751 : vector<16xi32>
      %gather3A_753 = tpu.vector_load_idx %arg7[%add3A_752] : memref<65536xi32, #tpu.memory_space<vmem>>[vector<16xi32>], vector<16xi32>,
      %eq3A_754 = arith.cmpi eq, %gather3A_753, %add3A_35 : vector<16xi32>
      %or3A_755 = arith.ori %or3A_746, %eq3A_754 : vector<16xi1>
      %mul3A_756 = arith.constant 16 : i32
      %mul3A_757 = vector.broadcast %mul3A_756 : i32 to vector<16xi32>
      %mul3A_758 = arith.muli %gather3A_702, %mul3A_757 : vector<16xi32>
      %add3A_759 = arith.constant 6 : i32
      %add3A_760 = vector.broadcast %add3A_759 : i32 to vector<16xi32>
      %add3A_761 = arith.addi %mul3A_758, %add3A_760 : vector<16xi32>
      %gather3A_762 = tpu.vector_load_idx %arg7[%add3A_761] : memref<65536xi32, #tpu.memory_space<vmem>>[vector<16xi32>], vector<16xi32>,
      %eq3A_763 = arith.cmpi eq, %gather3A_762, %add3A_35 : vector<16xi32>
      %or3A_764 = arith.ori %or3A_755, %eq3A_763 : vector<16xi1>
      %mul3A_765 = arith.constant 16 : i32
      %mul3A_766 = vector.broadcast %mul3A_765 : i32 to vector<16xi32>
      %mul3A_767 = arith.muli %gather3A_702, %mul3A_766 : vector<16xi32>
      %add3A_768 = arith.constant 7 : i32
      %add3A_769 = vector.broadcast %add3A_768 : i32 to vector<16xi32>
      %add3A_770 = arith.addi %mul3A_767, %add3A_769 : vector<16xi32>
      %gather3A_771 = tpu.vector_load_idx %arg7[%add3A_770] : memref<65536xi32, #tpu.memory_space<vmem>>[vector<16xi32>], vector<16xi32>,
      %eq3A_772 = arith.cmpi eq, %gather3A_771, %add3A_35 : vector<16xi32>
      %or3A_773 = arith.ori %or3A_764, %eq3A_772 : vector<16xi1>
      %mul3A_774 = arith.constant 16 : i32
      %mul3A_775 = vector.broadcast %mul3A_774 : i32 to vector<16xi32>
      %mul3A_776 = arith.muli %gather3A_702, %mul3A_775 : vector<16xi32>
      %add3A_777 = arith.constant 8 : i32
      %add3A_778 = vector.broadcast %add3A_777 : i32 to vector<16xi32>
      %add3A_779 = arith.addi %mul3A_776, %add3A_778 : vector<16xi32>
      %gather3A_780 = tpu.vector_load_idx %arg7[%add3A_779] : memref<65536xi32, #tpu.memory_space<vmem>>[vector<16xi32>], vector<16xi32>,
      %eq3A_781 = arith.cmpi eq, %gather3A_780, %add3A_35 : vector<16xi32>
      %or3A_782 = arith.ori %or3A_773, %eq3A_781 : vector<16xi1>
      %mul3A_783 = arith.constant 16 : i32
      %mul3A_784 = vector.broadcast %mul3A_783 : i32 to vector<16xi32>
      %mul3A_785 = arith.muli %gather3A_702, %mul3A_784 : vector<16xi32>
      %add3A_786 = arith.constant 9 : i32
      %add3A_787 = vector.broadcast %add3A_786 : i32 to vector<16xi32>
      %add3A_788 = arith.addi %mul3A_785, %add3A_787 : vector<16xi32>
      %gather3A_789 = tpu.vector_load_idx %arg7[%add3A_788] : memref<65536xi32, #tpu.memory_space<vmem>>[vector<16xi32>], vector<16xi32>,
      %eq3A_790 = arith.cmpi eq, %gather3A_789, %add3A_35 : vector<16xi32>
      %or3A_791 = arith.ori %or3A_782, %eq3A_790 : vector<16xi1>
      %jit3A_792 = arith.constant 0.000000e+00 : f32
      %broadcast_in_dim3A_793 = vector.broadcast %jit3A_792 : f32 to vector<16xf32>
      %select_n3A_794 = arith.select %or3A_791, %broadcast_in_dim3A_793, %gather3A_701 : vector<16xi1>, vector<16xf32>
      %add3A_795 = arith.addf %add3A_686, %select_n3A_794 : vector<16xf32>
      %mul3A_796 = arith.constant 256 : i32
      %mul3A_797 = arith.muli %scan3A_29, %mul3A_796 : i32
      %mul3A_798 = arith.constant 16 : i32
      %mul3A_799 = vector.broadcast %mul3A_798 : i32 to vector<16xi32>
      %mul3A_800 = arith.muli %iota3A, %mul3A_799 : vector<16xi32>
      %add3A_801 = vector.broadcast %mul3A_797 : i32 to vector<16xi32>
      %add3A_802 = arith.addi %add3A_801, %mul3A_800 : vector<16xi32>
      %add3A_803 = arith.constant 7 : i32
      %add3A_804 = vector.broadcast %add3A_803 : i32 to vector<16xi32>
      %add3A_805 = arith.addi %add3A_802, %add3A_804 : vector<16xi32>
      %mul3A_806 = arith.constant 4096 : i32
      %mul3A_807 = arith.muli %arg1, %mul3A_806 : i32
      %add3A_808 = vector.broadcast %mul3A_807 : i32 to vector<16xi32>
      %add3A_809 = arith.addi %add3A_808, %add3A_805 : vector<16xi32>
      %gather3A_810 = tpu.vector_load_idx %arg9[%add3A_805] : memref<4096xf32, #tpu.memory_space<vmem>>[vector<16xi32>], vector<16xf32>,
      %gather3A_811 = tpu.vector_load_idx %arg7[%add3A_809] : memref<65536xi32, #tpu.memory_space<vmem>>[vector<16xi32>], vector<16xi32>,
      %mul3A_812 = arith.constant 16 : i32
      %mul3A_813 = vector.broadcast %mul3A_812 : i32 to vector<16xi32>
      %mul3A_814 = arith.muli %gather3A_811, %mul3A_813 : vector<16xi32>
      %add3A_815 = arith.constant 0 : i32
      %add3A_816 = vector.broadcast %add3A_815 : i32 to vector<16xi32>
      %add3A_817 = arith.addi %mul3A_814, %add3A_816 : vector<16xi32>
      %gather3A_818 = tpu.vector_load_idx %arg7[%add3A_817] : memref<65536xi32, #tpu.memory_space<vmem>>[vector<16xi32>], vector<16xi32>,
      %eq3A_819 = arith.cmpi eq, %gather3A_818, %add3A_35 : vector<16xi32>
      %mul3A_820 = arith.constant 16 : i32
      %mul3A_821 = vector.broadcast %mul3A_820 : i32 to vector<16xi32>
      %mul3A_822 = arith.muli %gather3A_811, %mul3A_821 : vector<16xi32>
      %add3A_823 = arith.constant 1 : i32
      %add3A_824 = vector.broadcast %add3A_823 : i32 to vector<16xi32>
      %add3A_825 = arith.addi %mul3A_822, %add3A_824 : vector<16xi32>
      %gather3A_826 = tpu.vector_load_idx %arg7[%add3A_825] : memref<65536xi32, #tpu.memory_space<vmem>>[vector<16xi32>], vector<16xi32>,
      %eq3A_827 = arith.cmpi eq, %gather3A_826, %add3A_35 : vector<16xi32>
      %or3A_828 = arith.ori %eq3A_819, %eq3A_827 : vector<16xi1>
      %mul3A_829 = arith.constant 16 : i32
      %mul3A_830 = vector.broadcast %mul3A_829 : i32 to vector<16xi32>
      %mul3A_831 = arith.muli %gather3A_811, %mul3A_830 : vector<16xi32>
      %add3A_832 = arith.constant 2 : i32
      %add3A_833 = vector.broadcast %add3A_832 : i32 to vector<16xi32>
      %add3A_834 = arith.addi %mul3A_831, %add3A_833 : vector<16xi32>
      %gather3A_835 = tpu.vector_load_idx %arg7[%add3A_834] : memref<65536xi32, #tpu.memory_space<vmem>>[vector<16xi32>], vector<16xi32>,
      %eq3A_836 = arith.cmpi eq, %gather3A_835, %add3A_35 : vector<16xi32>
      %or3A_837 = arith.ori %or3A_828, %eq3A_836 : vector<16xi1>
      %mul3A_838 = arith.constant 16 : i32
      %mul3A_839 = vector.broadcast %mul3A_838 : i32 to vector<16xi32>
      %mul3A_840 = arith.muli %gather3A_811, %mul3A_839 : vector<16xi32>
      %add3A_841 = arith.constant 3 : i32
      %add3A_842 = vector.broadcast %add3A_841 : i32 to vector<16xi32>
      %add3A_843 = arith.addi %mul3A_840, %add3A_842 : vector<16xi32>
      %gather3A_844 = tpu.vector_load_idx %arg7[%add3A_843] : memref<65536xi32, #tpu.memory_space<vmem>>[vector<16xi32>], vector<16xi32>,
      %eq3A_845 = arith.cmpi eq, %gather3A_844, %add3A_35 : vector<16xi32>
      %or3A_846 = arith.ori %or3A_837, %eq3A_845 : vector<16xi1>
      %mul3A_847 = arith.constant 16 : i32
      %mul3A_848 = vector.broadcast %mul3A_847 : i32 to vector<16xi32>
      %mul3A_849 = arith.muli %gather3A_811, %mul3A_848 : vector<16xi32>
      %add3A_850 = arith.constant 4 : i32
      %add3A_851 = vector.broadcast %add3A_850 : i32 to vector<16xi32>
      %add3A_852 = arith.addi %mul3A_849, %add3A_851 : vector<16xi32>
      %gather3A_853 = tpu.vector_load_idx %arg7[%add3A_852] : memref<65536xi32, #tpu.memory_space<vmem>>[vector<16xi32>], vector<16xi32>,
      %eq3A_854 = arith.cmpi eq, %gather3A_853, %add3A_35 : vector<16xi32>
      %or3A_855 = arith.ori %or3A_846, %eq3A_854 : vector<16xi1>
      %mul3A_856 = arith.constant 16 : i32
      %mul3A_857 = vector.broadcast %mul3A_856 : i32 to vector<16xi32>
      %mul3A_858 = arith.muli %gather3A_811, %mul3A_857 : vector<16xi32>
      %add3A_859 = arith.constant 5 : i32
      %add3A_860 = vector.broadcast %add3A_859 : i32 to vector<16xi32>
      %add3A_861 = arith.addi %mul3A_858, %add3A_860 : vector<16xi32>
      %gather3A_862 = tpu.vector_load_idx %arg7[%add3A_861] : memref<65536xi32, #tpu.memory_space<vmem>>[vector<16xi32>], vector<16xi32>,
      %eq3A_863 = arith.cmpi eq, %gather3A_862, %add3A_35 : vector<16xi32>
      %or3A_864 = arith.ori %or3A_855, %eq3A_863 : vector<16xi1>
      %mul3A_865 = arith.constant 16 : i32
      %mul3A_866 = vector.broadcast %mul3A_865 : i32 to vector<16xi32>
      %mul3A_867 = arith.muli %gather3A_811, %mul3A_866 : vector<16xi32>
      %add3A_868 = arith.constant 6 : i32
      %add3A_869 = vector.broadcast %add3A_868 : i32 to vector<16xi32>
      %add3A_870 = arith.addi %mul3A_867, %add3A_869 : vector<16xi32>
      %gather3A_871 = tpu.vector_load_idx %arg7[%add3A_870] : memref<65536xi32, #tpu.memory_space<vmem>>[vector<16xi32>], vector<16xi32>,
      %eq3A_872 = arith.cmpi eq, %gather3A_871, %add3A_35 : vector<16xi32>
      %or3A_873 = arith.ori %or3A_864, %eq3A_872 : vector<16xi1>
      %mul3A_874 = arith.constant 16 : i32
      %mul3A_875 = vector.broadcast %mul3A_874 : i32 to vector<16xi32>
      %mul3A_876 = arith.muli %gather3A_811, %mul3A_875 : vector<16xi32>
      %add3A_877 = arith.constant 7 : i32
      %add3A_878 = vector.broadcast %add3A_877 : i32 to vector<16xi32>
      %add3A_879 = arith.addi %mul3A_876, %add3A_878 : vector<16xi32>
      %gather3A_880 = tpu.vector_load_idx %arg7[%add3A_879] : memref<65536xi32, #tpu.memory_space<vmem>>[vector<16xi32>], vector<16xi32>,
      %eq3A_881 = arith.cmpi eq, %gather3A_880, %add3A_35 : vector<16xi32>
      %or3A_882 = arith.ori %or3A_873, %eq3A_881 : vector<16xi1>
      %mul3A_883 = arith.constant 16 : i32
      %mul3A_884 = vector.broadcast %mul3A_883 : i32 to vector<16xi32>
      %mul3A_885 = arith.muli %gather3A_811, %mul3A_884 : vector<16xi32>
      %add3A_886 = arith.constant 8 : i32
      %add3A_887 = vector.broadcast %add3A_886 : i32 to vector<16xi32>
      %add3A_888 = arith.addi %mul3A_885, %add3A_887 : vector<16xi32>
      %gather3A_889 = tpu.vector_load_idx %arg7[%add3A_888] : memref<65536xi32, #tpu.memory_space<vmem>>[vector<16xi32>], vector<16xi32>,
      %eq3A_890 = arith.cmpi eq, %gather3A_889, %add3A_35 : vector<16xi32>
      %or3A_891 = arith.ori %or3A_882, %eq3A_890 : vector<16xi1>
      %mul3A_892 = arith.constant 16 : i32
      %mul3A_893 = vector.broadcast %mul3A_892 : i32 to vector<16xi32>
      %mul3A_894 = arith.muli %gather3A_811, %mul3A_893 : vector<16xi32>
      %add3A_895 = arith.constant 9 : i32
      %add3A_896 = vector.broadcast %add3A_895 : i32 to vector<16xi32>
      %add3A_897 = arith.addi %mul3A_894, %add3A_896 : vector<16xi32>
      %gather3A_898 = tpu.vector_load_idx %arg7[%add3A_897] : memref<65536xi32, #tpu.memory_space<vmem>>[vector<16xi32>], vector<16xi32>,
      %eq3A_899 = arith.cmpi eq, %gather3A_898, %add3A_35 : vector<16xi32>
      %or3A_900 = arith.ori %or3A_891, %eq3A_899 : vector<16xi1>
      %jit3A_901 = arith.constant 0.000000e+00 : f32
      %broadcast_in_dim3A_902 = vector.broadcast %jit3A_901 : f32 to vector<16xf32>
      %select_n3A_903 = arith.select %or3A_900, %broadcast_in_dim3A_902, %gather3A_810 : vector<16xi1>, vector<16xf32>
      %add3A_904 = arith.addf %add3A_795, %select_n3A_903 : vector<16xf32>
      %mul3A_905 = arith.constant 256 : i32
      %mul3A_906 = arith.muli %scan3A_29, %mul3A_905 : i32
      %mul3A_907 = arith.constant 16 : i32
      %mul3A_908 = vector.broadcast %mul3A_907 : i32 to vector<16xi32>
      %mul3A_909 = arith.muli %iota3A, %mul3A_908 : vector<16xi32>
      %add3A_910 = vector.broadcast %mul3A_906 : i32 to vector<16xi32>
      %add3A_911 = arith.addi %add3A_910, %mul3A_909 : vector<16xi32>
      %add3A_912 = arith.constant 8 : i32
      %add3A_913 = vector.broadcast %add3A_912 : i32 to vector<16xi32>
      %add3A_914 = arith.addi %add3A_911, %add3A_913 : vector<16xi32>
      %mul3A_915 = arith.constant 4096 : i32
      %mul3A_916 = arith.muli %arg1, %mul3A_915 : i32
      %add3A_917 = vector.broadcast %mul3A_916 : i32 to vector<16xi32>
      %add3A_918 = arith.addi %add3A_917, %add3A_914 : vector<16xi32>
      %gather3A_919 = tpu.vector_load_idx %arg9[%add3A_914] : memref<4096xf32, #tpu.memory_space<vmem>>[vector<16xi32>], vector<16xf32>,
      %gather3A_920 = tpu.vector_load_idx %arg7[%add3A_918] : memref<65536xi32, #tpu.memory_space<vmem>>[vector<16xi32>], vector<16xi32>,
      %mul3A_921 = arith.constant 16 : i32
      %mul3A_922 = vector.broadcast %mul3A_921 : i32 to vector<16xi32>
      %mul3A_923 = arith.muli %gather3A_920, %mul3A_922 : vector<16xi32>
      %add3A_924 = arith.constant 0 : i32
      %add3A_925 = vector.broadcast %add3A_924 : i32 to vector<16xi32>
      %add3A_926 = arith.addi %mul3A_923, %add3A_925 : vector<16xi32>
      %gather3A_927 = tpu.vector_load_idx %arg7[%add3A_926] : memref<65536xi32, #tpu.memory_space<vmem>>[vector<16xi32>], vector<16xi32>,
      %eq3A_928 = arith.cmpi eq, %gather3A_927, %add3A_35 : vector<16xi32>
      %mul3A_929 = arith.constant 16 : i32
      %mul3A_930 = vector.broadcast %mul3A_929 : i32 to vector<16xi32>
      %mul3A_931 = arith.muli %gather3A_920, %mul3A_930 : vector<16xi32>
      %add3A_932 = arith.constant 1 : i32
      %add3A_933 = vector.broadcast %add3A_932 : i32 to vector<16xi32>
      %add3A_934 = arith.addi %mul3A_931, %add3A_933 : vector<16xi32>
      %gather3A_935 = tpu.vector_load_idx %arg7[%add3A_934] : memref<65536xi32, #tpu.memory_space<vmem>>[vector<16xi32>], vector<16xi32>,
      %eq3A_936 = arith.cmpi eq, %gather3A_935, %add3A_35 : vector<16xi32>
      %or3A_937 = arith.ori %eq3A_928, %eq3A_936 : vector<16xi1>
      %mul3A_938 = arith.constant 16 : i32
      %mul3A_939 = vector.broadcast %mul3A_938 : i32 to vector<16xi32>
      %mul3A_940 = arith.muli %gather3A_920, %mul3A_939 : vector<16xi32>
      %add3A_941 = arith.constant 2 : i32
      %add3A_942 = vector.broadcast %add3A_941 : i32 to vector<16xi32>
      %add3A_943 = arith.addi %mul3A_940, %add3A_942 : vector<16xi32>
      %gather3A_944 = tpu.vector_load_idx %arg7[%add3A_943] : memref<65536xi32, #tpu.memory_space<vmem>>[vector<16xi32>], vector<16xi32>,
      %eq3A_945 = arith.cmpi eq, %gather3A_944, %add3A_35 : vector<16xi32>
      %or3A_946 = arith.ori %or3A_937, %eq3A_945 : vector<16xi1>
      %mul3A_947 = arith.constant 16 : i32
      %mul3A_948 = vector.broadcast %mul3A_947 : i32 to vector<16xi32>
      %mul3A_949 = arith.muli %gather3A_920, %mul3A_948 : vector<16xi32>
      %add3A_950 = arith.constant 3 : i32
      %add3A_951 = vector.broadcast %add3A_950 : i32 to vector<16xi32>
      %add3A_952 = arith.addi %mul3A_949, %add3A_951 : vector<16xi32>
      %gather3A_953 = tpu.vector_load_idx %arg7[%add3A_952] : memref<65536xi32, #tpu.memory_space<vmem>>[vector<16xi32>], vector<16xi32>,
      %eq3A_954 = arith.cmpi eq, %gather3A_953, %add3A_35 : vector<16xi32>
      %or3A_955 = arith.ori %or3A_946, %eq3A_954 : vector<16xi1>
      %mul3A_956 = arith.constant 16 : i32
      %mul3A_957 = vector.broadcast %mul3A_956 : i32 to vector<16xi32>
      %mul3A_958 = arith.muli %gather3A_920, %mul3A_957 : vector<16xi32>
      %add3A_959 = arith.constant 4 : i32
      %add3A_960 = vector.broadcast %add3A_959 : i32 to vector<16xi32>
      %add3A_961 = arith.addi %mul3A_958, %add3A_960 : vector<16xi32>
      %gather3A_962 = tpu.vector_load_idx %arg7[%add3A_961] : memref<65536xi32, #tpu.memory_space<vmem>>[vector<16xi32>], vector<16xi32>,
      %eq3A_963 = arith.cmpi eq, %gather3A_962, %add3A_35 : vector<16xi32>
      %or3A_964 = arith.ori %or3A_955, %eq3A_963 : vector<16xi1>
      %mul3A_965 = arith.constant 16 : i32
      %mul3A_966 = vector.broadcast %mul3A_965 : i32 to vector<16xi32>
      %mul3A_967 = arith.muli %gather3A_920, %mul3A_966 : vector<16xi32>
      %add3A_968 = arith.constant 5 : i32
      %add3A_969 = vector.broadcast %add3A_968 : i32 to vector<16xi32>
      %add3A_970 = arith.addi %mul3A_967, %add3A_969 : vector<16xi32>
      %gather3A_971 = tpu.vector_load_idx %arg7[%add3A_970] : memref<65536xi32, #tpu.memory_space<vmem>>[vector<16xi32>], vector<16xi32>,
      %eq3A_972 = arith.cmpi eq, %gather3A_971, %add3A_35 : vector<16xi32>
      %or3A_973 = arith.ori %or3A_964, %eq3A_972 : vector<16xi1>
      %mul3A_974 = arith.constant 16 : i32
      %mul3A_975 = vector.broadcast %mul3A_974 : i32 to vector<16xi32>
      %mul3A_976 = arith.muli %gather3A_920, %mul3A_975 : vector<16xi32>
      %add3A_977 = arith.constant 6 : i32
      %add3A_978 = vector.broadcast %add3A_977 : i32 to vector<16xi32>
      %add3A_979 = arith.addi %mul3A_976, %add3A_978 : vector<16xi32>
      %gather3A_980 = tpu.vector_load_idx %arg7[%add3A_979] : memref<65536xi32, #tpu.memory_space<vmem>>[vector<16xi32>], vector<16xi32>,
      %eq3A_981 = arith.cmpi eq, %gather3A_980, %add3A_35 : vector<16xi32>
      %or3A_982 = arith.ori %or3A_973, %eq3A_981 : vector<16xi1>
      %mul3A_983 = arith.constant 16 : i32
      %mul3A_984 = vector.broadcast %mul3A_983 : i32 to vector<16xi32>
      %mul3A_985 = arith.muli %gather3A_920, %mul3A_984 : vector<16xi32>
      %add3A_986 = arith.constant 7 : i32
      %add3A_987 = vector.broadcast %add3A_986 : i32 to vector<16xi32>
      %add3A_988 = arith.addi %mul3A_985, %add3A_987 : vector<16xi32>
      %gather3A_989 = tpu.vector_load_idx %arg7[%add3A_988] : memref<65536xi32, #tpu.memory_space<vmem>>[vector<16xi32>], vector<16xi32>,
      %eq3A_990 = arith.cmpi eq, %gather3A_989, %add3A_35 : vector<16xi32>
      %or3A_991 = arith.ori %or3A_982, %eq3A_990 : vector<16xi1>
      %mul3A_992 = arith.constant 16 : i32
      %mul3A_993 = vector.broadcast %mul3A_992 : i32 to vector<16xi32>
      %mul3A_994 = arith.muli %gather3A_920, %mul3A_993 : vector<16xi32>
      %add3A_995 = arith.constant 8 : i32
      %add3A_996 = vector.broadcast %add3A_995 : i32 to vector<16xi32>
      %add3A_997 = arith.addi %mul3A_994, %add3A_996 : vector<16xi32>
      %gather3A_998 = tpu.vector_load_idx %arg7[%add3A_997] : memref<65536xi32, #tpu.memory_space<vmem>>[vector<16xi32>], vector<16xi32>,
      %eq3A_999 = arith.cmpi eq, %gather3A_998, %add3A_35 : vector<16xi32>
      %or3A_1000 = arith.ori %or3A_991, %eq3A_999 : vector<16xi1>
      %mul3A_1001 = arith.constant 16 : i32
      %mul3A_1002 = vector.broadcast %mul3A_1001 : i32 to vector<16xi32>
      %mul3A_1003 = arith.muli %gather3A_920, %mul3A_1002 : vector<16xi32>
      %add3A_1004 = arith.constant 9 : i32
      %add3A_1005 = vector.broadcast %add3A_1004 : i32 to vector<16xi32>
      %add3A_1006 = arith.addi %mul3A_1003, %add3A_1005 : vector<16xi32>
      %gather3A_1007 = tpu.vector_load_idx %arg7[%add3A_1006] : memref<65536xi32, #tpu.memory_space<vmem>>[vector<16xi32>], vector<16xi32>,
      %eq3A_1008 = arith.cmpi eq, %gather3A_1007, %add3A_35 : vector<16xi32>
      %or3A_1009 = arith.ori %or3A_1000, %eq3A_1008 : vector<16xi1>
      %jit3A_1010 = arith.constant 0.000000e+00 : f32
      %broadcast_in_dim3A_1011 = vector.broadcast %jit3A_1010 : f32 to vector<16xf32>
      %select_n3A_1012 = arith.select %or3A_1009, %broadcast_in_dim3A_1011, %gather3A_919 : vector<16xi1>, vector<16xf32>
      %add3A_1013 = arith.addf %add3A_904, %select_n3A_1012 : vector<16xf32>
      %mul3A_1014 = arith.constant 256 : i32
      %mul3A_1015 = arith.muli %scan3A_29, %mul3A_1014 : i32
      %mul3A_1016 = arith.constant 16 : i32
      %mul3A_1017 = vector.broadcast %mul3A_1016 : i32 to vector<16xi32>
      %mul3A_1018 = arith.muli %iota3A, %mul3A_1017 : vector<16xi32>
      %add3A_1019 = vector.broadcast %mul3A_1015 : i32 to vector<16xi32>
      %add3A_1020 = arith.addi %add3A_1019, %mul3A_1018 : vector<16xi32>
      %add3A_1021 = arith.constant 9 : i32
      %add3A_1022 = vector.broadcast %add3A_1021 : i32 to vector<16xi32>
      %add3A_1023 = arith.addi %add3A_1020, %add3A_1022 : vector<16xi32>
      %mul3A_1024 = arith.constant 4096 : i32
      %mul3A_1025 = arith.muli %arg1, %mul3A_1024 : i32
      %add3A_1026 = vector.broadcast %mul3A_1025 : i32 to vector<16xi32>
      %add3A_1027 = arith.addi %add3A_1026, %add3A_1023 : vector<16xi32>
      %gather3A_1028 = tpu.vector_load_idx %arg9[%add3A_1023] : memref<4096xf32, #tpu.memory_space<vmem>>[vector<16xi32>], vector<16xf32>,
      %gather3A_1029 = tpu.vector_load_idx %arg7[%add3A_1027] : memref<65536xi32, #tpu.memory_space<vmem>>[vector<16xi32>], vector<16xi32>,
      %mul3A_1030 = arith.constant 16 : i32
      %mul3A_1031 = vector.broadcast %mul3A_1030 : i32 to vector<16xi32>
      %mul3A_1032 = arith.muli %gather3A_1029, %mul3A_1031 : vector<16xi32>
      %add3A_1033 = arith.constant 0 : i32
      %add3A_1034 = vector.broadcast %add3A_1033 : i32 to vector<16xi32>
      %add3A_1035 = arith.addi %mul3A_1032, %add3A_1034 : vector<16xi32>
      %gather3A_1036 = tpu.vector_load_idx %arg7[%add3A_1035] : memref<65536xi32, #tpu.memory_space<vmem>>[vector<16xi32>], vector<16xi32>,
      %eq3A_1037 = arith.cmpi eq, %gather3A_1036, %add3A_35 : vector<16xi32>
      %mul3A_1038 = arith.constant 16 : i32
      %mul3A_1039 = vector.broadcast %mul3A_1038 : i32 to vector<16xi32>
      %mul3A_1040 = arith.muli %gather3A_1029, %mul3A_1039 : vector<16xi32>
      %add3A_1041 = arith.constant 1 : i32
      %add3A_1042 = vector.broadcast %add3A_1041 : i32 to vector<16xi32>
      %add3A_1043 = arith.addi %mul3A_1040, %add3A_1042 : vector<16xi32>
      %gather3A_1044 = tpu.vector_load_idx %arg7[%add3A_1043] : memref<65536xi32, #tpu.memory_space<vmem>>[vector<16xi32>], vector<16xi32>,
      %eq3A_1045 = arith.cmpi eq, %gather3A_1044, %add3A_35 : vector<16xi32>
      %or3A_1046 = arith.ori %eq3A_1037, %eq3A_1045 : vector<16xi1>
      %mul3A_1047 = arith.constant 16 : i32
      %mul3A_1048 = vector.broadcast %mul3A_1047 : i32 to vector<16xi32>
      %mul3A_1049 = arith.muli %gather3A_1029, %mul3A_1048 : vector<16xi32>
      %add3A_1050 = arith.constant 2 : i32
      %add3A_1051 = vector.broadcast %add3A_1050 : i32 to vector<16xi32>
      %add3A_1052 = arith.addi %mul3A_1049, %add3A_1051 : vector<16xi32>
      %gather3A_1053 = tpu.vector_load_idx %arg7[%add3A_1052] : memref<65536xi32, #tpu.memory_space<vmem>>[vector<16xi32>], vector<16xi32>,
      %eq3A_1054 = arith.cmpi eq, %gather3A_1053, %add3A_35 : vector<16xi32>
      %or3A_1055 = arith.ori %or3A_1046, %eq3A_1054 : vector<16xi1>
      %mul3A_1056 = arith.constant 16 : i32
      %mul3A_1057 = vector.broadcast %mul3A_1056 : i32 to vector<16xi32>
      %mul3A_1058 = arith.muli %gather3A_1029, %mul3A_1057 : vector<16xi32>
      %add3A_1059 = arith.constant 3 : i32
      %add3A_1060 = vector.broadcast %add3A_1059 : i32 to vector<16xi32>
      %add3A_1061 = arith.addi %mul3A_1058, %add3A_1060 : vector<16xi32>
      %gather3A_1062 = tpu.vector_load_idx %arg7[%add3A_1061] : memref<65536xi32, #tpu.memory_space<vmem>>[vector<16xi32>], vector<16xi32>,
      %eq3A_1063 = arith.cmpi eq, %gather3A_1062, %add3A_35 : vector<16xi32>
      %or3A_1064 = arith.ori %or3A_1055, %eq3A_1063 : vector<16xi1>
      %mul3A_1065 = arith.constant 16 : i32
      %mul3A_1066 = vector.broadcast %mul3A_1065 : i32 to vector<16xi32>
      %mul3A_1067 = arith.muli %gather3A_1029, %mul3A_1066 : vector<16xi32>
      %add3A_1068 = arith.constant 4 : i32
      %add3A_1069 = vector.broadcast %add3A_1068 : i32 to vector<16xi32>
      %add3A_1070 = arith.addi %mul3A_1067, %add3A_1069 : vector<16xi32>
      %gather3A_1071 = tpu.vector_load_idx %arg7[%add3A_1070] : memref<65536xi32, #tpu.memory_space<vmem>>[vector<16xi32>], vector<16xi32>,
      %eq3A_1072 = arith.cmpi eq, %gather3A_1071, %add3A_35 : vector<16xi32>
      %or3A_1073 = arith.ori %or3A_1064, %eq3A_1072 : vector<16xi1>
      %mul3A_1074 = arith.constant 16 : i32
      %mul3A_1075 = vector.broadcast %mul3A_1074 : i32 to vector<16xi32>
      %mul3A_1076 = arith.muli %gather3A_1029, %mul3A_1075 : vector<16xi32>
      %add3A_1077 = arith.constant 5 : i32
      %add3A_1078 = vector.broadcast %add3A_1077 : i32 to vector<16xi32>
      %add3A_1079 = arith.addi %mul3A_1076, %add3A_1078 : vector<16xi32>
      %gather3A_1080 = tpu.vector_load_idx %arg7[%add3A_1079] : memref<65536xi32, #tpu.memory_space<vmem>>[vector<16xi32>], vector<16xi32>,
      %eq3A_1081 = arith.cmpi eq, %gather3A_1080, %add3A_35 : vector<16xi32>
      %or3A_1082 = arith.ori %or3A_1073, %eq3A_1081 : vector<16xi1>
      %mul3A_1083 = arith.constant 16 : i32
      %mul3A_1084 = vector.broadcast %mul3A_1083 : i32 to vector<16xi32>
      %mul3A_1085 = arith.muli %gather3A_1029, %mul3A_1084 : vector<16xi32>
      %add3A_1086 = arith.constant 6 : i32
      %add3A_1087 = vector.broadcast %add3A_1086 : i32 to vector<16xi32>
      %add3A_1088 = arith.addi %mul3A_1085, %add3A_1087 : vector<16xi32>
      %gather3A_1089 = tpu.vector_load_idx %arg7[%add3A_1088] : memref<65536xi32, #tpu.memory_space<vmem>>[vector<16xi32>], vector<16xi32>,
      %eq3A_1090 = arith.cmpi eq, %gather3A_1089, %add3A_35 : vector<16xi32>
      %or3A_1091 = arith.ori %or3A_1082, %eq3A_1090 : vector<16xi1>
      %mul3A_1092 = arith.constant 16 : i32
      %mul3A_1093 = vector.broadcast %mul3A_1092 : i32 to vector<16xi32>
      %mul3A_1094 = arith.muli %gather3A_1029, %mul3A_1093 : vector<16xi32>
      %add3A_1095 = arith.constant 7 : i32
      %add3A_1096 = vector.broadcast %add3A_1095 : i32 to vector<16xi32>
      %add3A_1097 = arith.addi %mul3A_1094, %add3A_1096 : vector<16xi32>
      %gather3A_1098 = tpu.vector_load_idx %arg7[%add3A_1097] : memref<65536xi32, #tpu.memory_space<vmem>>[vector<16xi32>], vector<16xi32>,
      %eq3A_1099 = arith.cmpi eq, %gather3A_1098, %add3A_35 : vector<16xi32>
      %or3A_1100 = arith.ori %or3A_1091, %eq3A_1099 : vector<16xi1>
      %mul3A_1101 = arith.constant 16 : i32
      %mul3A_1102 = vector.broadcast %mul3A_1101 : i32 to vector<16xi32>
      %mul3A_1103 = arith.muli %gather3A_1029, %mul3A_1102 : vector<16xi32>
      %add3A_1104 = arith.constant 8 : i32
      %add3A_1105 = vector.broadcast %add3A_1104 : i32 to vector<16xi32>
      %add3A_1106 = arith.addi %mul3A_1103, %add3A_1105 : vector<16xi32>
      %gather3A_1107 = tpu.vector_load_idx %arg7[%add3A_1106] : memref<65536xi32, #tpu.memory_space<vmem>>[vector<16xi32>], vector<16xi32>,
      %eq3A_1108 = arith.cmpi eq, %gather3A_1107, %add3A_35 : vector<16xi32>
      %or3A_1109 = arith.ori %or3A_1100, %eq3A_1108 : vector<16xi1>
      %mul3A_1110 = arith.constant 16 : i32
      %mul3A_1111 = vector.broadcast %mul3A_1110 : i32 to vector<16xi32>
      %mul3A_1112 = arith.muli %gather3A_1029, %mul3A_1111 : vector<16xi32>
      %add3A_1113 = arith.constant 9 : i32
      %add3A_1114 = vector.broadcast %add3A_1113 : i32 to vector<16xi32>
      %add3A_1115 = arith.addi %mul3A_1112, %add3A_1114 : vector<16xi32>
      %gather3A_1116 = tpu.vector_load_idx %arg7[%add3A_1115] : memref<65536xi32, #tpu.memory_space<vmem>>[vector<16xi32>], vector<16xi32>,
      %eq3A_1117 = arith.cmpi eq, %gather3A_1116, %add3A_35 : vector<16xi32>
      %or3A_1118 = arith.ori %or3A_1109, %eq3A_1117 : vector<16xi1>
      %jit3A_1119 = arith.constant 0.000000e+00 : f32
      %broadcast_in_dim3A_1120 = vector.broadcast %jit3A_1119 : f32 to vector<16xf32>
      %select_n3A_1121 = arith.select %or3A_1118, %broadcast_in_dim3A_1120, %gather3A_1028 : vector<16xi1>, vector<16xf32>
      %add3A_1122 = arith.addf %add3A_1013, %select_n3A_1121 : vector<16xf32>
      %mul3A_1123 = arith.constant 16 : i32
      %mul3A_1124 = arith.muli %scan3A_29, %mul3A_1123 : i32
      %swap3A = arith.index_cast %mul3A_1124 : i32 to index
      %swap3A_1125 = tpu.vector_load %arg11[%swap3A] {strides = array<i32>} : memref<256xf32, #tpu.memory_space<vmem>>, vector<16xf32>,
      tpu.vector_store %arg11[%swap3A], %add3A_1122 {strides = array<i32>} : memref<256xf32, #tpu.memory_space<vmem>>, vector<16xf32>,
    }
    %scan3A_17 = arith.constant 16 : i32
    %barrier3A_18 = arith.constant 0 : index
    tpu.barrier barrier_id(%barrier3A_18)
    %mul3A_19 = arith.constant 256 : i32
    %mul3A_20 = arith.muli %arg1, %mul3A_19 : i32
    "tpu.region"() ({
      %run_scoped3A = tpu.sem_alloc : memref<!tpu.dma_semaphore, #tpu.memory_space<semaphore_mem>>
      %dma_start3A = tpu.memref_slice %arg14[%mul3A_20] : memref<4096xf32, #tpu.memory_space<vmem_shared>> -> memref<256xf32, #tpu.memory_space<vmem_shared>>
      %dma_start3A_29 = tpu.memref_slice %arg14[%mul3A_20] : memref<4096xf32, #tpu.memory_space<vmem_shared>> -> memref<256xf32, #tpu.memory_space<vmem_shared>>
      tpu.enqueue_dma source(%dma_start3A_29 : memref<256xf32, #tpu.memory_space<vmem_shared>>) target(%arg12 : memref<256xf32, #tpu.memory_space<vmem>>) target_semaphore(%run_scoped3A : memref<!tpu.dma_semaphore, #tpu.memory_space<semaphore_mem>>)
      %dma_wait3A = tpu.memref_slice %arg14[%mul3A_20] : memref<4096xf32, #tpu.memory_space<vmem_shared>> -> memref<256xf32, #tpu.memory_space<vmem_shared>>
      %dma_wait3A_30 = tpu.memref_slice %arg14[%mul3A_20] : memref<4096xf32, #tpu.memory_space<vmem_shared>> -> memref<256xf32, #tpu.memory_space<vmem_shared>>
      tpu.wait_dma2 semaphore(%run_scoped3A : memref<!tpu.dma_semaphore, #tpu.memory_space<semaphore_mem>>) src(%dma_wait3A_30 : memref<256xf32, #tpu.memory_space<vmem_shared>>) dst(%arg12 : memref<256xf32, #tpu.memory_space<vmem>>)
      tpu.yield
    }) : () -> ()
    %scan3A_21 = arith.constant 0 : i32
    %scan3A_22 = arith.constant 0 : i32
    %scan3A_23 = arith.constant 16 : i32
    %scan3A_24 = arith.addi %scan3A_22, %scan3A_23 : i32
    %scan3A_25 = arith.constant 1 : i32
    scf.for %scan3A_29 = %scan3A_22 to %scan3A_24 step %scan3A_25  : i32 {
      %mul3A_30 = arith.constant 16 : i32
      %mul3A_31 = arith.muli %scan3A_29, %mul3A_30 : i32
      %get3A = arith.index_cast %mul3A_31 : i32 to index
      %get3A_32 = tpu.vector_load %arg12[%get3A] {strides = array<i32>} : memref<256xf32, #tpu.memory_space<vmem>>, vector<16xf32>,
      %get3A_33 = arith.index_cast %mul3A_31 : i32 to index
      %get3A_34 = tpu.vector_load %arg11[%get3A_33] {strides = array<i32>} : memref<256xf32, #tpu.memory_space<vmem>>, vector<16xf32>,
      %add3A = arith.addf %get3A_32, %get3A_34 : vector<16xf32>
      %swap3A = arith.index_cast %mul3A_31 : i32 to index
      %swap3A_35 = tpu.vector_load %arg12[%swap3A] {strides = array<i32>} : memref<256xf32, #tpu.memory_space<vmem>>, vector<16xf32>,
      tpu.vector_store %arg12[%swap3A], %add3A {strides = array<i32>} : memref<256xf32, #tpu.memory_space<vmem>>, vector<16xf32>,
    }
    %scan3A_26 = arith.constant 16 : i32
    %mul3A_27 = arith.constant 256 : i32
    %mul3A_28 = arith.muli %arg1, %mul3A_27 : i32
    "tpu.region"() ({
      %run_scoped3A = tpu.sem_alloc : memref<!tpu.dma_semaphore, #tpu.memory_space<semaphore_mem>>
      %dma_start3A = tpu.memref_slice %arg6[%mul3A_28] : memref<4096xf32, #tpu.memory_space<hbm>> -> memref<256xf32, #tpu.memory_space<hbm>>
      %dma_start3A_29 = tpu.memref_slice %arg6[%mul3A_28] : memref<4096xf32, #tpu.memory_space<hbm>> -> memref<256xf32, #tpu.memory_space<hbm>>
      tpu.enqueue_dma source(%arg12 : memref<256xf32, #tpu.memory_space<vmem>>) target(%dma_start3A_29 : memref<256xf32, #tpu.memory_space<hbm>>) target_semaphore(%run_scoped3A : memref<!tpu.dma_semaphore, #tpu.memory_space<semaphore_mem>>)
      %dma_wait3A = tpu.memref_slice %arg6[%mul3A_28] : memref<4096xf32, #tpu.memory_space<hbm>> -> memref<256xf32, #tpu.memory_space<hbm>>
      %dma_wait3A_30 = tpu.memref_slice %arg6[%mul3A_28] : memref<4096xf32, #tpu.memory_space<hbm>> -> memref<256xf32, #tpu.memory_space<hbm>>
      tpu.wait_dma2 semaphore(%run_scoped3A : memref<!tpu.dma_semaphore, #tpu.memory_space<semaphore_mem>>) src(%arg12 : memref<256xf32, #tpu.memory_space<vmem>>) dst(%dma_wait3A_30 : memref<256xf32, #tpu.memory_space<hbm>>)
      tpu.yield
    }) : () -> ()
    return
  }
}

module attributes {stable_mosaic.version = 14 : i64} {
  func.func @_deg_body(%arg0: i32, %arg1: memref<256x4096xf32, #tpu.memory_space<vmem>>, %arg2: memref<256x1xf32, #tpu.memory_space<vmem>>, %arg3: memref<256x1xf32, #tpu.memory_space<vmem>>) attributes {dimension_semantics = [#tpu.dimension_semantics<arbitrary>], iteration_bounds = array<i64: 16>, scalar_prefetch = 0 : i64, scratch_operands = 0 : i64, tpu.core_type = #tpu.core_type<tc>, window_params = [{transform_indices = @transform_0, window_bounds = array<i64: 256, 4096>}, {transform_indices = @transform_1, window_bounds = array<i64: 256, 1>}, {transform_indices = @transform_2, window_bounds = array<i64: 256, 1>}]} {
    %get3A = arith.constant 0 : index
    %get3A_0 = arith.constant 0 : index
    %get3A_1 = vector.load %arg1[%get3A, %get3A_0] : memref<256x4096xf32, #tpu.memory_space<vmem>>, vector<256x4096xf32>
    %reduce_sum3A = arith.constant dense<0.000000e+00> : vector<256xf32>
    %reduce_sum3A_2 = vector.multi_reduction <add>, %get3A_1, %reduce_sum3A [1] : vector<256x4096xf32> to vector<256xf32>
    %broadcast_in_dim3A = vector.shape_cast %reduce_sum3A_2 : vector<256xf32> to vector<256x1xf32>
    %swap3A = arith.constant 0 : index
    %swap3A_3 = arith.constant 0 : index
    %swap3A_4 = vector.load %arg2[%swap3A, %swap3A_3] : memref<256x1xf32, #tpu.memory_space<vmem>>, vector<256x1xf32>
    tpu.vector_store %arg2[%swap3A, %swap3A_3], %broadcast_in_dim3A {strides = array<i32>} : memref<256x1xf32, #tpu.memory_space<vmem>>, vector<256x1xf32>,
    %sqrt3A = math.sqrt %broadcast_in_dim3A : vector<256x1xf32>
    %add3A = arith.constant 1.000000e-10 : f32
    %add3A_5 = vector.broadcast %add3A : f32 to vector<256x1xf32>
    %add3A_6 = arith.addf %sqrt3A, %add3A_5 : vector<256x1xf32>
    %div3A = arith.constant 1.000000e+00 : f32
    %div3A_7 = vector.broadcast %div3A : f32 to vector<256x1xf32>
    %div3A_8 = arith.divf %div3A_7, %add3A_6 : vector<256x1xf32>
    %swap3A_9 = arith.constant 0 : index
    %swap3A_10 = arith.constant 0 : index
    %swap3A_11 = vector.load %arg3[%swap3A_9, %swap3A_10] : memref<256x1xf32, #tpu.memory_space<vmem>>, vector<256x1xf32>
    tpu.vector_store %arg3[%swap3A_9, %swap3A_10], %div3A_8 {strides = array<i32>} : memref<256x1xf32, #tpu.memory_space<vmem>>, vector<256x1xf32>,
    return
  }
  func.func @transform_0(%arg0: i32) -> (i32, i32) {
    %c0_i32 = arith.constant 0 : i32
    %c0_i32_0 = arith.constant 0 : i32
    return %arg0, %c0_i32 : i32, i32
  }
  func.func @transform_1(%arg0: i32) -> (i32, i32) {
    %c0_i32 = arith.constant 0 : i32
    %c0_i32_0 = arith.constant 0 : i32
    return %arg0, %c0_i32 : i32, i32
  }
  func.func @transform_2(%arg0: i32) -> (i32, i32) {
    %c0_i32 = arith.constant 0 : i32
    %c0_i32_0 = arith.constant 0 : i32
    return %arg0, %c0_i32 : i32, i32
  }
}

module attributes {stable_mosaic.version = 14 : i64} {
  func.func @_prop_body(%arg0: i32, %arg1: memref<256x4096xf32, #tpu.memory_space<vmem>>, %arg2: memref<4096x128xf32, #tpu.memory_space<vmem>>, %arg3: memref<128x128xf32, #tpu.memory_space<vmem>>, %arg4: memref<1x128xf32, #tpu.memory_space<vmem>>, %arg5: memref<4096x1xf32, #tpu.memory_space<vmem>>, %arg6: memref<1x4096xf32, #tpu.memory_space<vmem>>, %arg7: memref<256x128xf32, #tpu.memory_space<vmem>>, %arg8: memref<4096x128xf32, #tpu.memory_space<vmem>>) attributes {dimension_semantics = [#tpu.dimension_semantics<arbitrary>], iteration_bounds = array<i64: 16>, scalar_prefetch = 0 : i64, scratch_operands = 1 : i64, tpu.core_type = #tpu.core_type<tc>, window_params = [{transform_indices = @transform_0, window_bounds = array<i64: 256, 4096>}, {pipeline_mode = #tpu.pipeline_mode<synchronous>, transform_indices = @transform_1, window_bounds = array<i64: 4096, 128>}, {pipeline_mode = #tpu.pipeline_mode<synchronous>, transform_indices = @transform_2, window_bounds = array<i64: 128, 128>}, {pipeline_mode = #tpu.pipeline_mode<synchronous>, transform_indices = @transform_3, window_bounds = array<i64: 1, 128>}, {pipeline_mode = #tpu.pipeline_mode<synchronous>, transform_indices = @transform_4, window_bounds = array<i64: 4096, 1>}, {pipeline_mode = #tpu.pipeline_mode<synchronous>, transform_indices = @transform_5, window_bounds = array<i64: 1, 4096>}, {transform_indices = @transform_6, window_bounds = array<i64: 256, 128>}]} {
    %eq3A = arith.constant 0 : i32
    %eq3A_0 = arith.cmpi eq, %arg0, %eq3A : i32
    %convert_element_type3A = arith.extui %eq3A_0 : i1 to i32
    %cond3A = arith.constant 0 : i32
    %cond3A_1 = arith.cmpi ne, %convert_element_type3A, %cond3A : i32
    scf.if %cond3A_1 {
      %get3A_26 = arith.constant 0 : index
      %get3A_27 = arith.constant 0 : index
      %get3A_28 = vector.load %arg2[%get3A_26, %get3A_27] : memref<4096x128xf32, #tpu.memory_space<vmem>>, vector<4096x128xf32>
      %get3A_29 = arith.constant 0 : index
      %get3A_30 = arith.constant 0 : index
      %get3A_31 = vector.load %arg3[%get3A_29, %get3A_30] : memref<128x128xf32, #tpu.memory_space<vmem>>, vector<128x128xf32>
      %dot_general3A_32 = arith.constant dense<0.000000e+00> : vector<4096x128xf32>
      %dot_general3A_33 = tpu.matmul %get3A_28, %get3A_31, %dot_general3A_32 {dimension_numbers = #tpu.dot_dimension_numbers<[1], [0], [0], [1], [0, 0, 1, 1], [], []>, transpose_lhs_hint = false} : vector<4096x128xf32>, vector<128x128xf32>, vector<4096x128xf32> -> vector<4096x128xf32>
      %get3A_34 = arith.constant 0 : index
      %get3A_35 = arith.constant 0 : index
      %get3A_36 = vector.load %arg4[%get3A_34, %get3A_35] : memref<1x128xf32, #tpu.memory_space<vmem>>, vector<1x128xf32>
      %add3A = vector.broadcast %get3A_36 : vector<1x128xf32> to vector<4096x128xf32>
      %add3A_37 = arith.addf %dot_general3A_33, %add3A : vector<4096x128xf32>
      %swap3A_38 = arith.constant 0 : index
      %swap3A_39 = arith.constant 0 : index
      %swap3A_40 = vector.load %arg8[%swap3A_38, %swap3A_39] : memref<4096x128xf32, #tpu.memory_space<vmem>>, vector<4096x128xf32>
      tpu.vector_store %arg8[%swap3A_38, %swap3A_39], %add3A_37 {strides = array<i32>} : memref<4096x128xf32, #tpu.memory_space<vmem>>, vector<4096x128xf32>,
    } else {
    }
    %mul3A = arith.constant 256 : i32
    %mul3A_2 = arith.muli %arg0, %mul3A : i32
    %get3A = arith.index_cast %mul3A_2 : i32 to index
    %get3A_3 = arith.constant 0 : index
    %get3A_4 = vector.load %arg5[%get3A, %get3A_3] : memref<4096x1xf32, #tpu.memory_space<vmem>>, vector<256x1xf32>
    %get3A_5 = arith.constant 0 : index
    %get3A_6 = arith.constant 0 : index
    %get3A_7 = vector.load %arg1[%get3A_5, %get3A_6] : memref<256x4096xf32, #tpu.memory_space<vmem>>, vector<256x4096xf32>
    %mul3A_8 = vector.broadcast %get3A_4 : vector<256x1xf32> to vector<256x4096xf32>
    %mul3A_9 = arith.mulf %mul3A_8, %get3A_7 : vector<256x4096xf32>
    %get3A_10 = arith.constant 0 : index
    %get3A_11 = arith.constant 0 : index
    %get3A_12 = vector.load %arg6[%get3A_10, %get3A_11] : memref<1x4096xf32, #tpu.memory_space<vmem>>, vector<1x4096xf32>
    %mul3A_13 = vector.broadcast %get3A_12 : vector<1x4096xf32> to vector<256x4096xf32>
    %mul3A_14 = arith.mulf %mul3A_9, %mul3A_13 : vector<256x4096xf32>
    %get3A_15 = arith.constant 0 : index
    %get3A_16 = arith.constant 0 : index
    %get3A_17 = vector.load %arg8[%get3A_15, %get3A_16] : memref<4096x128xf32, #tpu.memory_space<vmem>>, vector<4096x128xf32>
    %dot_general3A = arith.constant dense<0.000000e+00> : vector<256x128xf32>
    %dot_general3A_18 = tpu.matmul %mul3A_14, %get3A_17, %dot_general3A {dimension_numbers = #tpu.dot_dimension_numbers<[1], [0], [0], [1], [0, 0, 1, 1], [], []>, transpose_lhs_hint = false} : vector<256x4096xf32>, vector<4096x128xf32>, vector<256x128xf32> -> vector<256x128xf32>
    %mul3A_19 = arith.mulf %dot_general3A_18, %dot_general3A_18 : vector<256x128xf32>
    %reduce_sum3A = arith.constant dense<0.000000e+00> : vector<256xf32>
    %reduce_sum3A_20 = vector.multi_reduction <add>, %mul3A_19, %reduce_sum3A [1] : vector<256x128xf32> to vector<256xf32>
    %broadcast_in_dim3A = vector.shape_cast %reduce_sum3A_20 : vector<256xf32> to vector<256x1xf32>
    %sqrt3A = math.sqrt %broadcast_in_dim3A : vector<256x1xf32>
    %max3A = arith.constant 9.99999996E-13 : f32
    %max3A_21 = vector.broadcast %max3A : f32 to vector<256x1xf32>
    %max3A_22 = arith.maximumf %sqrt3A, %max3A_21 : vector<256x1xf32>
    %div3A = vector.broadcast %max3A_22 : vector<256x1xf32> to vector<256x128xf32>
    %div3A_23 = arith.divf %dot_general3A_18, %div3A : vector<256x128xf32>
    %swap3A = arith.constant 0 : index
    %swap3A_24 = arith.constant 0 : index
    %swap3A_25 = vector.load %arg7[%swap3A, %swap3A_24] : memref<256x128xf32, #tpu.memory_space<vmem>>, vector<256x128xf32>
    tpu.vector_store %arg7[%swap3A, %swap3A_24], %div3A_23 {strides = array<i32>} : memref<256x128xf32, #tpu.memory_space<vmem>>, vector<256x128xf32>,
    return
  }
  func.func @transform_0(%arg0: i32) -> (i32, i32) {
    %c0_i32 = arith.constant 0 : i32
    %c0_i32_0 = arith.constant 0 : i32
    return %arg0, %c0_i32 : i32, i32
  }
  func.func @transform_1(%arg0: i32) -> (i32, i32) {
    %c0_i32 = arith.constant 0 : i32
    %c0_i32_0 = arith.constant 0 : i32
    %c0_i32_1 = arith.constant 0 : i32
    return %c0_i32, %c0_i32_0 : i32, i32
  }
  func.func @transform_2(%arg0: i32) -> (i32, i32) {
    %c0_i32 = arith.constant 0 : i32
    %c0_i32_0 = arith.constant 0 : i32
    %c0_i32_1 = arith.constant 0 : i32
    return %c0_i32, %c0_i32_0 : i32, i32
  }
  func.func @transform_3(%arg0: i32) -> (i32, i32) {
    %c0_i32 = arith.constant 0 : i32
    %c0_i32_0 = arith.constant 0 : i32
    %c0_i32_1 = arith.constant 0 : i32
    return %c0_i32, %c0_i32_0 : i32, i32
  }
  func.func @transform_4(%arg0: i32) -> (i32, i32) {
    %c0_i32 = arith.constant 0 : i32
    %c0_i32_0 = arith.constant 0 : i32
    %c0_i32_1 = arith.constant 0 : i32
    return %c0_i32, %c0_i32_0 : i32, i32
  }
  func.func @transform_5(%arg0: i32) -> (i32, i32) {
    %c0_i32 = arith.constant 0 : i32
    %c0_i32_0 = arith.constant 0 : i32
    %c0_i32_1 = arith.constant 0 : i32
    return %c0_i32, %c0_i32_0 : i32, i32
  }
  func.func @transform_6(%arg0: i32) -> (i32, i32) {
    %c0_i32 = arith.constant 0 : i32
    %c0_i32_0 = arith.constant 0 : i32
    return %arg0, %c0_i32 : i32, i32
  }
}

module attributes {stable_mosaic.version = 14 : i64} {
  func.func @_prop_body(%arg0: i32, %arg1: memref<256x4096xf32, #tpu.memory_space<vmem>>, %arg2: memref<4096x128xf32, #tpu.memory_space<vmem>>, %arg3: memref<128x128xf32, #tpu.memory_space<vmem>>, %arg4: memref<1x128xf32, #tpu.memory_space<vmem>>, %arg5: memref<4096x1xf32, #tpu.memory_space<vmem>>, %arg6: memref<1x4096xf32, #tpu.memory_space<vmem>>, %arg7: memref<256x128xf32, #tpu.memory_space<vmem>>, %arg8: memref<4096x128xf32, #tpu.memory_space<vmem>>) attributes {dimension_semantics = [#tpu.dimension_semantics<arbitrary>], iteration_bounds = array<i64: 16>, scalar_prefetch = 0 : i64, scratch_operands = 1 : i64, tpu.core_type = #tpu.core_type<tc>, window_params = [{transform_indices = @transform_0, window_bounds = array<i64: 256, 4096>}, {pipeline_mode = #tpu.pipeline_mode<synchronous>, transform_indices = @transform_1, window_bounds = array<i64: 4096, 128>}, {pipeline_mode = #tpu.pipeline_mode<synchronous>, transform_indices = @transform_2, window_bounds = array<i64: 128, 128>}, {pipeline_mode = #tpu.pipeline_mode<synchronous>, transform_indices = @transform_3, window_bounds = array<i64: 1, 128>}, {pipeline_mode = #tpu.pipeline_mode<synchronous>, transform_indices = @transform_4, window_bounds = array<i64: 4096, 1>}, {pipeline_mode = #tpu.pipeline_mode<synchronous>, transform_indices = @transform_5, window_bounds = array<i64: 1, 4096>}, {transform_indices = @transform_6, window_bounds = array<i64: 256, 128>}]} {
    %eq3A = arith.constant 0 : i32
    %eq3A_0 = arith.cmpi eq, %arg0, %eq3A : i32
    %convert_element_type3A = arith.extui %eq3A_0 : i1 to i32
    %cond3A = arith.constant 0 : i32
    %cond3A_1 = arith.cmpi ne, %convert_element_type3A, %cond3A : i32
    scf.if %cond3A_1 {
      %get3A_21 = arith.constant 0 : index
      %get3A_22 = arith.constant 0 : index
      %get3A_23 = vector.load %arg2[%get3A_21, %get3A_22] : memref<4096x128xf32, #tpu.memory_space<vmem>>, vector<4096x128xf32>
      %get3A_24 = arith.constant 0 : index
      %get3A_25 = arith.constant 0 : index
      %get3A_26 = vector.load %arg3[%get3A_24, %get3A_25] : memref<128x128xf32, #tpu.memory_space<vmem>>, vector<128x128xf32>
      %dot_general3A_27 = arith.constant dense<0.000000e+00> : vector<4096x128xf32>
      %dot_general3A_28 = tpu.matmul %get3A_23, %get3A_26, %dot_general3A_27 {dimension_numbers = #tpu.dot_dimension_numbers<[1], [0], [0], [1], [0, 0, 1, 1], [], []>, transpose_lhs_hint = false} : vector<4096x128xf32>, vector<128x128xf32>, vector<4096x128xf32> -> vector<4096x128xf32>
      %get3A_29 = arith.constant 0 : index
      %get3A_30 = arith.constant 0 : index
      %get3A_31 = vector.load %arg4[%get3A_29, %get3A_30] : memref<1x128xf32, #tpu.memory_space<vmem>>, vector<1x128xf32>
      %add3A = vector.broadcast %get3A_31 : vector<1x128xf32> to vector<4096x128xf32>
      %add3A_32 = arith.addf %dot_general3A_28, %add3A : vector<4096x128xf32>
      %swap3A_33 = arith.constant 0 : index
      %swap3A_34 = arith.constant 0 : index
      %swap3A_35 = vector.load %arg8[%swap3A_33, %swap3A_34] : memref<4096x128xf32, #tpu.memory_space<vmem>>, vector<4096x128xf32>
      tpu.vector_store %arg8[%swap3A_33, %swap3A_34], %add3A_32 {strides = array<i32>} : memref<4096x128xf32, #tpu.memory_space<vmem>>, vector<4096x128xf32>,
    } else {
    }
    %mul3A = arith.constant 256 : i32
    %mul3A_2 = arith.muli %arg0, %mul3A : i32
    %get3A = arith.index_cast %mul3A_2 : i32 to index
    %get3A_3 = arith.constant 0 : index
    %get3A_4 = vector.load %arg5[%get3A, %get3A_3] : memref<4096x1xf32, #tpu.memory_space<vmem>>, vector<256x1xf32>
    %get3A_5 = arith.constant 0 : index
    %get3A_6 = arith.constant 0 : index
    %get3A_7 = vector.load %arg1[%get3A_5, %get3A_6] : memref<256x4096xf32, #tpu.memory_space<vmem>>, vector<256x4096xf32>
    %mul3A_8 = vector.broadcast %get3A_4 : vector<256x1xf32> to vector<256x4096xf32>
    %mul3A_9 = arith.mulf %mul3A_8, %get3A_7 : vector<256x4096xf32>
    %get3A_10 = arith.constant 0 : index
    %get3A_11 = arith.constant 0 : index
    %get3A_12 = vector.load %arg6[%get3A_10, %get3A_11] : memref<1x4096xf32, #tpu.memory_space<vmem>>, vector<1x4096xf32>
    %mul3A_13 = vector.broadcast %get3A_12 : vector<1x4096xf32> to vector<256x4096xf32>
    %mul3A_14 = arith.mulf %mul3A_9, %mul3A_13 : vector<256x4096xf32>
    %get3A_15 = arith.constant 0 : index
    %get3A_16 = arith.constant 0 : index
    %get3A_17 = vector.load %arg8[%get3A_15, %get3A_16] : memref<4096x128xf32, #tpu.memory_space<vmem>>, vector<4096x128xf32>
    %dot_general3A = arith.constant dense<0.000000e+00> : vector<256x128xf32>
    %dot_general3A_18 = tpu.matmul %mul3A_14, %get3A_17, %dot_general3A {dimension_numbers = #tpu.dot_dimension_numbers<[1], [0], [0], [1], [0, 0, 1, 1], [], []>, transpose_lhs_hint = false} : vector<256x4096xf32>, vector<4096x128xf32>, vector<256x128xf32> -> vector<256x128xf32>
    %tanh3A = math.tanh %dot_general3A_18 : vector<256x128xf32>
    %swap3A = arith.constant 0 : index
    %swap3A_19 = arith.constant 0 : index
    %swap3A_20 = vector.load %arg7[%swap3A, %swap3A_19] : memref<256x128xf32, #tpu.memory_space<vmem>>, vector<256x128xf32>
    tpu.vector_store %arg7[%swap3A, %swap3A_19], %tanh3A {strides = array<i32>} : memref<256x128xf32, #tpu.memory_space<vmem>>, vector<256x128xf32>,
    return
  }
  func.func @transform_0(%arg0: i32) -> (i32, i32) {
    %c0_i32 = arith.constant 0 : i32
    %c0_i32_0 = arith.constant 0 : i32
    return %arg0, %c0_i32 : i32, i32
  }
  func.func @transform_1(%arg0: i32) -> (i32, i32) {
    %c0_i32 = arith.constant 0 : i32
    %c0_i32_0 = arith.constant 0 : i32
    %c0_i32_1 = arith.constant 0 : i32
    return %c0_i32, %c0_i32_0 : i32, i32
  }
  func.func @transform_2(%arg0: i32) -> (i32, i32) {
    %c0_i32 = arith.constant 0 : i32
    %c0_i32_0 = arith.constant 0 : i32
    %c0_i32_1 = arith.constant 0 : i32
    return %c0_i32, %c0_i32_0 : i32, i32
  }
  func.func @transform_3(%arg0: i32) -> (i32, i32) {
    %c0_i32 = arith.constant 0 : i32
    %c0_i32_0 = arith.constant 0 : i32
    %c0_i32_1 = arith.constant 0 : i32
    return %c0_i32, %c0_i32_0 : i32, i32
  }
  func.func @transform_4(%arg0: i32) -> (i32, i32) {
    %c0_i32 = arith.constant 0 : i32
    %c0_i32_0 = arith.constant 0 : i32
    %c0_i32_1 = arith.constant 0 : i32
    return %c0_i32, %c0_i32_0 : i32, i32
  }
  func.func @transform_5(%arg0: i32) -> (i32, i32) {
    %c0_i32 = arith.constant 0 : i32
    %c0_i32_0 = arith.constant 0 : i32
    %c0_i32_1 = arith.constant 0 : i32
    return %c0_i32, %c0_i32_0 : i32, i32
  }
  func.func @transform_6(%arg0: i32) -> (i32, i32) {
    %c0_i32 = arith.constant 0 : i32
    %c0_i32_0 = arith.constant 0 : i32
    return %arg0, %c0_i32 : i32, i32
  }
}

module attributes {stable_mosaic.version = 14 : i64} {
  func.func @_topk_body(%arg0: i32, %arg1: memref<4096x128xf32, #tpu.memory_space<vmem>>, %arg2: memref<256x16xi32, #tpu.memory_space<vmem>>, %arg3: memref<256x16xf32, #tpu.memory_space<vmem>>) attributes {dimension_semantics = [#tpu.dimension_semantics<arbitrary>], iteration_bounds = array<i64: 16>, scalar_prefetch = 0 : i64, scratch_operands = 0 : i64, tpu.core_type = #tpu.core_type<tc>, window_params = [{pipeline_mode = #tpu.pipeline_mode<synchronous>, transform_indices = @transform_0, window_bounds = array<i64: 4096, 128>}, {transform_indices = @transform_1, window_bounds = array<i64: 256, 16>}, {transform_indices = @transform_2, window_bounds = array<i64: 256, 16>}]} {
    %mul3A = arith.constant 256 : i32
    %mul3A_0 = arith.muli %arg0, %mul3A : i32
    %get3A = arith.index_cast %mul3A_0 : i32 to index
    %get3A_1 = arith.constant 0 : index
    %get3A_2 = vector.load %arg1[%get3A, %get3A_1] : memref<4096x128xf32, #tpu.memory_space<vmem>>, vector<256x128xf32>
    %get3A_3 = arith.constant 0 : index
    %get3A_4 = arith.constant 0 : index
    %get3A_5 = vector.load %arg1[%get3A_3, %get3A_4] : memref<4096x128xf32, #tpu.memory_space<vmem>>, vector<4096x128xf32>
    %slice3A = vector.extract_strided_slice %get3A_2 {offsets = [0, 0], sizes = [256, 64], strides = [1, 1]} : vector<256x128xf32> to vector<256x64xf32>
    %slice3A_6 = vector.extract_strided_slice %get3A_5 {offsets = [0, 0], sizes = [4096, 64], strides = [1, 1]} : vector<4096x128xf32> to vector<4096x64xf32>
    %dot_general3A = arith.constant dense<0.000000e+00> : vector<256x4096xf32>
    %dot_general3A_7 = tpu.matmul %slice3A, %slice3A_6, %dot_general3A {dimension_numbers = #tpu.dot_dimension_numbers<[1], [1], [0], [0], [0, 0, 1, 0], [], []>, transpose_lhs_hint = false} : vector<256x64xf32>, vector<4096x64xf32>, vector<256x4096xf32> -> vector<256x4096xf32>
    %slice3A_8 = vector.extract_strided_slice %get3A_2 {offsets = [0, 64], sizes = [256, 64], strides = [1, 1]} : vector<256x128xf32> to vector<256x64xf32>
    %slice3A_9 = vector.extract_strided_slice %get3A_5 {offsets = [0, 64], sizes = [4096, 64], strides = [1, 1]} : vector<4096x128xf32> to vector<4096x64xf32>
    %dot_general3A_10 = arith.constant dense<0.000000e+00> : vector<256x4096xf32>
    %dot_general3A_11 = tpu.matmul %slice3A_8, %slice3A_9, %dot_general3A_10 {dimension_numbers = #tpu.dot_dimension_numbers<[1], [1], [0], [0], [0, 0, 1, 0], [], []>, transpose_lhs_hint = false} : vector<256x64xf32>, vector<4096x64xf32>, vector<256x4096xf32> -> vector<256x4096xf32>
    %add3A = arith.addf %dot_general3A_7, %dot_general3A_11 : vector<256x4096xf32>
    %iota3A = tpu.iota {dimensions = array<i32: 1>} : vector<256x4096xi32>
    %reduce_max3A = arith.constant dense<0xFF800000> : vector<256xf32>
    %reduce_max3A_12 = vector.multi_reduction <maximumf>, %add3A, %reduce_max3A [1] : vector<256x4096xf32> to vector<256xf32>
    %broadcast_in_dim3A = vector.shape_cast %reduce_max3A_12 : vector<256xf32> to vector<256x1xf32>
    %eq3A = vector.broadcast %broadcast_in_dim3A : vector<256x1xf32> to vector<256x4096xf32>
    %eq3A_13 = arith.cmpf oeq, %add3A, %eq3A : vector<256x4096xf32>
    %jit3A = arith.constant 4096 : i32
    %broadcast_in_dim3A_14 = vector.broadcast %jit3A : i32 to vector<256x4096xi32>
    %select_n3A = arith.select %eq3A_13, %iota3A, %broadcast_in_dim3A_14 : vector<256x4096xi1>, vector<256x4096xi32>
    %reduce_min3A = arith.constant dense<2147483647> : vector<256xi32>
    %reduce_min3A_15 = vector.multi_reduction <minsi>, %select_n3A, %reduce_min3A [1] : vector<256x4096xi32> to vector<256xi32>
    %broadcast_in_dim3A_16 = vector.shape_cast %reduce_min3A_15 : vector<256xi32> to vector<256x1xi32>
    %eq3A_17 = vector.broadcast %broadcast_in_dim3A_16 : vector<256x1xi32> to vector<256x4096xi32>
    %eq3A_18 = arith.cmpi eq, %iota3A, %eq3A_17 : vector<256x4096xi32>
    %jit3A_19 = arith.constant 0xFF800000 : f32
    %broadcast_in_dim3A_20 = vector.broadcast %jit3A_19 : f32 to vector<256x4096xf32>
    %select_n3A_21 = arith.select %eq3A_18, %broadcast_in_dim3A_20, %add3A : vector<256x4096xi1>, vector<256x4096xf32>
    %reduce_max3A_22 = arith.constant dense<0xFF800000> : vector<256xf32>
    %reduce_max3A_23 = vector.multi_reduction <maximumf>, %select_n3A_21, %reduce_max3A_22 [1] : vector<256x4096xf32> to vector<256xf32>
    %broadcast_in_dim3A_24 = vector.shape_cast %reduce_max3A_23 : vector<256xf32> to vector<256x1xf32>
    %eq3A_25 = vector.broadcast %broadcast_in_dim3A_24 : vector<256x1xf32> to vector<256x4096xf32>
    %eq3A_26 = arith.cmpf oeq, %select_n3A_21, %eq3A_25 : vector<256x4096xf32>
    %jit3A_27 = arith.constant 4096 : i32
    %broadcast_in_dim3A_28 = vector.broadcast %jit3A_27 : i32 to vector<256x4096xi32>
    %select_n3A_29 = arith.select %eq3A_26, %iota3A, %broadcast_in_dim3A_28 : vector<256x4096xi1>, vector<256x4096xi32>
    %reduce_min3A_30 = arith.constant dense<2147483647> : vector<256xi32>
    %reduce_min3A_31 = vector.multi_reduction <minsi>, %select_n3A_29, %reduce_min3A_30 [1] : vector<256x4096xi32> to vector<256xi32>
    %broadcast_in_dim3A_32 = vector.shape_cast %reduce_min3A_31 : vector<256xi32> to vector<256x1xi32>
    %eq3A_33 = vector.broadcast %broadcast_in_dim3A_32 : vector<256x1xi32> to vector<256x4096xi32>
    %eq3A_34 = arith.cmpi eq, %iota3A, %eq3A_33 : vector<256x4096xi32>
    %jit3A_35 = arith.constant 0xFF800000 : f32
    %broadcast_in_dim3A_36 = vector.broadcast %jit3A_35 : f32 to vector<256x4096xf32>
    %select_n3A_37 = arith.select %eq3A_34, %broadcast_in_dim3A_36, %select_n3A_21 : vector<256x4096xi1>, vector<256x4096xf32>
    %reduce_max3A_38 = arith.constant dense<0xFF800000> : vector<256xf32>
    %reduce_max3A_39 = vector.multi_reduction <maximumf>, %select_n3A_37, %reduce_max3A_38 [1] : vector<256x4096xf32> to vector<256xf32>
    %broadcast_in_dim3A_40 = vector.shape_cast %reduce_max3A_39 : vector<256xf32> to vector<256x1xf32>
    %eq3A_41 = vector.broadcast %broadcast_in_dim3A_40 : vector<256x1xf32> to vector<256x4096xf32>
    %eq3A_42 = arith.cmpf oeq, %select_n3A_37, %eq3A_41 : vector<256x4096xf32>
    %jit3A_43 = arith.constant 4096 : i32
    %broadcast_in_dim3A_44 = vector.broadcast %jit3A_43 : i32 to vector<256x4096xi32>
    %select_n3A_45 = arith.select %eq3A_42, %iota3A, %broadcast_in_dim3A_44 : vector<256x4096xi1>, vector<256x4096xi32>
    %reduce_min3A_46 = arith.constant dense<2147483647> : vector<256xi32>
    %reduce_min3A_47 = vector.multi_reduction <minsi>, %select_n3A_45, %reduce_min3A_46 [1] : vector<256x4096xi32> to vector<256xi32>
    %broadcast_in_dim3A_48 = vector.shape_cast %reduce_min3A_47 : vector<256xi32> to vector<256x1xi32>
    %eq3A_49 = vector.broadcast %broadcast_in_dim3A_48 : vector<256x1xi32> to vector<256x4096xi32>
    %eq3A_50 = arith.cmpi eq, %iota3A, %eq3A_49 : vector<256x4096xi32>
    %jit3A_51 = arith.constant 0xFF800000 : f32
    %broadcast_in_dim3A_52 = vector.broadcast %jit3A_51 : f32 to vector<256x4096xf32>
    %select_n3A_53 = arith.select %eq3A_50, %broadcast_in_dim3A_52, %select_n3A_37 : vector<256x4096xi1>, vector<256x4096xf32>
    %reduce_max3A_54 = arith.constant dense<0xFF800000> : vector<256xf32>
    %reduce_max3A_55 = vector.multi_reduction <maximumf>, %select_n3A_53, %reduce_max3A_54 [1] : vector<256x4096xf32> to vector<256xf32>
    %broadcast_in_dim3A_56 = vector.shape_cast %reduce_max3A_55 : vector<256xf32> to vector<256x1xf32>
    %eq3A_57 = vector.broadcast %broadcast_in_dim3A_56 : vector<256x1xf32> to vector<256x4096xf32>
    %eq3A_58 = arith.cmpf oeq, %select_n3A_53, %eq3A_57 : vector<256x4096xf32>
    %jit3A_59 = arith.constant 4096 : i32
    %broadcast_in_dim3A_60 = vector.broadcast %jit3A_59 : i32 to vector<256x4096xi32>
    %select_n3A_61 = arith.select %eq3A_58, %iota3A, %broadcast_in_dim3A_60 : vector<256x4096xi1>, vector<256x4096xi32>
    %reduce_min3A_62 = arith.constant dense<2147483647> : vector<256xi32>
    %reduce_min3A_63 = vector.multi_reduction <minsi>, %select_n3A_61, %reduce_min3A_62 [1] : vector<256x4096xi32> to vector<256xi32>
    %broadcast_in_dim3A_64 = vector.shape_cast %reduce_min3A_63 : vector<256xi32> to vector<256x1xi32>
    %eq3A_65 = vector.broadcast %broadcast_in_dim3A_64 : vector<256x1xi32> to vector<256x4096xi32>
    %eq3A_66 = arith.cmpi eq, %iota3A, %eq3A_65 : vector<256x4096xi32>
    %jit3A_67 = arith.constant 0xFF800000 : f32
    %broadcast_in_dim3A_68 = vector.broadcast %jit3A_67 : f32 to vector<256x4096xf32>
    %select_n3A_69 = arith.select %eq3A_66, %broadcast_in_dim3A_68, %select_n3A_53 : vector<256x4096xi1>, vector<256x4096xf32>
    %reduce_max3A_70 = arith.constant dense<0xFF800000> : vector<256xf32>
    %reduce_max3A_71 = vector.multi_reduction <maximumf>, %select_n3A_69, %reduce_max3A_70 [1] : vector<256x4096xf32> to vector<256xf32>
    %broadcast_in_dim3A_72 = vector.shape_cast %reduce_max3A_71 : vector<256xf32> to vector<256x1xf32>
    %eq3A_73 = vector.broadcast %broadcast_in_dim3A_72 : vector<256x1xf32> to vector<256x4096xf32>
    %eq3A_74 = arith.cmpf oeq, %select_n3A_69, %eq3A_73 : vector<256x4096xf32>
    %jit3A_75 = arith.constant 4096 : i32
    %broadcast_in_dim3A_76 = vector.broadcast %jit3A_75 : i32 to vector<256x4096xi32>
    %select_n3A_77 = arith.select %eq3A_74, %iota3A, %broadcast_in_dim3A_76 : vector<256x4096xi1>, vector<256x4096xi32>
    %reduce_min3A_78 = arith.constant dense<2147483647> : vector<256xi32>
    %reduce_min3A_79 = vector.multi_reduction <minsi>, %select_n3A_77, %reduce_min3A_78 [1] : vector<256x4096xi32> to vector<256xi32>
    %broadcast_in_dim3A_80 = vector.shape_cast %reduce_min3A_79 : vector<256xi32> to vector<256x1xi32>
    %eq3A_81 = vector.broadcast %broadcast_in_dim3A_80 : vector<256x1xi32> to vector<256x4096xi32>
    %eq3A_82 = arith.cmpi eq, %iota3A, %eq3A_81 : vector<256x4096xi32>
    %jit3A_83 = arith.constant 0xFF800000 : f32
    %broadcast_in_dim3A_84 = vector.broadcast %jit3A_83 : f32 to vector<256x4096xf32>
    %select_n3A_85 = arith.select %eq3A_82, %broadcast_in_dim3A_84, %select_n3A_69 : vector<256x4096xi1>, vector<256x4096xf32>
    %reduce_max3A_86 = arith.constant dense<0xFF800000> : vector<256xf32>
    %reduce_max3A_87 = vector.multi_reduction <maximumf>, %select_n3A_85, %reduce_max3A_86 [1] : vector<256x4096xf32> to vector<256xf32>
    %broadcast_in_dim3A_88 = vector.shape_cast %reduce_max3A_87 : vector<256xf32> to vector<256x1xf32>
    %eq3A_89 = vector.broadcast %broadcast_in_dim3A_88 : vector<256x1xf32> to vector<256x4096xf32>
    %eq3A_90 = arith.cmpf oeq, %select_n3A_85, %eq3A_89 : vector<256x4096xf32>
    %jit3A_91 = arith.constant 4096 : i32
    %broadcast_in_dim3A_92 = vector.broadcast %jit3A_91 : i32 to vector<256x4096xi32>
    %select_n3A_93 = arith.select %eq3A_90, %iota3A, %broadcast_in_dim3A_92 : vector<256x4096xi1>, vector<256x4096xi32>
    %reduce_min3A_94 = arith.constant dense<2147483647> : vector<256xi32>
    %reduce_min3A_95 = vector.multi_reduction <minsi>, %select_n3A_93, %reduce_min3A_94 [1] : vector<256x4096xi32> to vector<256xi32>
    %broadcast_in_dim3A_96 = vector.shape_cast %reduce_min3A_95 : vector<256xi32> to vector<256x1xi32>
    %eq3A_97 = vector.broadcast %broadcast_in_dim3A_96 : vector<256x1xi32> to vector<256x4096xi32>
    %eq3A_98 = arith.cmpi eq, %iota3A, %eq3A_97 : vector<256x4096xi32>
    %jit3A_99 = arith.constant 0xFF800000 : f32
    %broadcast_in_dim3A_100 = vector.broadcast %jit3A_99 : f32 to vector<256x4096xf32>
    %select_n3A_101 = arith.select %eq3A_98, %broadcast_in_dim3A_100, %select_n3A_85 : vector<256x4096xi1>, vector<256x4096xf32>
    %reduce_max3A_102 = arith.constant dense<0xFF800000> : vector<256xf32>
    %reduce_max3A_103 = vector.multi_reduction <maximumf>, %select_n3A_101, %reduce_max3A_102 [1] : vector<256x4096xf32> to vector<256xf32>
    %broadcast_in_dim3A_104 = vector.shape_cast %reduce_max3A_103 : vector<256xf32> to vector<256x1xf32>
    %eq3A_105 = vector.broadcast %broadcast_in_dim3A_104 : vector<256x1xf32> to vector<256x4096xf32>
    %eq3A_106 = arith.cmpf oeq, %select_n3A_101, %eq3A_105 : vector<256x4096xf32>
    %jit3A_107 = arith.constant 4096 : i32
    %broadcast_in_dim3A_108 = vector.broadcast %jit3A_107 : i32 to vector<256x4096xi32>
    %select_n3A_109 = arith.select %eq3A_106, %iota3A, %broadcast_in_dim3A_108 : vector<256x4096xi1>, vector<256x4096xi32>
    %reduce_min3A_110 = arith.constant dense<2147483647> : vector<256xi32>
    %reduce_min3A_111 = vector.multi_reduction <minsi>, %select_n3A_109, %reduce_min3A_110 [1] : vector<256x4096xi32> to vector<256xi32>
    %broadcast_in_dim3A_112 = vector.shape_cast %reduce_min3A_111 : vector<256xi32> to vector<256x1xi32>
    %eq3A_113 = vector.broadcast %broadcast_in_dim3A_112 : vector<256x1xi32> to vector<256x4096xi32>
    %eq3A_114 = arith.cmpi eq, %iota3A, %eq3A_113 : vector<256x4096xi32>
    %jit3A_115 = arith.constant 0xFF800000 : f32
    %broadcast_in_dim3A_116 = vector.broadcast %jit3A_115 : f32 to vector<256x4096xf32>
    %select_n3A_117 = arith.select %eq3A_114, %broadcast_in_dim3A_116, %select_n3A_101 : vector<256x4096xi1>, vector<256x4096xf32>
    %reduce_max3A_118 = arith.constant dense<0xFF800000> : vector<256xf32>
    %reduce_max3A_119 = vector.multi_reduction <maximumf>, %select_n3A_117, %reduce_max3A_118 [1] : vector<256x4096xf32> to vector<256xf32>
    %broadcast_in_dim3A_120 = vector.shape_cast %reduce_max3A_119 : vector<256xf32> to vector<256x1xf32>
    %eq3A_121 = vector.broadcast %broadcast_in_dim3A_120 : vector<256x1xf32> to vector<256x4096xf32>
    %eq3A_122 = arith.cmpf oeq, %select_n3A_117, %eq3A_121 : vector<256x4096xf32>
    %jit3A_123 = arith.constant 4096 : i32
    %broadcast_in_dim3A_124 = vector.broadcast %jit3A_123 : i32 to vector<256x4096xi32>
    %select_n3A_125 = arith.select %eq3A_122, %iota3A, %broadcast_in_dim3A_124 : vector<256x4096xi1>, vector<256x4096xi32>
    %reduce_min3A_126 = arith.constant dense<2147483647> : vector<256xi32>
    %reduce_min3A_127 = vector.multi_reduction <minsi>, %select_n3A_125, %reduce_min3A_126 [1] : vector<256x4096xi32> to vector<256xi32>
    %broadcast_in_dim3A_128 = vector.shape_cast %reduce_min3A_127 : vector<256xi32> to vector<256x1xi32>
    %eq3A_129 = vector.broadcast %broadcast_in_dim3A_128 : vector<256x1xi32> to vector<256x4096xi32>
    %eq3A_130 = arith.cmpi eq, %iota3A, %eq3A_129 : vector<256x4096xi32>
    %jit3A_131 = arith.constant 0xFF800000 : f32
    %broadcast_in_dim3A_132 = vector.broadcast %jit3A_131 : f32 to vector<256x4096xf32>
    %select_n3A_133 = arith.select %eq3A_130, %broadcast_in_dim3A_132, %select_n3A_117 : vector<256x4096xi1>, vector<256x4096xf32>
    %reduce_max3A_134 = arith.constant dense<0xFF800000> : vector<256xf32>
    %reduce_max3A_135 = vector.multi_reduction <maximumf>, %select_n3A_133, %reduce_max3A_134 [1] : vector<256x4096xf32> to vector<256xf32>
    %broadcast_in_dim3A_136 = vector.shape_cast %reduce_max3A_135 : vector<256xf32> to vector<256x1xf32>
    %eq3A_137 = vector.broadcast %broadcast_in_dim3A_136 : vector<256x1xf32> to vector<256x4096xf32>
    %eq3A_138 = arith.cmpf oeq, %select_n3A_133, %eq3A_137 : vector<256x4096xf32>
    %jit3A_139 = arith.constant 4096 : i32
    %broadcast_in_dim3A_140 = vector.broadcast %jit3A_139 : i32 to vector<256x4096xi32>
    %select_n3A_141 = arith.select %eq3A_138, %iota3A, %broadcast_in_dim3A_140 : vector<256x4096xi1>, vector<256x4096xi32>
    %reduce_min3A_142 = arith.constant dense<2147483647> : vector<256xi32>
    %reduce_min3A_143 = vector.multi_reduction <minsi>, %select_n3A_141, %reduce_min3A_142 [1] : vector<256x4096xi32> to vector<256xi32>
    %broadcast_in_dim3A_144 = vector.shape_cast %reduce_min3A_143 : vector<256xi32> to vector<256x1xi32>
    %eq3A_145 = vector.broadcast %broadcast_in_dim3A_144 : vector<256x1xi32> to vector<256x4096xi32>
    %eq3A_146 = arith.cmpi eq, %iota3A, %eq3A_145 : vector<256x4096xi32>
    %jit3A_147 = arith.constant 0xFF800000 : f32
    %broadcast_in_dim3A_148 = vector.broadcast %jit3A_147 : f32 to vector<256x4096xf32>
    %select_n3A_149 = arith.select %eq3A_146, %broadcast_in_dim3A_148, %select_n3A_133 : vector<256x4096xi1>, vector<256x4096xf32>
    %reduce_max3A_150 = arith.constant dense<0xFF800000> : vector<256xf32>
    %reduce_max3A_151 = vector.multi_reduction <maximumf>, %select_n3A_149, %reduce_max3A_150 [1] : vector<256x4096xf32> to vector<256xf32>
    %broadcast_in_dim3A_152 = vector.shape_cast %reduce_max3A_151 : vector<256xf32> to vector<256x1xf32>
    %eq3A_153 = vector.broadcast %broadcast_in_dim3A_152 : vector<256x1xf32> to vector<256x4096xf32>
    %eq3A_154 = arith.cmpf oeq, %select_n3A_149, %eq3A_153 : vector<256x4096xf32>
    %jit3A_155 = arith.constant 4096 : i32
    %broadcast_in_dim3A_156 = vector.broadcast %jit3A_155 : i32 to vector<256x4096xi32>
    %select_n3A_157 = arith.select %eq3A_154, %iota3A, %broadcast_in_dim3A_156 : vector<256x4096xi1>, vector<256x4096xi32>
    %reduce_min3A_158 = arith.constant dense<2147483647> : vector<256xi32>
    %reduce_min3A_159 = vector.multi_reduction <minsi>, %select_n3A_157, %reduce_min3A_158 [1] : vector<256x4096xi32> to vector<256xi32>
    %broadcast_in_dim3A_160 = vector.shape_cast %reduce_min3A_159 : vector<256xi32> to vector<256x1xi32>
    %broadcast_in_dim3A_161 = arith.constant -1 : i32
    %broadcast_in_dim3A_162 = vector.broadcast %broadcast_in_dim3A_161 : i32 to vector<256x6xi32>
    %broadcast_in_dim3A_163 = arith.constant 0.000000e+00 : f32
    %broadcast_in_dim3A_164 = vector.broadcast %broadcast_in_dim3A_163 : f32 to vector<256x6xf32>
    %concatenate3A = tpu.concatenate %broadcast_in_dim3A_16, %broadcast_in_dim3A_32, %broadcast_in_dim3A_48, %broadcast_in_dim3A_64, %broadcast_in_dim3A_80, %broadcast_in_dim3A_96, %broadcast_in_dim3A_112, %broadcast_in_dim3A_128, %broadcast_in_dim3A_144, %broadcast_in_dim3A_160, %broadcast_in_dim3A_162 in 1 : vector<256x1xi32>, vector<256x1xi32>, vector<256x1xi32>, vector<256x1xi32>, vector<256x1xi32>, vector<256x1xi32>, vector<256x1xi32>, vector<256x1xi32>, vector<256x1xi32>, vector<256x1xi32>, vector<256x6xi32> -> vector<256x16xi32>
    %swap3A = arith.constant 0 : index
    %swap3A_165 = arith.constant 0 : index
    %swap3A_166 = vector.load %arg2[%swap3A, %swap3A_165] : memref<256x16xi32, #tpu.memory_space<vmem>>, vector<256x16xi32>
    tpu.vector_store %arg2[%swap3A, %swap3A_165], %concatenate3A {strides = array<i32>} : memref<256x16xi32, #tpu.memory_space<vmem>>, vector<256x16xi32>,
    %concatenate3A_167 = tpu.concatenate %broadcast_in_dim3A, %broadcast_in_dim3A_24, %broadcast_in_dim3A_40, %broadcast_in_dim3A_56, %broadcast_in_dim3A_72, %broadcast_in_dim3A_88, %broadcast_in_dim3A_104, %broadcast_in_dim3A_120, %broadcast_in_dim3A_136, %broadcast_in_dim3A_152, %broadcast_in_dim3A_164 in 1 : vector<256x1xf32>, vector<256x1xf32>, vector<256x1xf32>, vector<256x1xf32>, vector<256x1xf32>, vector<256x1xf32>, vector<256x1xf32>, vector<256x1xf32>, vector<256x1xf32>, vector<256x1xf32>, vector<256x6xf32> -> vector<256x16xf32>
    %swap3A_168 = arith.constant 0 : index
    %swap3A_169 = arith.constant 0 : index
    %swap3A_170 = vector.load %arg3[%swap3A_168, %swap3A_169] : memref<256x16xf32, #tpu.memory_space<vmem>>, vector<256x16xf32>
    tpu.vector_store %arg3[%swap3A_168, %swap3A_169], %concatenate3A_167 {strides = array<i32>} : memref<256x16xf32, #tpu.memory_space<vmem>>, vector<256x16xf32>,
    return
  }
  func.func @transform_0(%arg0: i32) -> (i32, i32) {
    %c0_i32 = arith.constant 0 : i32
    %c0_i32_0 = arith.constant 0 : i32
    %c0_i32_1 = arith.constant 0 : i32
    return %c0_i32, %c0_i32_0 : i32, i32
  }
  func.func @transform_1(%arg0: i32) -> (i32, i32) {
    %c0_i32 = arith.constant 0 : i32
    %c0_i32_0 = arith.constant 0 : i32
    return %arg0, %c0_i32 : i32, i32
  }
  func.func @transform_2(%arg0: i32) -> (i32, i32) {
    %c0_i32 = arith.constant 0 : i32
    %c0_i32_0 = arith.constant 0 : i32
    return %arg0, %c0_i32 : i32, i32
  }
}

module attributes {stable_mosaic.version = 14 : i64} {
  func.func @_dninv_body(%arg0: memref<4096x1xf32, #tpu.memory_space<vmem>>, %arg1: memref<4096x1xf32, #tpu.memory_space<vmem>>, %arg2: memref<4096x1xf32, #tpu.memory_space<vmem>>) attributes {dimension_semantics = [], scalar_prefetch = 0 : i64, scratch_operands = 0 : i64, tpu.core_type = #tpu.core_type<tc>} {
    %get3A = arith.constant 0 : index
    %get3A_0 = arith.constant 0 : index
    %get3A_1 = vector.load %arg0[%get3A, %get3A_0] : memref<4096x1xf32, #tpu.memory_space<vmem>>, vector<4096x1xf32>
    %get3A_2 = arith.constant 0 : index
    %get3A_3 = arith.constant 0 : index
    %get3A_4 = vector.load %arg1[%get3A_2, %get3A_3] : memref<4096x1xf32, #tpu.memory_space<vmem>>, vector<4096x1xf32>
    %add3A = arith.addf %get3A_1, %get3A_4 : vector<4096x1xf32>
    %sqrt3A = math.sqrt %add3A : vector<4096x1xf32>
    %add3A_5 = arith.constant 1.000000e-10 : f32
    %add3A_6 = vector.broadcast %add3A_5 : f32 to vector<4096x1xf32>
    %add3A_7 = arith.addf %sqrt3A, %add3A_6 : vector<4096x1xf32>
    %div3A = arith.constant 1.000000e+00 : f32
    %div3A_8 = vector.broadcast %div3A : f32 to vector<4096x1xf32>
    %div3A_9 = arith.divf %div3A_8, %add3A_7 : vector<4096x1xf32>
    %swap3A = arith.constant 0 : index
    %swap3A_10 = arith.constant 0 : index
    %swap3A_11 = vector.load %arg2[%swap3A, %swap3A_10] : memref<4096x1xf32, #tpu.memory_space<vmem>>, vector<4096x1xf32>
    tpu.vector_store %arg2[%swap3A, %swap3A_10], %div3A_9 {strides = array<i32>} : memref<4096x1xf32, #tpu.memory_space<vmem>>, vector<4096x1xf32>,
    return
  }
}

module attributes {stable_mosaic.version = 14 : i64} {
  func.func @_gcn1_body(%arg0: i32, %arg1: memref<256x4096xf32, #tpu.memory_space<vmem>>, %arg2: memref<4096x128xf32, #tpu.memory_space<vmem>>, %arg3: memref<4096x16xi32, #tpu.memory_space<vmem>>, %arg4: memref<16x4096xi32, #tpu.memory_space<vmem>>, %arg5: memref<4096x128xf32, #tpu.memory_space<vmem>>, %arg6: memref<128x128xf32, #tpu.memory_space<vmem>>, %arg7: memref<1x128xf32, #tpu.memory_space<vmem>>, %arg8: memref<4096x1xf32, #tpu.memory_space<vmem>>, %arg9: memref<1x4096xf32, #tpu.memory_space<vmem>>, %arg10: memref<256x128xf32, #tpu.memory_space<vmem>>, %arg11: memref<256x4096xf32, #tpu.memory_space<vmem>>, %arg12: memref<4096x128xf32, #tpu.memory_space<vmem>>) attributes {dimension_semantics = [#tpu.dimension_semantics<arbitrary>], iteration_bounds = array<i64: 16>, scalar_prefetch = 0 : i64, scratch_operands = 1 : i64, tpu.core_type = #tpu.core_type<tc>, window_params = [{transform_indices = @transform_0, window_bounds = array<i64: 256, 4096>}, {pipeline_mode = #tpu.pipeline_mode<synchronous>, transform_indices = @transform_1, window_bounds = array<i64: 4096, 128>}, {pipeline_mode = #tpu.pipeline_mode<synchronous>, transform_indices = @transform_2, window_bounds = array<i64: 4096, 16>}, {pipeline_mode = #tpu.pipeline_mode<synchronous>, transform_indices = @transform_3, window_bounds = array<i64: 16, 4096>}, {pipeline_mode = #tpu.pipeline_mode<synchronous>, transform_indices = @transform_4, window_bounds = array<i64: 4096, 128>}, {pipeline_mode = #tpu.pipeline_mode<synchronous>, transform_indices = @transform_5, window_bounds = array<i64: 128, 128>}, {pipeline_mode = #tpu.pipeline_mode<synchronous>, transform_indices = @transform_6, window_bounds = array<i64: 1, 128>}, {pipeline_mode = #tpu.pipeline_mode<synchronous>, transform_indices = @transform_7, window_bounds = array<i64: 4096, 1>}, {pipeline_mode = #tpu.pipeline_mode<synchronous>, transform_indices = @transform_8, window_bounds = array<i64: 1, 4096>}, {transform_indices = @transform_9, window_bounds = array<i64: 256, 128>}, {transform_indices = @transform_10, window_bounds = array<i64: 256, 4096>}]} {
    %eq3A = arith.constant 0 : i32
    %eq3A_0 = arith.cmpi eq, %arg0, %eq3A : i32
    %convert_element_type3A = arith.extui %eq3A_0 : i1 to i32
    %cond3A = arith.constant 0 : i32
    %cond3A_1 = arith.cmpi ne, %convert_element_type3A, %cond3A : i32
    scf.if %cond3A_1 {
      %get3A_150 = arith.constant 0 : index
      %get3A_151 = arith.constant 0 : index
      %get3A_152 = vector.load %arg5[%get3A_150, %get3A_151] : memref<4096x128xf32, #tpu.memory_space<vmem>>, vector<4096x128xf32>
      %get3A_153 = arith.constant 0 : index
      %get3A_154 = arith.constant 0 : index
      %get3A_155 = vector.load %arg6[%get3A_153, %get3A_154] : memref<128x128xf32, #tpu.memory_space<vmem>>, vector<128x128xf32>
      %dot_general3A_156 = arith.constant dense<0.000000e+00> : vector<4096x128xf32>
      %dot_general3A_157 = tpu.matmul %get3A_152, %get3A_155, %dot_general3A_156 {dimension_numbers = #tpu.dot_dimension_numbers<[1], [0], [0], [1], [0, 0, 1, 1], [], []>, transpose_lhs_hint = false} : vector<4096x128xf32>, vector<128x128xf32>, vector<4096x128xf32> -> vector<4096x128xf32>
      %get3A_158 = arith.constant 0 : index
      %get3A_159 = arith.constant 0 : index
      %get3A_160 = vector.load %arg7[%get3A_158, %get3A_159] : memref<1x128xf32, #tpu.memory_space<vmem>>, vector<1x128xf32>
      %add3A_161 = vector.broadcast %get3A_160 : vector<1x128xf32> to vector<4096x128xf32>
      %add3A_162 = arith.addf %dot_general3A_157, %add3A_161 : vector<4096x128xf32>
      %swap3A_163 = arith.constant 0 : index
      %swap3A_164 = arith.constant 0 : index
      %swap3A_165 = vector.load %arg12[%swap3A_163, %swap3A_164] : memref<4096x128xf32, #tpu.memory_space<vmem>>, vector<4096x128xf32>
      tpu.vector_store %arg12[%swap3A_163, %swap3A_164], %add3A_162 {strides = array<i32>} : memref<4096x128xf32, #tpu.memory_space<vmem>>, vector<4096x128xf32>,
    } else {
    }
    %mul3A = arith.constant 256 : i32
    %mul3A_2 = arith.muli %arg0, %mul3A : i32
    %get3A = arith.index_cast %mul3A_2 : i32 to index
    %get3A_3 = arith.constant 0 : index
    %get3A_4 = vector.load %arg2[%get3A, %get3A_3] : memref<4096x128xf32, #tpu.memory_space<vmem>>, vector<256x128xf32>
    %get3A_5 = arith.constant 0 : index
    %get3A_6 = arith.constant 0 : index
    %get3A_7 = vector.load %arg2[%get3A_5, %get3A_6] : memref<4096x128xf32, #tpu.memory_space<vmem>>, vector<4096x128xf32>
    %slice3A = vector.extract_strided_slice %get3A_4 {offsets = [0, 0], sizes = [256, 64], strides = [1, 1]} : vector<256x128xf32> to vector<256x64xf32>
    %slice3A_8 = vector.extract_strided_slice %get3A_7 {offsets = [0, 0], sizes = [4096, 64], strides = [1, 1]} : vector<4096x128xf32> to vector<4096x64xf32>
    %dot_general3A = arith.constant dense<0.000000e+00> : vector<256x4096xf32>
    %dot_general3A_9 = tpu.matmul %slice3A, %slice3A_8, %dot_general3A {dimension_numbers = #tpu.dot_dimension_numbers<[1], [1], [0], [0], [0, 0, 1, 0], [], []>, transpose_lhs_hint = false} : vector<256x64xf32>, vector<4096x64xf32>, vector<256x4096xf32> -> vector<256x4096xf32>
    %slice3A_10 = vector.extract_strided_slice %get3A_4 {offsets = [0, 64], sizes = [256, 64], strides = [1, 1]} : vector<256x128xf32> to vector<256x64xf32>
    %slice3A_11 = vector.extract_strided_slice %get3A_7 {offsets = [0, 64], sizes = [4096, 64], strides = [1, 1]} : vector<4096x128xf32> to vector<4096x64xf32>
    %dot_general3A_12 = arith.constant dense<0.000000e+00> : vector<256x4096xf32>
    %dot_general3A_13 = tpu.matmul %slice3A_10, %slice3A_11, %dot_general3A_12 {dimension_numbers = #tpu.dot_dimension_numbers<[1], [1], [0], [0], [0, 0, 1, 0], [], []>, transpose_lhs_hint = false} : vector<256x64xf32>, vector<4096x64xf32>, vector<256x4096xf32> -> vector<256x4096xf32>
    %add3A = arith.addf %dot_general3A_9, %dot_general3A_13 : vector<256x4096xf32>
    %iota3A = tpu.iota {dimensions = array<i32: 1>} : vector<256x4096xi32>
    %iota3A_14 = tpu.iota {dimensions = array<i32: 0>} : vector<256x4096xi32>
    %mul3A_15 = arith.constant 256 : i32
    %mul3A_16 = arith.muli %arg0, %mul3A_15 : i32
    %add3A_17 = vector.broadcast %mul3A_16 : i32 to vector<256x4096xi32>
    %add3A_18 = arith.addi %iota3A_14, %add3A_17 : vector<256x4096xi32>
    %mul3A_19 = arith.constant 256 : i32
    %mul3A_20 = arith.muli %arg0, %mul3A_19 : i32
    %get3A_21 = arith.index_cast %mul3A_20 : i32 to index
    %get3A_22 = arith.constant 0 : index
    %get3A_23 = vector.load %arg3[%get3A_21, %get3A_22] : memref<4096x16xi32, #tpu.memory_space<vmem>>, vector<256x16xi32>
    %slice3A_24 = vector.extract_strided_slice %get3A_23 {offsets = [0, 0], sizes = [256, 1], strides = [1, 1]} : vector<256x16xi32> to vector<256x1xi32>
    %eq3A_25 = vector.broadcast %slice3A_24 : vector<256x1xi32> to vector<256x4096xi32>
    %eq3A_26 = arith.cmpi eq, %eq3A_25, %iota3A : vector<256x4096xi32>
    %get3A_27 = arith.constant 0 : index
    %get3A_28 = arith.constant 0 : index
    %get3A_29 = vector.load %arg4[%get3A_27, %get3A_28] : memref<16x4096xi32, #tpu.memory_space<vmem>>, vector<1x4096xi32>
    %eq3A_30 = vector.broadcast %get3A_29 : vector<1x4096xi32> to vector<256x4096xi32>
    %eq3A_31 = arith.cmpi eq, %eq3A_30, %add3A_18 : vector<256x4096xi32>
    %or3A = arith.ori %eq3A_26, %eq3A_31 : vector<256x4096xi1>
    %slice3A_32 = vector.extract_strided_slice %get3A_23 {offsets = [0, 1], sizes = [256, 1], strides = [1, 1]} : vector<256x16xi32> to vector<256x1xi32>
    %eq3A_33 = vector.broadcast %slice3A_32 : vector<256x1xi32> to vector<256x4096xi32>
    %eq3A_34 = arith.cmpi eq, %eq3A_33, %iota3A : vector<256x4096xi32>
    %or3A_35 = arith.ori %or3A, %eq3A_34 : vector<256x4096xi1>
    %get3A_36 = arith.constant 1 : index
    %get3A_37 = arith.constant 0 : index
    %get3A_38 = vector.load %arg4[%get3A_36, %get3A_37] : memref<16x4096xi32, #tpu.memory_space<vmem>>, vector<1x4096xi32>
    %eq3A_39 = vector.broadcast %get3A_38 : vector<1x4096xi32> to vector<256x4096xi32>
    %eq3A_40 = arith.cmpi eq, %eq3A_39, %add3A_18 : vector<256x4096xi32>
    %or3A_41 = arith.ori %or3A_35, %eq3A_40 : vector<256x4096xi1>
    %slice3A_42 = vector.extract_strided_slice %get3A_23 {offsets = [0, 2], sizes = [256, 1], strides = [1, 1]} : vector<256x16xi32> to vector<256x1xi32>
    %eq3A_43 = vector.broadcast %slice3A_42 : vector<256x1xi32> to vector<256x4096xi32>
    %eq3A_44 = arith.cmpi eq, %eq3A_43, %iota3A : vector<256x4096xi32>
    %or3A_45 = arith.ori %or3A_41, %eq3A_44 : vector<256x4096xi1>
    %get3A_46 = arith.constant 2 : index
    %get3A_47 = arith.constant 0 : index
    %get3A_48 = vector.load %arg4[%get3A_46, %get3A_47] : memref<16x4096xi32, #tpu.memory_space<vmem>>, vector<1x4096xi32>
    %eq3A_49 = vector.broadcast %get3A_48 : vector<1x4096xi32> to vector<256x4096xi32>
    %eq3A_50 = arith.cmpi eq, %eq3A_49, %add3A_18 : vector<256x4096xi32>
    %or3A_51 = arith.ori %or3A_45, %eq3A_50 : vector<256x4096xi1>
    %slice3A_52 = vector.extract_strided_slice %get3A_23 {offsets = [0, 3], sizes = [256, 1], strides = [1, 1]} : vector<256x16xi32> to vector<256x1xi32>
    %eq3A_53 = vector.broadcast %slice3A_52 : vector<256x1xi32> to vector<256x4096xi32>
    %eq3A_54 = arith.cmpi eq, %eq3A_53, %iota3A : vector<256x4096xi32>
    %or3A_55 = arith.ori %or3A_51, %eq3A_54 : vector<256x4096xi1>
    %get3A_56 = arith.constant 3 : index
    %get3A_57 = arith.constant 0 : index
    %get3A_58 = vector.load %arg4[%get3A_56, %get3A_57] : memref<16x4096xi32, #tpu.memory_space<vmem>>, vector<1x4096xi32>
    %eq3A_59 = vector.broadcast %get3A_58 : vector<1x4096xi32> to vector<256x4096xi32>
    %eq3A_60 = arith.cmpi eq, %eq3A_59, %add3A_18 : vector<256x4096xi32>
    %or3A_61 = arith.ori %or3A_55, %eq3A_60 : vector<256x4096xi1>
    %slice3A_62 = vector.extract_strided_slice %get3A_23 {offsets = [0, 4], sizes = [256, 1], strides = [1, 1]} : vector<256x16xi32> to vector<256x1xi32>
    %eq3A_63 = vector.broadcast %slice3A_62 : vector<256x1xi32> to vector<256x4096xi32>
    %eq3A_64 = arith.cmpi eq, %eq3A_63, %iota3A : vector<256x4096xi32>
    %or3A_65 = arith.ori %or3A_61, %eq3A_64 : vector<256x4096xi1>
    %get3A_66 = arith.constant 4 : index
    %get3A_67 = arith.constant 0 : index
    %get3A_68 = vector.load %arg4[%get3A_66, %get3A_67] : memref<16x4096xi32, #tpu.memory_space<vmem>>, vector<1x4096xi32>
    %eq3A_69 = vector.broadcast %get3A_68 : vector<1x4096xi32> to vector<256x4096xi32>
    %eq3A_70 = arith.cmpi eq, %eq3A_69, %add3A_18 : vector<256x4096xi32>
    %or3A_71 = arith.ori %or3A_65, %eq3A_70 : vector<256x4096xi1>
    %slice3A_72 = vector.extract_strided_slice %get3A_23 {offsets = [0, 5], sizes = [256, 1], strides = [1, 1]} : vector<256x16xi32> to vector<256x1xi32>
    %eq3A_73 = vector.broadcast %slice3A_72 : vector<256x1xi32> to vector<256x4096xi32>
    %eq3A_74 = arith.cmpi eq, %eq3A_73, %iota3A : vector<256x4096xi32>
    %or3A_75 = arith.ori %or3A_71, %eq3A_74 : vector<256x4096xi1>
    %get3A_76 = arith.constant 5 : index
    %get3A_77 = arith.constant 0 : index
    %get3A_78 = vector.load %arg4[%get3A_76, %get3A_77] : memref<16x4096xi32, #tpu.memory_space<vmem>>, vector<1x4096xi32>
    %eq3A_79 = vector.broadcast %get3A_78 : vector<1x4096xi32> to vector<256x4096xi32>
    %eq3A_80 = arith.cmpi eq, %eq3A_79, %add3A_18 : vector<256x4096xi32>
    %or3A_81 = arith.ori %or3A_75, %eq3A_80 : vector<256x4096xi1>
    %slice3A_82 = vector.extract_strided_slice %get3A_23 {offsets = [0, 6], sizes = [256, 1], strides = [1, 1]} : vector<256x16xi32> to vector<256x1xi32>
    %eq3A_83 = vector.broadcast %slice3A_82 : vector<256x1xi32> to vector<256x4096xi32>
    %eq3A_84 = arith.cmpi eq, %eq3A_83, %iota3A : vector<256x4096xi32>
    %or3A_85 = arith.ori %or3A_81, %eq3A_84 : vector<256x4096xi1>
    %get3A_86 = arith.constant 6 : index
    %get3A_87 = arith.constant 0 : index
    %get3A_88 = vector.load %arg4[%get3A_86, %get3A_87] : memref<16x4096xi32, #tpu.memory_space<vmem>>, vector<1x4096xi32>
    %eq3A_89 = vector.broadcast %get3A_88 : vector<1x4096xi32> to vector<256x4096xi32>
    %eq3A_90 = arith.cmpi eq, %eq3A_89, %add3A_18 : vector<256x4096xi32>
    %or3A_91 = arith.ori %or3A_85, %eq3A_90 : vector<256x4096xi1>
    %slice3A_92 = vector.extract_strided_slice %get3A_23 {offsets = [0, 7], sizes = [256, 1], strides = [1, 1]} : vector<256x16xi32> to vector<256x1xi32>
    %eq3A_93 = vector.broadcast %slice3A_92 : vector<256x1xi32> to vector<256x4096xi32>
    %eq3A_94 = arith.cmpi eq, %eq3A_93, %iota3A : vector<256x4096xi32>
    %or3A_95 = arith.ori %or3A_91, %eq3A_94 : vector<256x4096xi1>
    %get3A_96 = arith.constant 7 : index
    %get3A_97 = arith.constant 0 : index
    %get3A_98 = vector.load %arg4[%get3A_96, %get3A_97] : memref<16x4096xi32, #tpu.memory_space<vmem>>, vector<1x4096xi32>
    %eq3A_99 = vector.broadcast %get3A_98 : vector<1x4096xi32> to vector<256x4096xi32>
    %eq3A_100 = arith.cmpi eq, %eq3A_99, %add3A_18 : vector<256x4096xi32>
    %or3A_101 = arith.ori %or3A_95, %eq3A_100 : vector<256x4096xi1>
    %slice3A_102 = vector.extract_strided_slice %get3A_23 {offsets = [0, 8], sizes = [256, 1], strides = [1, 1]} : vector<256x16xi32> to vector<256x1xi32>
    %eq3A_103 = vector.broadcast %slice3A_102 : vector<256x1xi32> to vector<256x4096xi32>
    %eq3A_104 = arith.cmpi eq, %eq3A_103, %iota3A : vector<256x4096xi32>
    %or3A_105 = arith.ori %or3A_101, %eq3A_104 : vector<256x4096xi1>
    %get3A_106 = arith.constant 8 : index
    %get3A_107 = arith.constant 0 : index
    %get3A_108 = vector.load %arg4[%get3A_106, %get3A_107] : memref<16x4096xi32, #tpu.memory_space<vmem>>, vector<1x4096xi32>
    %eq3A_109 = vector.broadcast %get3A_108 : vector<1x4096xi32> to vector<256x4096xi32>
    %eq3A_110 = arith.cmpi eq, %eq3A_109, %add3A_18 : vector<256x4096xi32>
    %or3A_111 = arith.ori %or3A_105, %eq3A_110 : vector<256x4096xi1>
    %slice3A_112 = vector.extract_strided_slice %get3A_23 {offsets = [0, 9], sizes = [256, 1], strides = [1, 1]} : vector<256x16xi32> to vector<256x1xi32>
    %eq3A_113 = vector.broadcast %slice3A_112 : vector<256x1xi32> to vector<256x4096xi32>
    %eq3A_114 = arith.cmpi eq, %eq3A_113, %iota3A : vector<256x4096xi32>
    %or3A_115 = arith.ori %or3A_111, %eq3A_114 : vector<256x4096xi1>
    %get3A_116 = arith.constant 9 : index
    %get3A_117 = arith.constant 0 : index
    %get3A_118 = vector.load %arg4[%get3A_116, %get3A_117] : memref<16x4096xi32, #tpu.memory_space<vmem>>, vector<1x4096xi32>
    %eq3A_119 = vector.broadcast %get3A_118 : vector<1x4096xi32> to vector<256x4096xi32>
    %eq3A_120 = arith.cmpi eq, %eq3A_119, %add3A_18 : vector<256x4096xi32>
    %or3A_121 = arith.ori %or3A_115, %eq3A_120 : vector<256x4096xi1>
    %get3A_122 = arith.constant 0 : index
    %get3A_123 = arith.constant 0 : index
    %get3A_124 = vector.load %arg1[%get3A_122, %get3A_123] : memref<256x4096xf32, #tpu.memory_space<vmem>>, vector<256x4096xf32>
    %jit3A = arith.constant 0.000000e+00 : f32
    %broadcast_in_dim3A = vector.broadcast %jit3A : f32 to vector<256x4096xf32>
    %select_n3A = arith.select %or3A_121, %add3A, %broadcast_in_dim3A : vector<256x4096xi1>, vector<256x4096xf32>
    %add3A_125 = arith.addf %get3A_124, %select_n3A : vector<256x4096xf32>
    %mul3A_126 = arith.constant 256 : i32
    %mul3A_127 = arith.muli %arg0, %mul3A_126 : i32
    %get3A_128 = arith.index_cast %mul3A_127 : i32 to index
    %get3A_129 = arith.constant 0 : index
    %get3A_130 = vector.load %arg8[%get3A_128, %get3A_129] : memref<4096x1xf32, #tpu.memory_space<vmem>>, vector<256x1xf32>
    %mul3A_131 = vector.broadcast %get3A_130 : vector<256x1xf32> to vector<256x4096xf32>
    %mul3A_132 = arith.mulf %mul3A_131, %add3A_125 : vector<256x4096xf32>
    %get3A_133 = arith.constant 0 : index
    %get3A_134 = arith.constant 0 : index
    %get3A_135 = vector.load %arg9[%get3A_133, %get3A_134] : memref<1x4096xf32, #tpu.memory_space<vmem>>, vector<1x4096xf32>
    %mul3A_136 = vector.broadcast %get3A_135 : vector<1x4096xf32> to vector<256x4096xf32>
    %mul3A_137 = arith.mulf %mul3A_132, %mul3A_136 : vector<256x4096xf32>
    %swap3A = arith.constant 0 : index
    %swap3A_138 = arith.constant 0 : index
    %swap3A_139 = vector.load %arg11[%swap3A, %swap3A_138] : memref<256x4096xf32, #tpu.memory_space<vmem>>, vector<256x4096xf32>
    tpu.vector_store %arg11[%swap3A, %swap3A_138], %mul3A_137 {strides = array<i32>} : memref<256x4096xf32, #tpu.memory_space<vmem>>, vector<256x4096xf32>,
    %get3A_140 = arith.constant 0 : index
    %get3A_141 = arith.constant 0 : index
    %get3A_142 = vector.load %arg12[%get3A_140, %get3A_141] : memref<4096x128xf32, #tpu.memory_space<vmem>>, vector<4096x128xf32>
    %dot_general3A_143 = arith.constant dense<0.000000e+00> : vector<256x128xf32>
    %dot_general3A_144 = tpu.matmul %mul3A_137, %get3A_142, %dot_general3A_143 {dimension_numbers = #tpu.dot_dimension_numbers<[1], [0], [0], [1], [0, 0, 1, 1], [], []>, transpose_lhs_hint = false} : vector<256x4096xf32>, vector<4096x128xf32>, vector<256x128xf32> -> vector<256x128xf32>
    %max3A = arith.constant 0.000000e+00 : f32
    %max3A_145 = vector.broadcast %max3A : f32 to vector<256x128xf32>
    %max3A_146 = arith.maximumf %dot_general3A_144, %max3A_145 : vector<256x128xf32>
    %swap3A_147 = arith.constant 0 : index
    %swap3A_148 = arith.constant 0 : index
    %swap3A_149 = vector.load %arg10[%swap3A_147, %swap3A_148] : memref<256x128xf32, #tpu.memory_space<vmem>>, vector<256x128xf32>
    tpu.vector_store %arg10[%swap3A_147, %swap3A_148], %max3A_146 {strides = array<i32>} : memref<256x128xf32, #tpu.memory_space<vmem>>, vector<256x128xf32>,
    return
  }
  func.func @transform_0(%arg0: i32) -> (i32, i32) {
    %c0_i32 = arith.constant 0 : i32
    %c0_i32_0 = arith.constant 0 : i32
    return %arg0, %c0_i32 : i32, i32
  }
  func.func @transform_1(%arg0: i32) -> (i32, i32) {
    %c0_i32 = arith.constant 0 : i32
    %c0_i32_0 = arith.constant 0 : i32
    %c0_i32_1 = arith.constant 0 : i32
    return %c0_i32, %c0_i32_0 : i32, i32
  }
  func.func @transform_2(%arg0: i32) -> (i32, i32) {
    %c0_i32 = arith.constant 0 : i32
    %c0_i32_0 = arith.constant 0 : i32
    %c0_i32_1 = arith.constant 0 : i32
    return %c0_i32, %c0_i32_0 : i32, i32
  }
  func.func @transform_3(%arg0: i32) -> (i32, i32) {
    %c0_i32 = arith.constant 0 : i32
    %c0_i32_0 = arith.constant 0 : i32
    %c0_i32_1 = arith.constant 0 : i32
    return %c0_i32, %c0_i32_0 : i32, i32
  }
  func.func @transform_4(%arg0: i32) -> (i32, i32) {
    %c0_i32 = arith.constant 0 : i32
    %c0_i32_0 = arith.constant 0 : i32
    %c0_i32_1 = arith.constant 0 : i32
    return %c0_i32, %c0_i32_0 : i32, i32
  }
  func.func @transform_5(%arg0: i32) -> (i32, i32) {
    %c0_i32 = arith.constant 0 : i32
    %c0_i32_0 = arith.constant 0 : i32
    %c0_i32_1 = arith.constant 0 : i32
    return %c0_i32, %c0_i32_0 : i32, i32
  }
  func.func @transform_6(%arg0: i32) -> (i32, i32) {
    %c0_i32 = arith.constant 0 : i32
    %c0_i32_0 = arith.constant 0 : i32
    %c0_i32_1 = arith.constant 0 : i32
    return %c0_i32, %c0_i32_0 : i32, i32
  }
  func.func @transform_7(%arg0: i32) -> (i32, i32) {
    %c0_i32 = arith.constant 0 : i32
    %c0_i32_0 = arith.constant 0 : i32
    %c0_i32_1 = arith.constant 0 : i32
    return %c0_i32, %c0_i32_0 : i32, i32
  }
  func.func @transform_8(%arg0: i32) -> (i32, i32) {
    %c0_i32 = arith.constant 0 : i32
    %c0_i32_0 = arith.constant 0 : i32
    %c0_i32_1 = arith.constant 0 : i32
    return %c0_i32, %c0_i32_0 : i32, i32
  }
  func.func @transform_9(%arg0: i32) -> (i32, i32) {
    %c0_i32 = arith.constant 0 : i32
    %c0_i32_0 = arith.constant 0 : i32
    return %arg0, %c0_i32 : i32, i32
  }
  func.func @transform_10(%arg0: i32) -> (i32, i32) {
    %c0_i32 = arith.constant 0 : i32
    %c0_i32_0 = arith.constant 0 : i32
    return %arg0, %c0_i32 : i32, i32
  }
}

module attributes {stable_mosaic.version = 14 : i64} {
  func.func @_gcn2_body(%arg0: i32, %arg1: memref<256x4096xf32, #tpu.memory_space<vmem>>, %arg2: memref<4096x128xf32, #tpu.memory_space<vmem>>, %arg3: memref<128x128xf32, #tpu.memory_space<vmem>>, %arg4: memref<1x128xf32, #tpu.memory_space<vmem>>, %arg5: memref<256x128xf32, #tpu.memory_space<vmem>>, %arg6: memref<4096x128xf32, #tpu.memory_space<vmem>>) attributes {dimension_semantics = [#tpu.dimension_semantics<arbitrary>], iteration_bounds = array<i64: 16>, scalar_prefetch = 0 : i64, scratch_operands = 1 : i64, tpu.core_type = #tpu.core_type<tc>, window_params = [{transform_indices = @transform_0, window_bounds = array<i64: 256, 4096>}, {pipeline_mode = #tpu.pipeline_mode<synchronous>, transform_indices = @transform_1, window_bounds = array<i64: 4096, 128>}, {pipeline_mode = #tpu.pipeline_mode<synchronous>, transform_indices = @transform_2, window_bounds = array<i64: 128, 128>}, {pipeline_mode = #tpu.pipeline_mode<synchronous>, transform_indices = @transform_3, window_bounds = array<i64: 1, 128>}, {transform_indices = @transform_4, window_bounds = array<i64: 256, 128>}]} {
    %eq3A = arith.constant 0 : i32
    %eq3A_0 = arith.cmpi eq, %arg0, %eq3A : i32
    %convert_element_type3A = arith.extui %eq3A_0 : i1 to i32
    %cond3A = arith.constant 0 : i32
    %cond3A_1 = arith.cmpi ne, %convert_element_type3A, %cond3A : i32
    scf.if %cond3A_1 {
      %get3A_10 = arith.constant 0 : index
      %get3A_11 = arith.constant 0 : index
      %get3A_12 = vector.load %arg2[%get3A_10, %get3A_11] : memref<4096x128xf32, #tpu.memory_space<vmem>>, vector<4096x128xf32>
      %get3A_13 = arith.constant 0 : index
      %get3A_14 = arith.constant 0 : index
      %get3A_15 = vector.load %arg3[%get3A_13, %get3A_14] : memref<128x128xf32, #tpu.memory_space<vmem>>, vector<128x128xf32>
      %dot_general3A_16 = arith.constant dense<0.000000e+00> : vector<4096x128xf32>
      %dot_general3A_17 = tpu.matmul %get3A_12, %get3A_15, %dot_general3A_16 {dimension_numbers = #tpu.dot_dimension_numbers<[1], [0], [0], [1], [0, 0, 1, 1], [], []>, transpose_lhs_hint = false} : vector<4096x128xf32>, vector<128x128xf32>, vector<4096x128xf32> -> vector<4096x128xf32>
      %get3A_18 = arith.constant 0 : index
      %get3A_19 = arith.constant 0 : index
      %get3A_20 = vector.load %arg4[%get3A_18, %get3A_19] : memref<1x128xf32, #tpu.memory_space<vmem>>, vector<1x128xf32>
      %add3A = vector.broadcast %get3A_20 : vector<1x128xf32> to vector<4096x128xf32>
      %add3A_21 = arith.addf %dot_general3A_17, %add3A : vector<4096x128xf32>
      %swap3A_22 = arith.constant 0 : index
      %swap3A_23 = arith.constant 0 : index
      %swap3A_24 = vector.load %arg6[%swap3A_22, %swap3A_23] : memref<4096x128xf32, #tpu.memory_space<vmem>>, vector<4096x128xf32>
      tpu.vector_store %arg6[%swap3A_22, %swap3A_23], %add3A_21 {strides = array<i32>} : memref<4096x128xf32, #tpu.memory_space<vmem>>, vector<4096x128xf32>,
    } else {
    }
    %get3A = arith.constant 0 : index
    %get3A_2 = arith.constant 0 : index
    %get3A_3 = vector.load %arg1[%get3A, %get3A_2] : memref<256x4096xf32, #tpu.memory_space<vmem>>, vector<256x4096xf32>
    %get3A_4 = arith.constant 0 : index
    %get3A_5 = arith.constant 0 : index
    %get3A_6 = vector.load %arg6[%get3A_4, %get3A_5] : memref<4096x128xf32, #tpu.memory_space<vmem>>, vector<4096x128xf32>
    %dot_general3A = arith.constant dense<0.000000e+00> : vector<256x128xf32>
    %dot_general3A_7 = tpu.matmul %get3A_3, %get3A_6, %dot_general3A {dimension_numbers = #tpu.dot_dimension_numbers<[1], [0], [0], [1], [0, 0, 1, 1], [], []>, transpose_lhs_hint = false} : vector<256x4096xf32>, vector<4096x128xf32>, vector<256x128xf32> -> vector<256x128xf32>
    %swap3A = arith.constant 0 : index
    %swap3A_8 = arith.constant 0 : index
    %swap3A_9 = vector.load %arg5[%swap3A, %swap3A_8] : memref<256x128xf32, #tpu.memory_space<vmem>>, vector<256x128xf32>
    tpu.vector_store %arg5[%swap3A, %swap3A_8], %dot_general3A_7 {strides = array<i32>} : memref<256x128xf32, #tpu.memory_space<vmem>>, vector<256x128xf32>,
    return
  }
  func.func @transform_0(%arg0: i32) -> (i32, i32) {
    %c0_i32 = arith.constant 0 : i32
    %c0_i32_0 = arith.constant 0 : i32
    return %arg0, %c0_i32 : i32, i32
  }
  func.func @transform_1(%arg0: i32) -> (i32, i32) {
    %c0_i32 = arith.constant 0 : i32
    %c0_i32_0 = arith.constant 0 : i32
    %c0_i32_1 = arith.constant 0 : i32
    return %c0_i32, %c0_i32_0 : i32, i32
  }
  func.func @transform_2(%arg0: i32) -> (i32, i32) {
    %c0_i32 = arith.constant 0 : i32
    %c0_i32_0 = arith.constant 0 : i32
    %c0_i32_1 = arith.constant 0 : i32
    return %c0_i32, %c0_i32_0 : i32, i32
  }
  func.func @transform_3(%arg0: i32) -> (i32, i32) {
    %c0_i32 = arith.constant 0 : i32
    %c0_i32_0 = arith.constant 0 : i32
    %c0_i32_1 = arith.constant 0 : i32
    return %c0_i32, %c0_i32_0 : i32, i32
  }
  func.func @transform_4(%arg0: i32) -> (i32, i32) {
    %c0_i32 = arith.constant 0 : i32
    %c0_i32_0 = arith.constant 0 : i32
    return %arg0, %c0_i32 : i32, i32
  }
}

</mosaic_0001>

<sc_bundles>
// kernel: kernel.10.cloned.1.call-start
scs
__scs_entry_jumppad:
0x0: {  	(pc) =	sbr.rel $0x88, $3  }
0x1: {  	(tag) =	ssettag $0x0;
	lr =	simm.s32 $0x1  }
0x2: {  	[smem:$0x3F97] =	sst lr;
	_ =	strace $0xD0000000  }
0x3: {  	_ = 	snop  }
0x4: {  	_ = 	snop  }
0x5: {  	_ = 	snop  }
0x6: {  	_ = 	snop  }
0x7: {  	_ = 	snop  }
__scs_overlays_trampoline_lowered:
0x8: {  	[smem:$0x3FA6] =	sst s0  }
0x9: {  	[smem:$0x3FA7] =	sst s1  }
0xa: {  	[smem:$0x3FA8] =	sst s2  }
0xb: {  	[smem:$0x3FA9] =	sst s3  }
0xc: {  	[smem:$0x3FAA] =	sst s4  }
0xd: {  	[smem:$0x3FAB] =	sst s5  }
0xe: {  	[smem:$0x3FAC] =	sst s6  }
0xf: {  	[smem:$0x3FAD] =	sst s7  }
0x10: {  	[smem:$0x3FAE] =	sst s8  }
0x11: {  	[smem:$0x3FAF] =	sst s9;
	s0 =	simm.s32 @!p0 $0x0  }
0x12: {  	s1 =	sld [smem:$0x3F95];
	s0 =	simm.s32 @p0 $0x1  }
0x13: {  	[smem:$0x3FB0] =	sst s0;
	s0 =	simm.s32 @!p1 $0x0  }
0x14: {  	s2 =	sld [smem:$0x3F94];
	s0 =	simm.s32 @p1 $0x1  }
0x15: {  	[smem:$0x3FB1] =	sst s0;
	s0 =	simm.s32 @!p2 $0x0  }
0x16: {  	s3 =	sld [smem:$0x3FDB];
	s0 =	simm.s32 @p2 $0x1  }
0x17: {  	s4 =	simm.s32 $0x1BF5;
	[smem:$0x3FB3] =	sst s0  }
0x18: {  	s0 =	sld [smem:$0x3F96];
	_ =	swait.ge [sflag:s4], $0x0  }
0x19: {  	s7 =	sld [smem:$0x3F97]  }
0x1a: {  	s8 =	sadd.s32 $0xFFFFE003, lr  }
0x1b: {  	s9 =	sadd.s32 $0xFFFFFEF7, lr;
	s5 =	simm.s32 $0xFFFFFFFF;
	p2 =	slt.u32 s8, $0xFFFFF086  }
0x1c: {  	p1 =	slt.u32 s9, $0xF7A;
	s5 =	simm.s32 @!p2 $0x0  }
0x1d: {  	s5 =	simm.s32 @p1 $0x1;
	p0 =	seq.s32 s7, s2  }
0x1e: {  	s7 =	smul.u32 @!p0 $0xF7A, s2;
	p2 =	seq.s32 @!p0 s5, $0x0  }
0x1f: {  	s9 =	smul.u32 $0xF7A, s1;
	s8 =	simm.s32 @!p0 $0x1BF5;
	p2 =	por !p2, p0  }
0x20: {  	[sflag:s8] =	ssyncset.s32 @!p0 $0xFFFFF086;
	s6 =	sadd.s32 @!p0 s3, s7;
	s7 =	simm.s32 @!p0 $0x108  }
0x21: {  	s3 =	sadd.s32 s3, s9;
	s6 =	sadd.s32 @!p0 $0x88, s6;
	s7 =	simm.s32 @p2 $0x1082  }
0x22: {  	[simem:s7], [sflag:s8] =	dma.local @!p0 [hbm:s6], $0xF7A  }
0x23: {  	s9 =	sor.u32 $0xD0000000, s2;
	s6 =	simm.s32 $0x108;
	_ =	swait.ge @!p0 [sflag:s8], $0x0  }
0x24: {  	s3 =	sadd.s32 $0x88, s3;
	s6 =	simm.s32 @!p1 $0x1082;
	[sflag:s4] =	ssyncset.s32 $0xFFFFF086  }
0x25: {  	[simem:s6], [sflag:s4] =	dma.local [hbm:s3], $0xF7A  }
0x26: {  	[smem:$0x3F97] =	sst s1;
	(tag) =	ssettag s2;
	_ =	strace s9  }
0x27: {  	s1 =	sld [smem:$0x3FA7]  }
0x28: {  	s2 =	sld [smem:$0x3FA8]  }
0x29: {  	s4 =	sld [smem:$0x3FAA]  }
0x2a: {  	p0 =	seq.s32 s5, $0x0;
	s5 =	sld [smem:$0x3FAB]  }
0x2b: {  	s6 =	sld [smem:$0x3FAC]  }
0x2c: {  	s7 =	sld [smem:$0x3FAD]  }
0x2d: {  	s3 =	simm.s32 $0x108;
	s8 =	sld [smem:$0x3FAE]  }
0x2e: {  	s3 =	simm.s32 @!p0 $0x1082;
	s9 =	sld [smem:$0x3FAF]  }
0x2f: {  	lr =	sadd.s32 s0, s3;
	s0 =	sld [smem:$0x3FA6]  }
0x30: {  	s3 =	sld [smem:$0x3FA9]  }
0x31: {  	[smem:$0x3FB2] =	sst s10  }
0x32: {  	s10 =	sld [smem:$0x3FB0];
	_ =	sdelay $0x3  }
0x33: {  	p0 =	seq.s32 s10, $0x1;
	s10 =	sld [smem:$0x3FB2];
	_ =	sdelay $0x3  }
0x34: {  	[smem:$0x3FB2] =	sst s10  }
0x35: {  	s10 =	sld [smem:$0x3FB1];
	_ =	sdelay $0x3  }
0x36: {  	p1 =	seq.s32 s10, $0x1;
	s10 =	sld [smem:$0x3FB2];
	_ =	sdelay $0x3  }
0x37: {  	[smem:$0x3FB2] =	sst s10  }
0x38: {  	s10 =	sld [smem:$0x3FB3]  }
0x39: {  	_ = 	snop;
	(pc) =	sbr.ind lr, $3  }
0x3a: {  	_ = 	snop  }
0x3b: {  	_ = 	snop  }
0x3c: {  	p2 =	seq.s32 s10, $0x1;
	s10 =	sld [smem:$0x3FB2]  }
0x3d: {  	_ =	shalt  }
0x3e: {  	_ =	shalt  }
0x3f: {  	_ =	shalt  }
0x40: {  	_ =	shalt  }
0x41: {  	_ =	shalt  }
0x42: {  	_ =	shalt  }
0x43: {  	_ =	shalt  }
0x44: {  	_ =	shalt  }
0x45: {  	_ =	shalt  }
0x46: {  	_ =	shalt  }
0x47: {  	_ =	shalt  }
0x48: {  	_ =	shalt  }
0x49: {  	_ =	shalt  }
0x4a: {  	_ =	shalt  }
0x4b: {  	_ =	shalt  }
0x4c: {  	_ =	shalt  }
0x4d: {  	_ =	shalt  }
0x4e: {  	_ =	shalt  }
0x4f: {  	_ =	shalt  }
0x50: {  	_ =	shalt  }
0x51: {  	_ =	shalt  }
0x52: {  	_ =	shalt  }
0x53: {  	_ =	shalt  }
0x54: {  	_ =	shalt  }
0x55: {  	_ =	shalt  }
0x56: {  	_ =	shalt  }
0x57: {  	_ =	shalt  }
0x58: {  	_ =	shalt  }
0x59: {  	_ =	shalt  }
0x5a: {  	_ =	shalt  }
0x5b: {  	_ =	shalt  }
0x5c: {  	_ =	shalt  }
0x5d: {  	_ =	shalt  }
0x5e: {  	_ =	shalt  }
0x5f: {  	_ =	shalt  }
0x60: {  	_ =	shalt  }
0x61: {  	_ =	shalt  }
0x62: {  	_ =	shalt  }
0x63: {  	_ =	shalt  }
0x64: {  	_ =	shalt  }
0x65: {  	_ =	shalt  }
0x66: {  	_ =	shalt  }
0x67: {  	_ =	shalt  }
0x68: {  	_ =	shalt  }
0x69: {  	_ =	shalt  }
0x6a: {  	_ =	shalt  }
0x6b: {  	_ =	shalt  }
0x6c: {  	_ =	shalt  }
0x6d: {  	_ =	shalt  }
0x6e: {  	_ =	shalt  }
0x6f: {  	_ =	shalt  }
0x70: {  	_ =	shalt  }
0x71: {  	_ =	shalt  }
0x72: {  	_ =	shalt  }
0x73: {  	_ =	shalt  }
0x74: {  	_ =	shalt  }
0x75: {  	_ =	shalt  }
0x76: {  	_ =	shalt  }
0x77: {  	_ =	shalt  }
0x78: {  	_ =	shalt  }
0x79: {  	_ =	shalt  }
0x7a: {  	_ =	shalt  }
0x7b: {  	_ =	shalt  }
0x7c: {  	_ =	shalt  }
0x7d: {  	_ =	shalt  }
0x7e: {  	_ =	shalt  }
0x7f: {  	_ =	shalt  }
0x80: {  	_ =	shalt  }
0x81: {  	_ =	shalt  }
0x82: {  	_ =	shalt  }
0x83: {  	_ =	shalt  }
0x84: {  	_ =	shalt  }
0x85: {  	_ =	shalt  }
0x86: {  	_ =	shalt  }
0x87: {  	_ =	shalt  }
.Lfunc_end0:
.L_simem_size_0:
called_computation_lowered:
.L_overlay_start_0:
0x88: {  	s0 =	sld [smem:$0x3FD9]  }
0x89: {  	s1 =	sld [smem:$0x3FFE];
	_ =	sdelay $0x3  }
0x8a: {  	s0 =	sadd.s32 s1, s0  }
0x8b: {  	[smem:$0x3FBE] =	sst s0  }
0x8c: {  	_ = 	snop  }
0x8d: {  	s0 =	sld [smem:$0x3FD0];
	(tm) =	ssettm $0x1  }
0x8e: {  	s16 =	sld [smem:$0x3FFB];
	_ =	sdelay $0x3  }
0x8f: {  	_ =	strace s16  }
0x90: {  	s1 =	sld [smem:$0x3FFC];
	_ =	sdelay $0x3  }
0x91: {  	_ =	strace s1  }
0x92: {  	s1 =	sld [smem:$0x3FFD];
	_ =	sdelay $0x3  }
0x93: {  	_ =	strace s1  }
0x94: {  	_ =	strace $0x8FFFFFFF  }
0x95: {  	s17 =	sld [smem:$0x3FDB];
	_ =	sdelay $0x1  }
0x96: {  	s2 =	simm.s32 $_scs_section_size  }
0x97: {  	s3 =	simm.s32 $_size__tile_overlayer_lowered;
	s4 =	simm.s32 $_tile_overlayer_lowered  }
0x98: {  	s20 =	simm.s32 $0x1BFF;
	s19 =	sshll.u32 s4, $0x1;
	s1 =	sadd.s32 s2, s17  }
0x99: {  	s5 =	simm.s32 $0x0;
	s18 =	sshll.u32 s3, $0x1;
	s3 =	sadd.s32 s19, s1  }
0x9a: {  	[timem:s5], [sflag:s20] =	dma.local [hbm:s3], s18  }
0x9b: {  	_ =	swait.ge [sflag:s20], s18  }
0x9c: {  	s2 =	ssub.s32 $0x0, s18;
	[sflag:s20] =	ssyncset.done $0x0  }
0x9d: {  	[sflag:s20] =	ssyncadd.s32 s2;
	_ =	sdelay $0x1  }
0x9e: {  	s21 =	simm.s32 $0x1B8B  }
0x9f: {  	_ =	swait.ge [sflag:s21], $0x1  }
0xa0: {  	[sflag:s21] =	ssyncset.done $0x0  }
0xa1: {  	s23 =	simm.s32 $0x1B8E;
	s22 =	sld [smem:$0x3FFE];
	[sflag:s21] =	ssyncadd.s32 $0xFFFFFFFF  }
0xa2: {  	s24 =	simm.s32 $execute0_lowered;
	[smem:$0x3FD2] =	sst s23  }
0xa3: {  	s3 =	sshll.u32 s24, $0x1;
	_ =	strace $0x80000046;
	[dreg:$0x1] =	wrdreg $0xFFFFFFFF  }
0xa4: {  	s25 =	simm.s32 $_size_execute0_lowered;
	s1 =	sadd.s32 s1, s3;
	[dreg:$0x0] =	wrdreg $0x0  }
0xa5: {  	s3 =	sshll.u32 s25, $0x1;
	[dreg:$0x2] =	wrdreg s1  }
0xa6: {  	[dreg:$0x3] =	wrdreg s3  }
0xa7: {  	[dreg:$0x4] =	wrdreg $0xC0  }
0xa8: {  	_ =	task [dreg:s5], $0x5FFFF  }
0xa9: {  	[dreg:$0x1] =	wrdreg $0xFFFFFFFF  }
0xaa: {  	[dreg:$0x0] =	wrdreg $0x60  }
0xab: {  	[dreg:$0x2] =	wrdreg s0  }
0xac: {  	[dreg:$0x3] =	wrdreg s22  }
0xad: {  	[dreg:$0x4] =	wrdreg $0x142000  }
0xae: {  	[dreg:$0x5] =	wrdreg $0x9  }
0xaf: {  	_ =	task.clear_ibuf [dreg:s5], $0x6FFFF;
	_ =	strace $0x90000046  }
0xb0: {  	s26 =	simm.s32 $0x9;
	_ =	strace $0x80000048  }
0xb1: {  	_ =	swait.ge [sflag:s26], $0x1  }
0xb2: {  	[sflag:s26] =	ssyncadd.s32 $0xFFFFFFFF  }
0xb3: {  	_ =	strace $0x90000048  }
0xb4: {  	_ =	sfence  }
0xb5: {  	s28 =	sld [smem:$0x0];
	_ =	sdelay $0x1  }
0xb6: {  	s29 =	srdreg.scid  }
0xb7: {  	s30 =	sshll.u32 s29, $0xD;
	s31 =	sshrl.u32 s29, $0x2  }
0xb8: {  	s2 =	sand.u32 $0x4000, s30;
	s1 =	sand.u32 $0x1, s29;
	s0 =	sadd.s32 s31, s28  }
0xb9: {  	s1 =	sor.u32 s2, s1;
	s0 =	sshll.u32 s0, $0x11  }
0xba: {  	s0 =	sor.u32 s0, s1  }
0xbb: {  	s0 =	sadd.s32 $0x8F2B, s0  }
0xbc: {  	[sflag:s0] =	ssyncadd.remote.s32 $0x1  }
0xbd: {  	_ =	sfence.sel $0xFFFF  }
0xbe: {  	[dreg:$0x0] =	wrdreg $0xFFFFFFFF;
	(pc) =	sbr.abs _section_cstart, $3  }
0xbf: {  	[dreg:$0x1] =	wrdreg $0xFFFFFFFF  }
0xc0: {  	_ =	task.clear_ibuf [dreg:s5], $0x2FFFF;
	_ =	strace $0x9FFFFFFF  }
0xc1: {  	(tm) =	ssettm $0x7FFFFFFF  }
tec
execute0_lowered:
.L_overlay_start_1:
0x0: {  	(tag) =	ssettag $0x1  }
0x1: {  	s1 =	rddreg [dreg:$0x0]  }
0x2: {  	s2 =	rddreg [dreg:$0x1]  }
0x3: {  	s4 =	rddreg [dreg:$0x2]  }
0x4: {  	s0 =	rddreg [dreg:$0x3];
	s5 =	simm.s32 $0x0  }
0x5: {  	[smem:$0x7FF] =	sst s5  }
0x6: {  	s6 =	stileid.u32;
	s3 =	simm.s32 $0x1;
	_ =	strace $0x80000047  }
0x7: {  	[tilespmem:s5], [sflag:$0x1] =	stream.linear.gather [hbm4b:s1+s5], $0x10000, $0x38;
	[tilespmem:$0x14300] =	vst v63  }
0x8: {  	s26 =	sshll.u32 s6, $0x9;
	_ =	swait.ge [sflag:s3], $0x10000  }
0x9: {  	s1 =	sadd.s32 s26, s2;
	[sflag:s3] =	ssyncset.done $0x0  }
0xa: {  	s8 =	simm.s32 $0x10000;
	s7 =	sadd.s32 $0x5200, s1;
	[sflag:s3] =	ssyncadd.s32 $0xFFFF0000  }
0xb: {  	[tilespmem:s8], [sflag:$0x1] =	stream.linear.gather [hbm4b:s7+s5], $0x1000, $0x38;
	[tilespmem:$0x14300] =	vst v63  }
0xc: {  	_ =	swait.ge [sflag:s3], $0x1000  }
0xd: {  	[sflag:s3] =	ssyncset.done $0x0  }
0xe: {  	s29 =	simm.s32 $0x11000;
	s28 =	sadd.s32 $0x3200, s1;
	[sflag:s3] =	ssyncadd.s32 $0xFFFFF000  }
0xf: {  	[tilespmem:s29], [sflag:$0x1] =	stream.linear.gather [hbm4b:s28+s5], $0x1000, $0x38;
	[tilespmem:$0x14300] =	vst v63  }
0x10: {  	v0 =	vlaneseq.u32;
	_ =	swait.ge [sflag:s3], $0x1000  }
0x11: {  	s30 =	simm.s32 $0x12000;
	v0 =	vand.u32 $0x7, v0;
	p0 =	sne.s32 s6, $0x0;
	[sflag:s3] =	ssyncset.done $0x0  }
.Ltmp0:
0x12: {  	v0 =	vmul.u32 $0x10, v0;
	s1 =	sadd.s32 $0x1200, s1;
	[sflag:s3] =	ssyncadd.s32 $0xFFFFF000;
	(pc) =	sbr.rel @p0 .LBB2_4-.Ltmp0, $4  }
0x13: {  	[tilespmem:s30], [sflag:$0x1] =	stream.linear.gather [hbm4b:s1+s5], $0x1000, $0x38;
	[tilespmem:$0x14300] =	vst v63  }
0x14: {  	v1 =	vor.u32 $0x1, v0;
	v2 =	vor.u32 $0x2, v0;
	v3 =	vor.u32 $0x3, v0;
	_ =	swait.ge [sflag:s3], $0x1000  }
0x15: {  	s31 =	sshll.u32 s6, $0x5;
	v4 =	vor.u32 $0x4, v0;
	v5 =	vor.u32 $0x5, v0;
	v6 =	vor.u32 $0x6, v0;
	s7 =	sshll.u32 s6, $0xC;
	[sflag:s3] =	ssyncset.done $0x0  }
0x16: {  	v7 =	vor.u32 $0x7, v0;
	v8 =	vor.u32 $0x8, v0;
	v9 =	vor.u32 $0x9, v0;
	s6 =	sshll.u32 s6, $0x8;
	s1 =	sadd.s32 s31, s2;
	[sflag:s3] =	ssyncadd.s32 $0xFFFFF000  }
0x17: {  	v10 =	vimm.f32 $0.0e+00;
	s2 =	simm.s32 $0x40;
	s8 =	simm.s32 $0x0  }
.LBB2_2:
0x18: {  	p1 =	sne.s32 s2, $0x3FC0;
	[tilespmem:s8+$0x13200] =	vst v10;
	s8 =	smov.u32 s2;
	s2 =	sadd.s32 $0x40, s2  }
.Ltmp1:
0x19: {  	(pc) =	sbr.rel @p1 .LBB2_2-.Ltmp1, $2  }
0x1a: {  	_ =	sdelay $0x2  }
0x1b: {  	s8 =	sshra.s32 s8, $0x2  }
0x1c: {  	[tilespmem:s8+$0x13200] =	vst v10;
	s2 =	simm.s32 $0x13200;
	s31 =	simm.s32 $0x1  }
0x1d: {  	[spmem:s4] =	stream.linear.scatter [tilespmem:s2], [sflag:$0x1], $0x1000, $0x38;
	[tilespmem:$0x14300] =	vst v63  }
0x1e: {  	_ =	swait.ge [sflag:s31], $0x1000  }
0x1f: {  	[sflag:s31] =	ssyncset.done $0x0  }
0x20: {  	[sflag:s31] =	ssyncadd.s32 $0xFFFFF000  }
.LBB2_4:
0x21: {  	[bflag:$0x0] =	sbarrier.arrive $0xFFFF;
	v23 =	vor.u32 s7, v0;
	s8 =	simm.s32 $0x80;
	v0 =	vor.u32 s7, v2  }
0x22: {  	s2 =	simm.s32 $0x12000;
	s9 =	simm.s32 $0x10000;
	v26 =	vor.u32 s7, v1;
	v21 =	vor.u32 s7, v3;
	s1 =	sadd.s32 $0x7200, s1;
	[tilespmem:$0x1FFF0] =	vst v0  }
0x23: {  	v22 =	vor.u32 s7, v4;
	v36 =	vor.u32 s7, v5;
	v14 =	vor.u32 s7, v6;
	[spmem:s4] =	stream.indirect.scatter.add.f32 [tilespmem:s2], [sflag:$0x1], $0x1, s9, s8, $0xb8;
	[tilespmem:$0x14300] =	vst v63  }
0x24: {  	v13 =	vor.u32 s7, v7;
	v15 =	vor.u32 s7, v8;
	v2 =	vor.u32 s7, v9;
	s7 =	simm.s32 $0x200;
	s2 =	sadd.s32 s6, s4;
	_ =	swait.ge [sflag:s3], $0x80  }
.LBB2_5:
0x25: {  	s9 =	sshra.s32 s7, $0x2  }
0x26: {  	[sflag:s3] =	ssyncset.done $0x0;
	p1 =	sne.s32 s7, $0x3E00;
	s10 =	sadd.s32 $0x12000, s9  }
.Ltmp2:
0x27: {  	s9 =	sadd.s32 $0x10000, s9;
	[sflag:s3] =	ssyncadd.s32 $0xFFFFFF80;
	(pc) =	sbr.rel @p1 .LBB2_5-.Ltmp2, $3  }
0x28: {  	[spmem:s4] =	stream.indirect.scatter.add.f32 [tilespmem:s10], [sflag:$0x1], $0x1, s9, s8, $0xb8;
	[tilespmem:$0x14300] =	vst v63  }
0x29: {  	s7 =	sadd.s32 $0x200, s7;
	_ =	sdelay $0x1  }
0x2a: {  	_ =	swait.ge [sflag:s3], $0x80  }
0x2b: {  	v3 =	vlaneseq.u32  }
0x2c: {  	v11 =	vmul.u32 $0x10, v3;
	_ =	sdelay $0x1  }
0x2d: {  	v0 =	vor.u32 $0x9, v11  }
0x2e: {  	v1 =	vor.u32 s5, v0  }
0x2f: {  	[tilespmem:$0x1FDE0] =	vst v0;
	v0 =	vand.u32 $0xF80, v1  }
0x30: {  	v0 =	vor.u32 v0, v2;
	_ =	sdelay $0x1  }
0x31: {  	[tilespmem:$0x1FDF0] =	vst v2;
	v2 =	vand.u32 $0x7, v3  }
0x32: {  	[sflag:s3] =	ssyncset.done $0x0;
	v2 =	vmul.u32 $0x10, v2  }
0x33: {  	[sflag:s3] =	ssyncadd.s32 $0xFFFFFF80;
	s3 =	simm.s32 $0x0  }
0x34: {  	v12 =	vor.u32 s5, v11;
	v5 =	vor.u32 $0xFFFFFF80, v2;
	v3 =	vld.idx.msk [tilespmem:v0+s3+$0x0], $0xffff  }
0x35: {  	[tilespmem:$0x1FE20] =	vst v5;
	v5 =	vand.u32 v5, v12;
	v0 =	vor.u32 $0x8, v11  }
0x36: {  	v4 =	vor.u32 s5, v0  }
0x37: {  	v6 =	vand.u32 $0xF80, v4  }
0x38: {  	v6 =	vor.u32 v6, v15  }
0x39: {  	s4 =	simm.s32 $0x11000;
	v47 =	vshll.u32 v3, $0x4  }
0x3a: {  	[tilespmem:$0x1FE10] =	vst v0;
	v0 =	vld.idx.msk [tilespmem:v5+s4+$0x0], $0xffff;
	v3 =	vor.u32 $0x8, v47  }
0x3b: {  	v7 =	vor.u32 $0x7, v47  }
0x3c: {  	v5 =	vor.u32 $0x6, v47  }
0x3d: {  	v8 =	vor.u32 $0x5, v47;
	v6 =	vld.idx.msk [tilespmem:v6+s3+$0x0], $0xffff  }
0x3e: {  	v16 =	vor.u32 $0x3, v47;
	v9 =	vld.idx.msk [tilespmem:v47+s3+$0x0], $0xffff  }
0x3f: {  	v10 =	vor.u32 $0x4, v47;
	[tilespmem:$0x1FDA0] =	vst v0;
	v0 =	vor.u32 $0x7, v11;
	v51 =	vld.idx.msk [tilespmem:v3+s3+$0x0], $0xffff  }
0x40: {  	v17 =	vor.u32 $0x2, v47;
	v34 =	vor.u32 s5, v0;
	v7 =	vld.idx.msk [tilespmem:v7+s3+$0x0], $0xffff  }
0x41: {  	v19 =	vor.u32 $0x1, v47;
	v18 =	vand.u32 $0xF80, v34;
	v5 =	vld.idx.msk [tilespmem:v5+s3+$0x0], $0xffff  }
0x42: {  	v8 =	vld.idx.msk [tilespmem:v8+s3+$0x0], $0xffff;
	v20 =	vor.u32 v18, v13  }
0x43: {  	v44 =	vld.idx.msk [tilespmem:v16+s3+$0x0], $0xffff;
	v54 =	vshll.u32 v6, $0x4  }
0x44: {  	v6 =	vld.idx.msk [tilespmem:v10+s3+$0x0], $0xffff;
	v10 =	vor.u32 $0x8, v54  }
0x45: {  	v45 =	vld.idx.msk [tilespmem:v17+s3+$0x0], $0xffff;
	v25 =	vor.u32 $0x6, v54  }
0x46: {  	v40 =	vld.idx.msk [tilespmem:v19+s3+$0x0], $0xffff;
	v27 =	vor.u32 $0x5, v54  }
0x47: {  	v30 =	vor.u32 $0x4, v54;
	v29 =	vld.idx.msk [tilespmem:v20+s3+$0x0], $0xffff  }
0x48: {  	v41 =	vor.u32 $0xFFFFFF81, v2;
	v16 =	vor.u32 $0x6, v11;
	v31 =	vor.u32 $0x3, v54;
	v48 =	vld.idx.msk [tilespmem:v54+s3+$0x0], $0xffff  }
0x49: {  	[tilespmem:$0x1FE30] =	vst v0;
	v0 =	vor.u32 $0xFFFFFF83, v2;
	v35 =	vor.u32 s5, v16;
	v32 =	vor.u32 $0x2, v54;
	v10 =	vld.idx.msk [tilespmem:v10+s3+$0x0], $0xffff  }
0x4a: {  	v3 =	vor.u32 $0xFFFFFF82, v2;
	v28 =	vand.u32 $0xF80, v35;
	v33 =	vor.u32 $0x1, v54;
	v52 =	vld.idx.msk [tilespmem:v25+s3+$0x0], $0xffff  }
0x4b: {  	v19 =	vor.u32 $0xFFFFFF85, v2;
	v37 =	vor.u32 v28, v14;
	v28 =	vor.u32 $0xFFFFFF86, v2;
	v53 =	vld.idx.msk [tilespmem:v27+s3+$0x0], $0xffff  }
0x4c: {  	v20 =	vor.u32 $0xFFFFFF84, v2;
	v27 =	vor.u32 $0xFFFFFF87, v2;
	v50 =	vld.idx.msk [tilespmem:v30+s3+$0x0], $0xffff;
	v38 =	vshll.u32 v29, $0x4  }
0x4d: {  	v30 =	vor.u32 $0xFFFFFF88, v2;
	v55 =	vld.idx.msk [tilespmem:v31+s3+$0x0], $0xffff;
	v29 =	vor.u32 $0xFFFFFF89, v2;
	v2 =	vor.u32 $0x8, v38  }
0x4e: {  	v61 =	vor.u32 $0x1, v11;
	v56 =	vld.idx.msk [tilespmem:v32+s3+$0x0], $0xffff;
	v39 =	vor.u32 $0x7, v38  }
0x4f: {  	v62 =	vor.u32 $0x2, v11;
	[tilespmem:$0x1FE80] =	vst v61;
	v57 =	vld.idx.msk [tilespmem:v33+s3+$0x0], $0xffff;
	v42 =	vor.u32 $0x6, v38  }
0x50: {  	[tilespmem:$0x1FE90] =	vst v62;
	v61 =	vor.u32 s5, v61;
	v62 =	vor.u32 s5, v62;
	v49 =	vld.idx.msk [tilespmem:v37+s3+$0x0], $0xffff;
	v46 =	vor.u32 $0x5, v38  }
0x51: {  	v17 =	vor.u32 $0x4, v11;
	v4 =	vand.u32 v30, v4;
	v60 =	vor.u32 $0x4, v38;
	v63 =	vld.idx.msk [tilespmem:v38+s3+$0x0], $0xffff  }
0x52: {  	v18 =	vor.u32 $0x3, v11;
	[tilespmem:$0x1FDB0] =	vst v4;
	v32 =	vor.u32 $0x3, v38;
	v1 =	vand.u32 v29, v1;
	v4 =	vld.idx.msk [tilespmem:v2+s3+$0x0], $0xffff  }
0x53: {  	v25 =	vor.u32 $0x5, v11;
	v33 =	vor.u32 $0x2, v38;
	[tilespmem:$0x1FDC0] =	vst v1;
	v1 =	vlaneseq.u32;
	v39 =	vld.idx.msk [tilespmem:v39+s3+$0x0], $0xffff  }
0x54: {  	v59 =	vor.u32 s5, v17;
	v43 =	vor.u32 s5, v25;
	v31 =	vor.u32 s6, v1;
	v1 =	vld.idx.msk [tilespmem:v42+s3+$0x0], $0xffff  }
0x55: {  	v58 =	vor.u32 s5, v18;
	v37 =	vand.u32 v19, v43;
	vm3 =	veq.s32 v9, v31;
	v46 =	vld.idx.msk [tilespmem:v46+s3+$0x0], $0xffff  }
0x56: {  	v9 =	vor.u32 $0x1, v38;
	vm5 =	veq.s32 v40, v31;
	vm0 =	veq.s32 v7, v31;
	v7 =	vld.idx.msk [tilespmem:v60+s3+$0x0], $0xffff  }
0x57: {  	[tilespmem:$0x1FED0] =	vst v36;
	vm11 =	veq.s32 v45, v31;
	v2 =	vand.u32 $0xF80, v43;
	v43 =	vshll.u32 v49, $0x4;
	v32 =	vld.idx.msk [tilespmem:v32+s3+$0x0], $0xffff  }
0x58: {  	[tilespmem:$0x1FF00] =	vst v0;
	v42 =	vand.u32 v0, v58;
	v0 =	vimm.s32 $0x0;
	v33 =	vld.idx.msk [tilespmem:v33+s3+$0x0], $0xffff;
	v2 =	vor.u32 v2, v36  }
0x59: {  	[tilespmem:$0x1FF20] =	vst v3;
	v0 =	vsel vm0, $0xFFFFFFFF, v0;
	v36 =	vand.u32 v3, v62;
	v45 =	vor.u32 $0x8, v43;
	v3 =	vld [tilespmem:$0x1FDA0]  }
0x5a: {  	v40 =	vand.u32 v20, v59;
	v60 =	vor.u32 $0x7, v43;
	[tilespmem:$0x1FDD0] =	vst v0;
	v0 =	vand.u32 $0xF80, v12;
	v12 =	vld [tilespmem:$0x1FFF0]  }
0x5b: {  	vm8 =	veq.s32 v6, v31;
	vm4 =	veq.s32 v8, v31;
	v6 =	vor.u32 $0x6, v43;
	v8 =	vld.idx.msk [tilespmem:v9+s3+$0x0], $0xffff  }
0x5c: {  	vm2 =	veq.s32 v5, v31;
	v5 =	vor.u32 $0x5, v43;
	v9 =	vand.u32 $0xF80, v59;
	v59 =	vld.idx.msk [tilespmem:v43+s3+$0x0], $0xffff  }
0x5d: {  	v24 =	vor.u32 $0x7, v54;
	vm13 =	veq.s32 v56, v31;
	v56 =	vor.u32 $0x3, v43;
	v2 =	vld.idx.msk [tilespmem:v2+s3+$0x0], $0xffff  }
0x5e: {  	vm10 =	veq.s32 v44, v31;
	vm6 =	veq.s32 v55, v31;
	v55 =	vor.u32 $0x2, v43;
	v45 =	vld.idx.msk [tilespmem:v45+s3+$0x0], $0xffff  }
0x5f: {  	[tilespmem:$0x1FF30] =	vst v41;
	v49 =	vand.u32 v41, v61;
	v58 =	vand.u32 $0xF80, v58;
	v41 =	vor.u32 $0x1, v43;
	v44 =	vld.idx.msk [tilespmem:v60+s3+$0x0], $0xffff  }
0x60: {  	v35 =	vand.u32 v28, v35;
	v61 =	vand.u32 $0xF80, v61;
	v58 =	vor.u32 v58, v21;
	v6 =	vld.idx.msk [tilespmem:v6+s3+$0x0], $0xffff  }
0x61: {  	v54 =	vor.u32 $0x9, v54;
	vm1 =	veq.s32 v51, v31;
	v61 =	vor.u32 v61, v26;
	v5 =	vld.idx.msk [tilespmem:v5+s3+$0x0], $0xffff  }
0x62: {  	vm9 =	veq.s32 v48, v31;
	vm12 =	veq.s32 v57, v31;
	v51 =	vand.u32 $0xF80, v62;
	v56 =	vld.idx.msk [tilespmem:v56+s3+$0x0], $0xffff  }
0x63: {  	vm7 =	veq.s32 v50, v31;
	vm14 =	veq.s32 v53, v31;
	v0 =	vor.u32 v0, v23;
	v55 =	vld.idx.msk [tilespmem:v55+s3+$0x0], $0xffff  }
0x64: {  	vm5 =	vmor vm3, vm5;
	vm3 =	veq.s32 v10, v31;
	v9 =	vor.u32 v9, v22;
	v60 =	vld.idx.msk [tilespmem:v41+s3+$0x0], $0xffff  }
0x65: {  	vm9 =	vmor vm9, vm12;
	vm5 =	vmor vm5, vm11;
	v48 =	vor.u32 $0x4, v43;
	v58 =	vld.idx.msk [tilespmem:v58+s3+$0x0], $0xffff  }
0x66: {  	vm12 =	vmor vm9, vm13;
	vm10 =	vmor vm5, vm10;
	v61 =	vld.idx.msk [tilespmem:v61+s3+$0x0], $0xffff;
	v50 =	vshll.u32 v2, $0x4  }
0x67: {  	v57 =	vor.u32 v51, v12;
	v51 =	vadd.f32 $0.0e+00, v3;
	v3 =	vld.idx.msk [tilespmem:v36+s4+$0x0], $0xffff;
	v10 =	vor.u32 $0x8, v50  }
0x68: {  	vm5 =	veq.s32 v52, v31;
	vm0 =	vmor vm10, vm8;
	v0 =	vld.idx.msk [tilespmem:v0+s3+$0x0], $0xffff;
	v53 =	vor.u32 $0x6, v50  }
0x69: {  	vm4 =	vmor vm0, vm4;
	vm0 =	vmor vm12, vm6;
	v9 =	vld.idx.msk [tilespmem:v9+s3+$0x0], $0xffff;
	v52 =	vor.u32 $0x5, v50  }
0x6a: {  	vm8 =	veq.s32 v63, v31;
	vm0 =	vmor vm0, vm7;
	v2 =	vld.idx.msk [tilespmem:v48+s3+$0x0], $0xffff;
	v41 =	vor.u32 $0x3, v50  }
0x6b: {  	vm10 =	veq.s32 v33, v31;
	vm15 =	veq.s32 v8, v31;
	v62 =	vor.u32 $0x4, v50;
	v8 =	vld.idx.msk [tilespmem:v50+s3+$0x0], $0xffff  }
0x6c: {  	vm11 =	veq.s32 v32, v31;
	vm9 =	veq.s32 v7, v31;
	v7 =	vor.u32 $0x1, v50;
	v48 =	vld.idx.msk [tilespmem:v10+s3+$0x0], $0xffff  }
0x6d: {  	vm6 =	veq.s32 v46, v31;
	vm0 =	vmor vm0, vm14;
	v10 =	vor.u32 $0x2, v50;
	v32 =	vld.idx.msk [tilespmem:v53+s3+$0x0], $0xffff  }
0x6e: {  	vm5 =	vmor vm0, vm5;
	vm7 =	vmor vm8, vm15;
	v63 =	vld.idx.msk [tilespmem:v52+s3+$0x0], $0xffff;
	v53 =	vshll.u32 v9, $0x4  }
0x6f: {  	vm12 =	veq.s32 v59, v31;
	vm7 =	vmor vm7, vm10;
	vm14 =	veq.s32 v60, v31;
	v33 =	vld.idx.msk [tilespmem:v41+s3+$0x0], $0xffff  }
0x70: {  	vm8 =	veq.s32 v55, v31;
	vm7 =	vmor vm7, vm11;
	v58 =	vshll.u32 v58, $0x4;
	v9 =	vld.idx.msk [tilespmem:v62+s3+$0x0], $0xffff  }
0x71: {  	vm10 =	veq.s32 v56, v31;
	vm7 =	vmor vm7, vm9;
	v7 =	vld.idx.msk [tilespmem:v7+s3+$0x0], $0xffff;
	v59 =	vor.u32 $0x5, v53  }
0x72: {  	vm9 =	veq.s32 v5, v31;
	vm12 =	vmor vm12, vm14;
	v60 =	vor.u32 $0x4, v53;
	v10 =	vld.idx.msk [tilespmem:v10+s3+$0x0], $0xffff  }
0x73: {  	vm6 =	vmor vm7, vm6;
	vm8 =	vmor vm12, vm8;
	v41 =	vor.u32 $0x3, v53;
	v62 =	vld.idx.msk [tilespmem:v53+s3+$0x0], $0xffff  }
0x74: {  	vm8 =	vmor vm8, vm10;
	v5 =	vor.u32 $0x1, v53;
	vm12 =	veq.s32 v33, v31;
	v33 =	vld.idx.msk [tilespmem:v57+s3+$0x0], $0xffff  }
0x75: {  	vm11 =	veq.s32 v2, v31;
	v2 =	vor.u32 $0x2, v53;
	vm10 =	veq.s32 v9, v31;
	v9 =	vld.idx.msk [tilespmem:v58+s3+$0x0], $0xffff  }
0x76: {  	vm7 =	veq.s32 v6, v31;
	vm0 =	veq.s32 v8, v31;
	v8 =	vor.u32 $0x8, v58;
	v6 =	vld.idx.msk [tilespmem:v59+s3+$0x0], $0xffff  }
0x77: {  	vm13 =	veq.s32 v1, v31;
	vm8 =	vmor vm8, vm11;
	v52 =	vor.u32 $0x8, v53;
	v46 =	vld.idx.msk [tilespmem:v60+s3+$0x0], $0xffff  }
0x78: {  	v0 =	vshll.u32 v0, $0x4;
	v1 =	vor.u32 $0x6, v53;
	vm8 =	vmor vm8, vm9;
	v59 =	vld.idx.msk [tilespmem:v41+s3+$0x0], $0xffff  }
0x79: {  	vm6 =	vmor vm6, vm13;
	vm7 =	vmor vm8, vm7;
	v5 =	vld.idx.msk [tilespmem:v5+s3+$0x0], $0xffff;
	v60 =	vor.u32 $0x4, v58  }
0x7a: {  	vm13 =	veq.s32 v7, v31;
	v7 =	vor.u32 $0x6, v58;
	v2 =	vld.idx.msk [tilespmem:v2+s3+$0x0], $0xffff;
	v41 =	vor.u32 $0x3, v58  }
0x7b: {  	vm11 =	veq.s32 v63, v31;
	v63 =	vor.u32 $0x2, v58;
	v56 =	vld.idx.msk [tilespmem:v8+s3+$0x0], $0xffff;
	v8 =	vor.u32 $0x1, v58  }
0x7c: {  	vm9 =	veq.s32 v32, v31;
	v52 =	vld.idx.msk [tilespmem:v52+s3+$0x0], $0xffff;
	vm0 =	vmor vm0, vm13;
	vm14 =	veq.s32 v10, v31  }
0x7d: {  	v1 =	vld.idx.msk [tilespmem:v1+s3+$0x0], $0xffff;
	v10 =	vor.u32 $0x5, v58;
	vm13 =	veq.s32 v62, v31;
	vm0 =	vmor vm0, vm14  }
0x7e: {  	vm14 =	veq.s32 v5, v31;
	v5 =	vshll.u32 v33, $0x4;
	v33 =	vld.idx.msk [tilespmem:v60+s3+$0x0], $0xffff;
	vm0 =	vmor vm0, vm12  }
0x7f: {  	v32 =	vld.idx.msk [tilespmem:v41+s3+$0x0], $0xffff;
	v41 =	vor.u32 $0x1, v5;
	vm12 =	veq.s32 v6, v31;
	vm0 =	vmor vm0, vm10  }
0x80: {  	vm10 =	veq.s32 v2, v31;
	v2 =	vor.u32 $0x6, v5;
	v8 =	vld.idx.msk [tilespmem:v8+s3+$0x0], $0xffff;
	vm0 =	vmor vm0, vm11  }
0x81: {  	v60 =	vld.idx.msk [tilespmem:v63+s3+$0x0], $0xffff;
	vm11 =	veq.s32 v59, v31;
	vm8 =	vmor vm0, vm9;
	vm0 =	vmor vm13, vm14  }
0x82: {  	v7 =	vld.idx.msk [tilespmem:v7+s3+$0x0], $0xffff;
	vm13 =	veq.s32 v1, v31;
	v1 =	vor.u32 $0x2, v5;
	vm0 =	vmor vm0, vm10  }
0x83: {  	v59 =	vor.u32 $0x5, v5;
	v10 =	vld.idx.msk [tilespmem:v10+s3+$0x0], $0xffff;
	vm9 =	veq.s32 v46, v31;
	vm0 =	vmor vm0, vm11  }
0x84: {  	v6 =	vld.idx.msk [tilespmem:v5+s3+$0x0], $0xffff;
	vm10 =	veq.s32 v9, v31;
	v9 =	vor.u32 $0x3, v5;
	vm0 =	vmor vm0, vm9  }
0x85: {  	v46 =	vld.idx.msk [tilespmem:v41+s3+$0x0], $0xffff;
	v41 =	vor.u32 $0x3, v0;
	vm11 =	veq.s32 v8, v31;
	vm0 =	vmor vm0, vm12  }
0x86: {  	v2 =	vld.idx.msk [tilespmem:v2+s3+$0x0], $0xffff;
	v8 =	vor.u32 $0x4, v5;
	vm12 =	veq.s32 v60, v31;
	vm9 =	vmor vm0, vm13  }
0x87: {  	vm0 =	veq.s32 v32, v31;
	v1 =	vld.idx.msk [tilespmem:v1+s3+$0x0], $0xffff;
	vm13 =	veq.s32 v33, v31;
	v33 =	vor.u32 $0x2, v0  }
0x88: {  	v59 =	vld.idx.msk [tilespmem:v59+s3+$0x0], $0xffff;
	vm10 =	vmor vm10, vm11;
	vm11 =	veq.s32 v10, v31;
	v10 =	vor.u32 $0x1, v0  }
0x89: {  	v9 =	vld.idx.msk [tilespmem:v9+s3+$0x0], $0xffff;
	vm10 =	vmor vm10, vm12;
	vm12 =	veq.s32 v7, v31;
	v7 =	vshll.u32 v61, $0x4  }
0x8a: {  	v61 =	vld.idx.msk [tilespmem:v0+s3+$0x0], $0xffff;
	vm14 =	veq.s32 v6, v31;
	vm0 =	vmor vm10, vm0;
	v6 =	vor.u32 $0x1, v7  }
0x8b: {  	v34 =	vand.u32 v27, v34;
	vm15 =	veq.s32 v46, v31;
	vm0 =	vmor vm0, vm13;
	v8 =	vld.idx.msk [tilespmem:v8+s3+$0x0], $0xffff  }
0x8c: {  	v46 =	vld.idx.msk [tilespmem:v41+s3+$0x0], $0xffff;
	vm0 =	vmor vm0, vm11;
	vm11 =	veq.s32 v1, v31;
	v1 =	vor.u32 $0x2, v7  }
0x8d: {  	v60 =	vor.u32 $0x8, v0;
	v32 =	vor.u32 $0x6, v0;
	v41 =	vor.u32 $0x5, v7;
	v33 =	vld.idx.msk [tilespmem:v33+s3+$0x0], $0xffff  }
0x8e: {  	vm10 =	vmor vm0, vm12;
	v10 =	vld.idx.msk [tilespmem:v10+s3+$0x0], $0xffff;
	vm13 =	veq.s32 v9, v31;
	v9 =	vor.u32 $0x4, v0  }
0x8f: {  	vm0 =	vmor vm14, vm15;
	vm14 =	veq.s32 v59, v31;
	v59 =	vor.u32 $0x3, v7;
	v6 =	vld.idx.msk [tilespmem:v6+s3+$0x0], $0xffff  }
0x90: {  	vm0 =	vmor vm0, vm11;
	vm11 =	veq.s32 v2, v31;
	vm12 =	veq.s32 v8, v31;
	v8 =	vld.idx.msk [tilespmem:v7+s3+$0x0], $0xffff  }
0x91: {  	v2 =	vor.u32 $0x5, v0;
	vm0 =	vmor vm0, vm13;
	vm13 =	veq.s32 v61, v31;
	v1 =	vld.idx.msk [tilespmem:v1+s3+$0x0], $0xffff  }
0x92: {  	v61 =	vor.u32 $0x4, v7;
	vm0 =	vmor vm0, vm12;
	vm15 =	veq.s32 v33, v31;
	v33 =	vld.idx.msk [tilespmem:v41+s3+$0x0], $0xffff  }
0x93: {  	v41 =	vor.u32 $0x7, v5;
	vm0 =	vmor vm0, vm14;
	vm14 =	veq.s32 v10, v31;
	v9 =	vld.idx.msk [tilespmem:v9+s3+$0x0], $0xffff  }
0x94: {  	v60 =	vld.idx.msk [tilespmem:v60+s3+$0x0], $0xffff;
	v10 =	vor.u32 $0x6, v7;
	vm12 =	vmor vm0, vm11;
	vm11 =	vmor vm13, vm14  }
0x95: {  	v59 =	vld.idx.msk [tilespmem:v59+s3+$0x0], $0xffff;
	vm13 =	veq.s32 v6, v31;
	vm0 =	veq.s32 v8, v31;
	v8 =	vor.u32 $0x7, v0  }
0x96: {  	v2 =	vld.idx.msk [tilespmem:v2+s3+$0x0], $0xffff;
	v6 =	vor.u32 $0x7, v7;
	vm0 =	vmor vm0, vm13;
	vm14 =	veq.s32 v1, v31  }
0x97: {  	v61 =	vld.idx.msk [tilespmem:v61+s3+$0x0], $0xffff;
	vm13 =	veq.s32 v46, v31;
	v46 =	vor.u32 $0x8, v7;
	vm0 =	vmor vm0, vm14  }
0x98: {  	v32 =	vld.idx.msk [tilespmem:v32+s3+$0x0], $0xffff;
	vm14 =	veq.s32 v9, v31;
	v9 =	vor.u32 $0x9, v5;
	v5 =	vor.u32 $0x8, v5  }
0x99: {  	v55 =	vor.u32 $0x7, v50;
	vm11 =	vmor vm11, vm15;
	v0 =	vor.u32 $0x9, v0;
	v10 =	vld.idx.msk [tilespmem:v10+s3+$0x0], $0xffff  }
0x9a: {  	v7 =	vor.u32 $0x9, v7;
	vm11 =	vmor vm11, vm13;
	vm13 =	veq.s32 v59, v31;
	v8 =	vld.idx.msk [tilespmem:v8+s3+$0x0], $0xffff  }
0x9b: {  	v57 =	vor.u32 $0x7, v53;
	v1 =	vor.u32 $0x7, v58;
	v6 =	vld.idx.msk [tilespmem:v6+s3+$0x0], $0xffff;
	vm0 =	vmor vm0, vm13  }
0x9c: {  	vm13 =	veq.s32 v2, v31;
	vm11 =	vmor vm11, vm14;
	vm14 =	veq.s32 v61, v31;
	v2 =	vld.idx.msk [tilespmem:v46+s3+$0x0], $0xffff  }
0x9d: {  	v58 =	vor.u32 $0x9, v58;
	vm0 =	vmor vm0, vm14;
	vm14 =	veq.s32 v33, v31;
	v5 =	vld.idx.msk [tilespmem:v5+s3+$0x0], $0xffff  }
0x9e: {  	vm11 =	vmor vm11, vm13;
	vm13 =	veq.s32 v32, v31;
	v0 =	vld.idx.msk [tilespmem:v0+s3+$0x0], $0xffff;
	vm0 =	vmor vm0, vm14  }
0x9f: {  	vm11 =	vmor vm11, vm13;
	v7 =	vld.idx.msk [tilespmem:v7+s3+$0x0], $0xffff;
	vm14 =	veq.s32 v10, v31;
	vm13 =	veq.s32 v8, v31  }
0xa0: {  	v10 =	vld.idx.msk [tilespmem:v41+s3+$0x0], $0xffff;
	vm0 =	vmor vm0, vm14;
	vm11 =	vmor vm11, vm13;
	vm13 =	veq.s32 v6, v31  }
0xa1: {  	vm14 =	veq.s32 v60, v31;
	v8 =	vor.u32 $0x9, v50;
	v6 =	vld.idx.msk [tilespmem:v49+s4+$0x0], $0xffff;
	vm0 =	vmor vm0, vm13  }
0xa2: {  	vm13 =	veq.s32 v2, v31;
	vm14 =	vmor vm11, vm14;
	v2 =	vld.idx.msk [tilespmem:v9+s3+$0x0], $0xffff;
	vm15 =	veq.s32 v5, v31  }
0xa3: {  	vm0 =	vmor vm0, vm13;
	vm13 =	veq.s32 v0, v31;
	v0 =	vld.idx.msk [tilespmem:v1+s3+$0x0], $0xffff;
	v1 =	vor.u32 $0x9, v53  }
0xa4: {  	v9 =	vld.idx.msk [tilespmem:v58+s3+$0x0], $0xffff;
	vm13 =	vmor vm14, vm13;
	vm14 =	veq.s32 v7, v31;
	v7 =	vor.u32 $0x9, v38  }
0xa5: {  	v53 =	vld.idx.msk [tilespmem:v40+s4+$0x0], $0xffff;
	vm0 =	vmor vm0, vm14;
	vm14 =	veq.s32 v10, v31;
	v51 =	vsel vm13, $0x0, v51  }
0xa6: {  	v10 =	vld.idx.msk [tilespmem:v57+s3+$0x0], $0xffff;
	vm13 =	veq.s32 v39, v31;
	vm14 =	vmor vm12, vm14;
	vm12 =	veq.s32 v4, v31  }
0xa7: {  	v5 =	vsel vm0, $0x0, v6;
	vm0 =	vmor vm14, vm15;
	vm14 =	veq.s32 v2, v31;
	v2 =	vld.idx.msk [tilespmem:v42+s4+$0x0], $0xffff  }
0xa8: {  	v6 =	vor.u32 $0x9, v43;
	vm0 =	vmor vm0, vm14;
	vm14 =	veq.s32 v0, v31;
	v0 =	vld.idx.msk [tilespmem:v1+s3+$0x0], $0xffff  }
0xa9: {  	v5 =	vadd.f32 v5, v51;
	v1 =	vld.idx.msk [tilespmem:v55+s3+$0x0], $0xffff;
	vm10 =	vmor vm10, vm14;
	vm14 =	veq.s32 v56, v31  }
0xaa: {  	v8 =	vld.idx.msk [tilespmem:v8+s3+$0x0], $0xffff;
	v3 =	vsel vm0, $0x0, v3;
	vm0 =	vmor vm10, vm14;
	vm10 =	veq.s32 v9, v31  }
0xab: {  	v4 =	vld [tilespmem:$0x1FDB0];
	vm14 =	veq.s32 v45, v31;
	vm0 =	vmor vm0, vm10;
	vm10 =	veq.s32 v10, v31  }
0xac: {  	v9 =	vld.idx.msk [tilespmem:v37+s4+$0x0], $0xffff;
	v3 =	vadd.f32 v3, v5;
	vm9 =	vmor vm9, vm10;
	vm10 =	veq.s32 v52, v31  }
0xad: {  	v5 =	vld.idx.msk [tilespmem:v6+s3+$0x0], $0xffff;
	v2 =	vsel vm0, $0x0, v2;
	vm0 =	vmor vm9, vm10;
	vm9 =	veq.s32 v0, v31  }
0xae: {  	vm10 =	veq.s32 v44, v31;
	v0 =	vld.idx.msk [tilespmem:v35+s4+$0x0], $0xffff;
	vm0 =	vmor vm0, vm9;
	vm9 =	veq.s32 v1, v31  }
0xaf: {  	v2 =	vadd.f32 v2, v3;
	v1 =	vld.idx.msk [tilespmem:v7+s3+$0x0], $0xffff;
	vm8 =	vmor vm8, vm9;
	vm9 =	veq.s32 v48, v31  }
0xb0: {  	v6 =	vsel vm0, $0x0, v53;
	vm0 =	vmor vm8, vm9;
	vm8 =	veq.s32 v8, v31  }
0xb1: {  	v3 =	vld.idx.msk [tilespmem:v34+s4+$0x0], $0xffff;
	vm7 =	vmor vm7, vm10;
	v2 =	vadd.f32 v6, v2;
	vm0 =	vmor vm0, vm8  }
0xb2: {  	v6 =	vsel vm0, $0x0, v9;
	vm0 =	vmor vm7, vm14;
	vm7 =	veq.s32 v5, v31  }
0xb3: {  	v24 =	vld.idx.msk [tilespmem:v24+s3+$0x0], $0xffff;
	vm6 =	vmor vm6, vm13;
	v2 =	vadd.f32 v6, v2;
	vm0 =	vmor vm0, vm7  }
0xb4: {  	v0 =	vsel vm0, $0x0, v0;
	vm0 =	vmor vm6, vm12;
	vm6 =	veq.s32 v1, v31;
	v1 =	vld [tilespmem:$0x1FDC0]  }
0xb5: {  	v47 =	vor.u32 $0x9, v47;
	v7 =	vld.idx.msk [tilespmem:v54+s3+$0x0], $0xffff;
	v0 =	vadd.f32 v0, v2;
	vm0 =	vmor vm0, vm6  }
0xb6: {  	v4 =	vld.idx.msk [tilespmem:v4+s4+$0x0], $0xffff;
	v2 =	vsel vm0, $0x0, v3  }
0xb7: {  	v0 =	vadd.f32 v2, v0;
	v2 =	vld [tilespmem:$0x1FDD0]  }
0xb8: {  	vm11 =	veq.s32 v24, v31  }
0xb9: {  	vm5 =	vmor vm5, vm11;
	v10 =	vld [tilespmem:$0x1FE30]  }
0xba: {  	v5 =	vld.idx.msk [tilespmem:v47+s3+$0x0], $0xffff;
	vm0 =	vmor vm5, vm3;
	vm3 =	veq.s32 v7, v31  }
0xbb: {  	v3 =	vld [tilespmem:$0x1FDE0];
	vm0 =	vmor vm0, vm3  }
0xbc: {  	v1 =	vld.idx.msk [tilespmem:v1+s4+$0x0], $0xffff;
	vm3 =	vnez.u8 v2;
	v2 =	vsel vm0, $0x0, v4  }
0xbd: {  	s7 =	simm.s32 $0x100;
	v0 =	vadd.f32 v2, v0;
	v2 =	vld [tilespmem:$0x1FDF0]  }
0xbe: {  	vm2 =	vmor vm4, vm2;
	v10 =	vor.u32 s7, v10  }
0xbf: {  	v55 =	vand.u32 $0xF80, v10;
	vm2 =	vmor vm2, vm3  }
0xc0: {  	v3 =	vor.u32 s7, v3;
	vm0 =	vmor vm2, vm1;
	vm1 =	veq.s32 v5, v31  }
0xc1: {  	v32 =	vor.u32 v55, v13;
	v4 =	vand.u32 $0xF80, v3;
	vm0 =	vmor vm0, vm1  }
0xc2: {  	v1 =	vsel vm0, $0x0, v1;
	v2 =	vor.u32 v4, v2  }
0xc3: {  	v0 =	vadd.f32 v1, v0  }
0xc4: {  	s5 =	simm.s32 $0x13000;
	v1 =	vld [tilespmem:$0x1FE10]  }
0xc5: {  	[tilespmem:s5+$0x0] =	vst v0  }
0xc6: {  	v32 =	vld.idx.msk [tilespmem:v32+s3+$0x0], $0xffff  }
0xc7: {  	v0 =	vld.idx.msk [tilespmem:v2+s3+$0x0], $0xffff  }
0xc8: {  	v2 =	vld [tilespmem:$0x1FE20]  }
0xc9: {  	v1 =	vor.u32 s7, v1  }
0xca: {  	v4 =	vand.u32 $0xF80, v1  }
0xcb: {  	v4 =	vor.u32 v4, v15;
	v44 =	vshll.u32 v32, $0x4  }
0xcc: {  	v46 =	vor.u32 s7, v11;
	v42 =	vor.u32 $0x6, v44  }
0xcd: {  	v2 =	vand.u32 v2, v46  }
0xce: {  	[tilespmem:$0x1FE40] =	vst v16;
	v40 =	vor.u32 s7, v16;
	v16 =	vld [tilespmem:$0x1FE80];
	v41 =	vshll.u32 v0, $0x4  }
0xcf: {  	v34 =	vand.u32 v29, v3;
	v3 =	vld [tilespmem:$0x1FED0];
	v0 =	vor.u32 $0x8, v41  }
0xd0: {  	v5 =	vor.u32 $0x7, v41;
	v4 =	vld.idx.msk [tilespmem:v4+s3+$0x0], $0xffff  }
0xd1: {  	v6 =	vor.u32 $0x5, v41;
	v42 =	vld.idx.msk [tilespmem:v42+s3+$0x0], $0xffff  }
0xd2: {  	v9 =	vor.u32 $0x3, v41;
	v37 =	vld.idx.msk [tilespmem:v2+s4+$0x0], $0xffff  }
0xd3: {  	v31 =	vor.u32 $0x2, v41;
	v7 =	vld.idx.msk [tilespmem:v41+s3+$0x0], $0xffff  }
0xd4: {  	v8 =	vor.u32 $0x4, v41;
	v0 =	vld.idx.msk [tilespmem:v0+s3+$0x0], $0xffff  }
0xd5: {  	v56 =	vor.u32 $0x1, v41;
	v5 =	vld.idx.msk [tilespmem:v5+s3+$0x0], $0xffff  }
0xd6: {  	v6 =	vld.idx.msk [tilespmem:v6+s3+$0x0], $0xffff  }
0xd7: {  	v2 =	vor.u32 $0x6, v41;
	v9 =	vld.idx.msk [tilespmem:v9+s3+$0x0], $0xffff  }
0xd8: {  	[tilespmem:$0x1FE00] =	vst v11;
	v11 =	vld.idx.msk [tilespmem:v31+s3+$0x0], $0xffff;
	v43 =	vshll.u32 v4, $0x4  }
0xd9: {  	v4 =	vld.idx.msk [tilespmem:v8+s3+$0x0], $0xffff;
	v8 =	vor.u32 $0x8, v43  }
0xda: {  	v38 =	vld.idx.msk [tilespmem:v56+s3+$0x0], $0xffff;
	v57 =	vor.u32 $0x7, v43  }
0xdb: {  	v56 =	vld.idx.msk [tilespmem:v44+s3+$0x0], $0xffff;
	v31 =	vor.u32 $0x6, v43  }
0xdc: {  	v58 =	vor.u32 $0x5, v43;
	v2 =	vld.idx.msk [tilespmem:v2+s3+$0x0], $0xffff  }
0xdd: {  	v59 =	vor.u32 $0x4, v43;
	v39 =	vld.idx.msk [tilespmem:v43+s3+$0x0], $0xffff  }
0xde: {  	v8 =	vld.idx.msk [tilespmem:v8+s3+$0x0], $0xffff  }
0xdf: {  	v60 =	vor.u32 $0x3, v43;
	v47 =	vld.idx.msk [tilespmem:v57+s3+$0x0], $0xffff  }
0xe0: {  	v61 =	vor.u32 $0x2, v43;
	v49 =	vld.idx.msk [tilespmem:v31+s3+$0x0], $0xffff  }
0xe1: {  	v62 =	vand.u32 $0xF80, v40;
	v63 =	vor.u32 $0x1, v43;
	v50 =	vld.idx.msk [tilespmem:v58+s3+$0x0], $0xffff  }
0xe2: {  	[tilespmem:$0x1FF10] =	vst v20;
	v35 =	vor.u32 s7, v25;
	v54 =	vor.u32 s7, v18;
	v32 =	vor.u32 $0x8, v44;
	v51 =	vld.idx.msk [tilespmem:v59+s3+$0x0], $0xffff  }
0xe3: {  	[tilespmem:$0x1FE50] =	vst v25;
	v55 =	vor.u32 s7, v17;
	v31 =	vor.u32 v62, v14;
	v58 =	vor.u32 s7, v16;
	v16 =	vld [tilespmem:$0x1FE90]  }
0xe4: {  	[tilespmem:$0x1FEC0] =	vst v27;
	v27 =	vand.u32 v27, v10;
	v20 =	vand.u32 v20, v55;
	v33 =	vor.u32 $0x7, v44;
	v52 =	vld.idx.msk [tilespmem:v60+s3+$0x0], $0xffff  }
0xe5: {  	[tilespmem:$0x1FEA0] =	vst v30;
	v25 =	vand.u32 v30, v1;
	v1 =	vlaneseq.u32;
	v30 =	vand.u32 v19, v35;
	v53 =	vld.idx.msk [tilespmem:v61+s3+$0x0], $0xffff  }
0xe6: {  	v36 =	vor.u32 $0x5, v44;
	v46 =	vand.u32 $0xF80, v46;
	v48 =	vld.idx.msk [tilespmem:v63+s3+$0x0], $0xffff;
	v57 =	vor.u32 $0x4, v44  }
0xe7: {  	v41 =	vor.u32 $0x9, v41;
	v43 =	vor.u32 $0x9, v43;
	v60 =	vor.u32 $0x3, v44;
	v61 =	vld.idx.msk [tilespmem:v32+s3+$0x0], $0xffff  }
0xe8: {  	s6 =	sadd.s32 $0x10, s6;
	v62 =	vor.u32 $0x2, v44;
	v63 =	vand.u32 $0xF80, v55;
	v45 =	vld.idx.msk [tilespmem:v31+s3+$0x0], $0xffff;
	v59 =	vor.u32 s7, v16  }
0xe9: {  	v16 =	vld.idx.msk [tilespmem:v33+s3+$0x0], $0xffff;
	v31 =	vor.u32 s6, v1;
	v1 =	vand.u32 $0xF80, v35;
	v35 =	vand.u32 v28, v40  }
0xea: {  	vm0 =	veq.s32 v7, v31;
	v7 =	vor.u32 $0x1, v44;
	vm13 =	veq.s32 v5, v31;
	v5 =	vld [tilespmem:$0x1FF00]  }
0xeb: {  	v10 =	vld.idx.msk [tilespmem:v57+s3+$0x0], $0xffff;
	v1 =	vor.u32 v1, v3;
	vm8 =	veq.s32 v38, v31;
	vm12 =	veq.s32 v0, v31  }
0xec: {  	v57 =	vld.idx.msk [tilespmem:v60+s3+$0x0], $0xffff;
	vm11 =	veq.s32 v11, v31;
	vm10 =	veq.s32 v9, v31;
	vm9 =	veq.s32 v4, v31  }
0xed: {  	vm4 =	veq.s32 v6, v31;
	vm1 =	veq.s32 v2, v31;
	vm5 =	veq.s32 v39, v31;
	v11 =	vld [tilespmem:$0x1FF20]  }
0xee: {  	v3 =	vld.idx.msk [tilespmem:v36+s3+$0x0], $0xffff;
	vm7 =	veq.s32 v48, v31;
	vm6 =	veq.s32 v53, v31;
	v45 =	vshll.u32 v45, $0x4  }
0xef: {  	vm2 =	veq.s32 v52, v31;
	v36 =	vor.u32 $0x8, v45;
	v32 =	vand.u32 v5, v54;
	v5 =	vld.idx.msk [tilespmem:v62+s3+$0x0], $0xffff  }
0xf0: {  	vm3 =	veq.s32 v51, v31;
	v53 =	vand.u32 $0xF80, v59;
	v0 =	vor.u32 $0x7, v45;
	v7 =	vld.idx.msk [tilespmem:v7+s3+$0x0], $0xffff  }
0xf1: {  	vm14 =	veq.s32 v8, v31;
	vm15 =	veq.s32 v47, v31;
	v38 =	vor.u32 $0x6, v45;
	v1 =	vld.idx.msk [tilespmem:v1+s3+$0x0], $0xffff  }
0xf2: {  	vm0 =	vmor vm0, vm8;
	v4 =	vor.u32 $0x5, v45;
	v33 =	vand.u32 v11, v59;
	v11 =	vld [tilespmem:$0x1FF30]  }
0xf3: {  	vm8 =	veq.s32 v50, v31;
	vm5 =	vmor vm5, vm7;
	v2 =	vor.u32 $0x4, v45;
	v6 =	vld.idx.msk [tilespmem:v45+s3+$0x0], $0xffff  }
0xf4: {  	vm0 =	vmor vm0, vm11;
	vm5 =	vmor vm5, vm6;
	v9 =	vor.u32 $0x3, v45;
	v62 =	vld.idx.msk [tilespmem:v36+s3+$0x0], $0xffff  }
0xf5: {  	vm10 =	vmor vm0, vm10;
	vm0 =	veq.s32 v49, v31;
	v48 =	vor.u32 $0x2, v45;
	v0 =	vld.idx.msk [tilespmem:v0+s3+$0x0], $0xffff  }
0xf6: {  	[tilespmem:$0x1FE70] =	vst v17;
	vm11 =	vmor vm10, vm9;
	vm9 =	veq.s32 v56, v31;
	v36 =	vor.u32 $0x1, v45;
	v17 =	vld.idx.msk [tilespmem:v38+s3+$0x0], $0xffff  }
0xf7: {  	[tilespmem:$0x1FE60] =	vst v18;
	vm6 =	veq.s32 v57, v31;
	v54 =	vand.u32 $0xF80, v54;
	v38 =	vor.u32 v63, v22;
	v18 =	vld.idx.msk [tilespmem:v4+s3+$0x0], $0xffff  }
0xf8: {  	vm4 =	vmor vm11, vm4;
	vm11 =	veq.s32 v61, v31;
	v1 =	vshll.u32 v1, $0x4;
	v63 =	vld.idx.msk [tilespmem:v2+s3+$0x0], $0xffff  }
0xf9: {  	v61 =	vand.u32 $0xF80, v58;
	v40 =	vand.u32 v11, v58;
	v9 =	vld.idx.msk [tilespmem:v9+s3+$0x0], $0xffff;
	v58 =	vor.u32 v54, v21  }
0xfa: {  	v48 =	vld.idx.msk [tilespmem:v48+s3+$0x0], $0xffff;
	vm10 =	veq.s32 v7, v31;
	v2 =	vimm.s32 $0x0;
	v8 =	vor.u32 $0x8, v1  }
0xfb: {  	vm7 =	veq.s32 v5, v31;
	v45 =	vor.u32 $0x9, v45;
	v7 =	vor.u32 $0x4, v1;
	v52 =	vld.idx.msk [tilespmem:v36+s3+$0x0], $0xffff  }
0xfc: {  	v39 =	vor.u32 $0x7, v1;
	v60 =	vor.u32 $0x6, v1;
	v2 =	vsel vm11, $0xFFFFFFFF, v2;
	v51 =	vld.idx.msk [tilespmem:v38+s3+$0x0], $0xffff  }
0xfd: {  	v5 =	vor.u32 $0x2, v1;
	vm11 =	vmor vm4, vm1;
	vm1 =	vmor vm5, vm2;
	v56 =	vld.idx.msk [tilespmem:v1+s3+$0x0], $0xffff  }
0xfe: {  	vm2 =	veq.s32 v10, v31;
	vm4 =	veq.s32 v16, v31;
	vm5 =	vmor vm9, vm10;
	v49 =	vld.idx.msk [tilespmem:v58+s3+$0x0], $0xffff  }
0xff: {  	vm1 =	vmor vm1, vm3;
	vm3 =	veq.s32 v3, v31;
	v36 =	vor.u32 $0x5, v1;
	v59 =	vld.idx.msk [tilespmem:v8+s3+$0x0], $0xffff  }
0x100: {  	vm5 =	vmor vm5, vm7;
	v38 =	vor.u32 $0x3, v1;
	v4 =	vld.idx.msk [tilespmem:v7+s3+$0x0], $0xffff;
	v7 =	vimm.s32 $0x0  }
0x101: {  	[tilespmem:$0x1FF40] =	vst v2;
	vm1 =	vmor vm1, vm8;
	v11 =	vld.idx.msk [tilespmem:v39+s3+$0x0], $0xffff;
	v39 =	vor.u32 $0x1, v1;
	v7 =	vsel vm4, $0xFFFFFFFF, v7  }
0x102: {  	vm5 =	vmor vm5, vm6;
	v57 =	vld.idx.msk [tilespmem:v60+s3+$0x0], $0xffff;
	[tilespmem:$0x1FF50] =	vst v7;
	v7 =	vor.u32 v46, v23;
	v2 =	vshll.u32 v51, $0x4  }
0x103: {  	vm8 =	veq.s32 v6, v31;
	vm2 =	vmor vm5, vm2;
	v5 =	vld.idx.msk [tilespmem:v5+s3+$0x0], $0xffff;
	v10 =	vor.u32 $0x8, v2  }
0x104: {  	vm9 =	vmor vm1, vm0;
	vm10 =	veq.s32 v62, v31;
	v54 =	vld.idx.msk [tilespmem:v36+s3+$0x0], $0xffff;
	v3 =	vor.u32 $0x7, v2  }
0x105: {  	vm5 =	veq.s32 v0, v31;
	v0 =	vimm.s32 $0x0;
	v51 =	vld.idx.msk [tilespmem:v38+s3+$0x0], $0xffff;
	v60 =	vor.u32 $0x6, v2  }
0x106: {  	vm2 =	vmor vm2, vm3;
	vm3 =	veq.s32 v48, v31;
	v50 =	vld.idx.msk [tilespmem:v39+s3+$0x0], $0xffff;
	v36 =	vor.u32 $0x5, v2  }
0x107: {  	vm1 =	veq.s32 v63, v31;
	v46 =	vor.u32 $0x9, v1;
	v6 =	vor.u32 $0x4, v2;
	v1 =	vld.idx.msk [tilespmem:v7+s3+$0x0], $0xffff  }
0x108: {  	v0 =	vsel vm5, $0xFFFFFFFF, v0;
	vm4 =	veq.s32 v42, v31;
	v38 =	vor.u32 $0x3, v2;
	v16 =	vld.idx.msk [tilespmem:v10+s3+$0x0], $0xffff  }
0x109: {  	[tilespmem:$0x1FF60] =	vst v0;
	v42 =	vadd.f32 $0.0e+00, v37;
	vm0 =	vmor vm2, vm4;
	v0 =	vor.u32 $0x2, v2;
	v47 =	vld.idx.msk [tilespmem:v3+s3+$0x0], $0xffff  }
0x10a: {  	vm6 =	veq.s32 v52, v31;
	v39 =	vor.u32 $0x1, v2;
	v10 =	vor.u32 v53, v12;
	v53 =	vld.idx.msk [tilespmem:v60+s3+$0x0], $0xffff  }
0x10b: {  	vm4 =	veq.s32 v18, v31;
	v49 =	vshll.u32 v49, $0x4;
	vm2 =	vmor vm8, vm6;
	v55 =	vld.idx.msk [tilespmem:v36+s3+$0x0], $0xffff  }
0x10c: {  	v37 =	vor.u32 $0x4, v49;
	vm2 =	vmor vm2, vm3;
	vm3 =	veq.s32 v17, v31;
	v58 =	vld.idx.msk [tilespmem:v6+s3+$0x0], $0xffff  }
0x10d: {  	v7 =	vimm.s32 $0x0;
	v3 =	vimm.s32 $0x0;
	v6 =	vor.u32 $0x8, v49;
	v60 =	vld.idx.msk [tilespmem:v38+s3+$0x0], $0xffff  }
0x10e: {  	v12 =	vld.idx.msk [tilespmem:v0+s3+$0x0], $0xffff;
	v36 =	vor.u32 $0x5, v49;
	v3 =	vsel vm0, $0xFFFFFFFF, v3;
	vm0 =	veq.s32 v9, v31  }
0x10f: {  	v38 =	vor.u32 $0x3, v49;
	v9 =	vor.u32 $0x7, v49;
	[tilespmem:$0x1FF70] =	vst v3;
	v3 =	vld.idx.msk [tilespmem:v39+s3+$0x0], $0xffff;
	vm0 =	vmor vm2, vm0  }
0x110: {  	vm2 =	veq.s32 v56, v31;
	v39 =	vor.u32 $0x9, v44;
	vm0 =	vmor vm0, vm1;
	v0 =	vld.idx.msk [tilespmem:v10+s3+$0x0], $0xffff  }
0x111: {  	v8 =	vld.idx.msk [tilespmem:v2+s3+$0x0], $0xffff;
	vm0 =	vmor vm0, vm4;
	vm4 =	veq.s32 v5, v31;
	v10 =	vor.u32 $0x6, v49  }
0x112: {  	v62 =	vld.idx.msk [tilespmem:v49+s3+$0x0], $0xffff;
	v5 =	vimm.s32 $0x0;
	vm8 =	vmor vm0, vm3;
	vm0 =	veq.s32 v59, v31  }
0x113: {  	vm1 =	veq.s32 v50, v31;
	v50 =	vld.idx.msk [tilespmem:v6+s3+$0x0], $0xffff;
	v6 =	vor.u32 $0x2, v49;
	v5 =	vsel vm0, $0xFFFFFFFF, v5  }
0x114: {  	v52 =	vld.idx.msk [tilespmem:v9+s3+$0x0], $0xffff;
	vm0 =	vmor vm2, vm1;
	vm1 =	veq.s32 v51, v31;
	v9 =	vor.u32 $0x1, v49  }
0x115: {  	v63 =	vld.idx.msk [tilespmem:v37+s3+$0x0], $0xffff;
	v51 =	vor.u32 v61, v26;
	[tilespmem:$0x1FF80] =	vst v5;
	vm0 =	vmor vm0, vm4;
	v5 =	vshll.u32 v0, $0x4  }
0x116: {  	[tilespmem:$0x1FFC0] =	vst v15;
	vm2 =	veq.s32 v4, v31;
	vm0 =	vmor vm0, vm1;
	v59 =	vld.idx.msk [tilespmem:v10+s3+$0x0], $0xffff;
	v10 =	vor.u32 $0x9, v5  }
0x117: {  	[tilespmem:$0x1FFD0] =	vst v13;
	v61 =	vld.idx.msk [tilespmem:v36+s3+$0x0], $0xffff;
	vm1 =	veq.s32 v54, v31;
	vm0 =	vmor vm0, vm2;
	v48 =	vor.u32 $0x8, v5  }
0x118: {  	[tilespmem:$0x1FFE0] =	vst v14;
	vm2 =	veq.s32 v57, v31;
	v4 =	vld.idx.msk [tilespmem:v6+s3+$0x0], $0xffff;
	vm0 =	vmor vm0, vm1;
	v57 =	vor.u32 $0x7, v5  }
0x119: {  	[tilespmem:$0x1FEE0] =	vst v19;
	vm1 =	veq.s32 v8, v31;
	v6 =	vld.idx.msk [tilespmem:v9+s3+$0x0], $0xffff;
	v9 =	vor.u32 $0x6, v5;
	vm0 =	vmor vm0, vm2  }
0x11a: {  	[tilespmem:$0x1FEF0] =	vst v28;
	v0 =	vld.idx.msk [tilespmem:v38+s3+$0x0], $0xffff;
	v8 =	vor.u32 $0x5, v5;
	v7 =	vsel vm0, $0xFFFFFFFF, v7;
	vm0 =	veq.s32 v3, v31  }
0x11b: {  	[tilespmem:$0x1FEB0] =	vst v29;
	v3 =	vimm.s32 $0x0;
	vm0 =	vmor vm1, vm0;
	vm1 =	veq.s32 v11, v31;
	v54 =	vld.idx.msk [tilespmem:v10+s3+$0x0], $0xffff  }
0x11c: {  	[tilespmem:$0x1FF90] =	vst v7;
	v11 =	vimm.s32 $0x0;
	v3 =	vsel vm1, $0xFFFFFFFF, v3;
	vm1 =	veq.s32 v16, v31;
	v56 =	vld.idx.msk [tilespmem:v48+s3+$0x0], $0xffff  }
0x11d: {  	v7 =	vor.u32 $0x3, v5;
	[tilespmem:$0x1FFA0] =	vst v3;
	v3 =	vor.u32 $0x4, v5;
	v11 =	vsel vm1, $0xFFFFFFFF, v11;
	v57 =	vld.idx.msk [tilespmem:v57+s3+$0x0], $0xffff  }
0x11e: {  	s7 =	simm.s32 $0x200;
	vm1 =	veq.s32 v12, v31;
	v48 =	vor.u32 $0x9, v2;
	v10 =	vld.idx.msk [tilespmem:v5+s3+$0x0], $0xffff;
	v2 =	vor.u32 $0x2, v5;
	[tilespmem:$0x1FFB0] =	vst v11  }
.LBB2_7:
0x11f: {  	v11 =	vimm.s32 $0x0  }
0x120: {  	vm0 =	vmor vm0, vm1;
	vm1 =	veq.s32 v60, v31;
	v11 =	vsel vm15, $0xFFFFFFFF, v11  }
0x121: {  	vm2 =	veq.s32 v58, v31;
	vm1 =	vmor vm0, vm1;
	[tilespmem:$0x1FD40] =	vst v11;
	v11 =	vimm.s32 $0x0  }
0x122: {  	vm1 =	vmor vm1, vm2;
	vm2 =	veq.s32 v55, v31;
	v11 =	vsel vm11, $0xFFFFFFFF, v11  }
0x123: {  	v5 =	vor.u32 $0x1, v5;
	vm1 =	vmor vm1, vm2;
	[tilespmem:$0x1FD70] =	vst v11;
	v11 =	vimm.s32 $0x0  }
0x124: {  	vm0 =	veq.s32 v47, v31;
	v47 =	vshll.u32 v1, $0x4;
	vm2 =	veq.s32 v53, v31  }
0x125: {  	v1 =	vor.u32 $0x9, v49;
	vm4 =	veq.s32 v62, v31;
	v11 =	vsel vm13, $0xFFFFFFFF, v11  }
0x126: {  	v51 =	vld.idx.msk [tilespmem:v51+s3+$0x0], $0xffff;
	vm5 =	veq.s32 v6, v31;
	v6 =	vimm.s32 $0x0;
	[tilespmem:$0x1FD60] =	vst v11;
	v11 =	vimm.s32 $0x0  }
0x127: {  	v58 =	vor.u32 $0x9, v47;
	v60 =	vor.u32 $0x8, v47;
	v11 =	vsel vm12, $0xFFFFFFFF, v11  }
0x128: {  	v36 =	vor.u32 $0x7, v47;
	v37 =	vor.u32 $0x6, v47;
	[tilespmem:$0x1FD80] =	vst v11;
	v11 =	vimm.s32 $0x0  }
0x129: {  	v38 =	vor.u32 $0x5, v47;
	vm4 =	vmor vm4, vm5;
	v11 =	vsel vm14, $0xFFFFFFFF, v11  }
0x12a: {  	v9 =	vld.idx.msk [tilespmem:v9+s3+$0x0], $0xffff;
	vm5 =	veq.s32 v4, v31;
	v4 =	vor.u32 $0x4, v47;
	[tilespmem:$0x1FD50] =	vst v11;
	v11 =	vimm.s32 $0x0  }
0x12b: {  	v8 =	vld.idx.msk [tilespmem:v8+s3+$0x0], $0xffff;
	v51 =	vshll.u32 v51, $0x4;
	vm4 =	vmor vm4, vm5;
	v11 =	vsel vm8, $0xFFFFFFFF, v11  }
0x12c: {  	v3 =	vld.idx.msk [tilespmem:v3+s3+$0x0], $0xffff;
	vm5 =	veq.s32 v0, v31;
	v0 =	vor.u32 $0x3, v47;
	[tilespmem:$0x1FD20] =	vst v11;
	v11 =	vimm.s32 $0x0  }
0x12d: {  	v7 =	vld.idx.msk [tilespmem:v7+s3+$0x0], $0xffff;
	v62 =	vor.u32 $0x2, v51;
	vm4 =	vmor vm4, vm5;
	v11 =	vsel vm9, $0xFFFFFFFF, v11  }
0x12e: {  	v2 =	vld.idx.msk [tilespmem:v2+s3+$0x0], $0xffff;
	vm5 =	veq.s32 v63, v31;
	v63 =	vor.u32 $0x3, v51;
	[tilespmem:$0x1FD30] =	vst v11;
	v11 =	vimm.s32 $0x0  }
0x12f: {  	v5 =	vld.idx.msk [tilespmem:v5+s3+$0x0], $0xffff;
	vm4 =	vmor vm4, vm5;
	vm5 =	veq.s32 v61, v31;
	v11 =	vsel vm0, $0xFFFFFFFF, v11  }
0x130: {  	vm4 =	vmor vm4, vm5;
	v55 =	vld.idx.msk [tilespmem:v58+s3+$0x0], $0xffff;
	vm0 =	vmor vm1, vm2;
	[tilespmem:$0x1FD00] =	vst v11;
	v11 =	vimm.s32 $0x0  }
0x131: {  	vm5 =	veq.s32 v59, v31;
	v53 =	vld.idx.msk [tilespmem:v60+s3+$0x0], $0xffff;
	v60 =	vor.u32 $0x2, v47;
	v11 =	vsel vm0, $0xFFFFFFFF, v11  }
0x132: {  	v49 =	vld.idx.msk [tilespmem:v36+s3+$0x0], $0xffff;
	v36 =	vor.u32 $0x4, v51;
	vm0 =	veq.s32 v50, v31;
	[tilespmem:$0x1FD10] =	vst v11;
	v11 =	vimm.s32 $0x0  }
0x133: {  	vm8 =	veq.s32 v10, v31;
	v0 =	vld.idx.msk [tilespmem:v0+s3+$0x0], $0xffff;
	v11 =	vsel vm0, $0xFFFFFFFF, v11;
	vm0 =	veq.s32 v52, v31  }
0x134: {  	v4 =	vld.idx.msk [tilespmem:v4+s3+$0x0], $0xffff;
	v10 =	vimm.s32 $0x0;
	v6 =	vsel vm0, $0xFFFFFFFF, v6;
	vm0 =	vmor vm4, vm5  }
0x135: {  	vm9 =	veq.s32 v5, v31;
	[tilespmem:$0x1FCD0] =	vst v6;
	v6 =	vld.idx.msk [tilespmem:v47+s3+$0x0], $0xffff;
	v47 =	vor.u32 $0x1, v47;
	v10 =	vsel vm0, $0xFFFFFFFF, v10  }
0x136: {  	vm8 =	vmor vm8, vm9;
	vm9 =	veq.s32 v2, v31;
	v5 =	vld.idx.msk [tilespmem:v60+s3+$0x0], $0xffff;
	[tilespmem:$0x1FCE0] =	vst v10;
	v10 =	vor.u32 $0x1, v51  }
0x137: {  	vm8 =	vmor vm8, vm9;
	vm9 =	veq.s32 v7, v31;
	v7 =	vld.idx.msk [tilespmem:v51+s3+$0x0], $0xffff;
	vm11 =	veq.s32 v49, v31  }
0x138: {  	vm8 =	vmor vm8, vm9;
	vm9 =	veq.s32 v3, v31;
	vm15 =	veq.s32 v0, v31;
	v50 =	vld.idx.msk [tilespmem:v37+s3+$0x0], $0xffff  }
0x139: {  	v37 =	vor.u32 $0x5, v51;
	vm8 =	vmor vm8, vm9;
	vm9 =	veq.s32 v8, v31;
	v52 =	vld.idx.msk [tilespmem:v38+s3+$0x0], $0xffff  }
0x13a: {  	vm8 =	vmor vm8, vm9;
	vm9 =	veq.s32 v9, v31;
	v9 =	vor.u32 $0x8, v51;
	v2 =	vld.idx.msk [tilespmem:v47+s3+$0x0], $0xffff  }
0x13b: {  	v38 =	vor.u32 $0x7, v51;
	vm8 =	vmor vm8, vm9;
	v3 =	vld.idx.msk [tilespmem:v10+s3+$0x0], $0xffff;
	v10 =	vor.u32 $0x6, v51  }
0x13c: {  	v8 =	vld.idx.msk [tilespmem:v62+s3+$0x0], $0xffff;
	vm9 =	veq.s32 v55, v31;
	[tilespmem:$0x1FCF0] =	vst v11;
	v11 =	vimm.s32 $0x0;
	vm5 =	vmmov vm10  }
0x13d: {  	vm10 =	veq.s32 v53, v31;
	vm3 =	veq.s32 v5, v31;
	vm14 =	veq.s32 v6, v31;
	v6 =	vld.idx.msk [tilespmem:v63+s3+$0x0], $0xffff  }
0x13e: {  	vm4 =	veq.s32 v4, v31;
	vm0 =	veq.s32 v54, v31;
	v47 =	vld.idx.msk [tilespmem:v36+s3+$0x0], $0xffff;
	v51 =	vor.u32 $0x9, v51  }
0x13f: {  	vm1 =	veq.s32 v7, v31;
	v11 =	vsel vm0, $0xFFFFFFFF, v11;
	vm12 =	veq.s32 v50, v31;
	v44 =	vld.idx.msk [tilespmem:v37+s3+$0x0], $0xffff  }
0x140: {  	vm13 =	veq.s32 v52, v31;
	vm2 =	veq.s32 v2, v31;
	v0 =	vld.idx.msk [tilespmem:v10+s3+$0x0], $0xffff;
	vm0 =	veq.s32 v3, v31  }
0x141: {  	v2 =	vld.idx.msk [tilespmem:v38+s3+$0x0], $0xffff;
	vm2 =	vmor vm14, vm2;
	vm0 =	vmor vm1, vm0;
	vm1 =	veq.s32 v8, v31  }
0x142: {  	v3 =	vld.idx.msk [tilespmem:v9+s3+$0x0], $0xffff;
	vm2 =	vmor vm2, vm3;
	vm0 =	vmor vm0, vm1;
	vm1 =	veq.s32 v6, v31  }
0x143: {  	v4 =	vld.idx.msk [tilespmem:v51+s3+$0x0], $0xffff;
	vm2 =	vmor vm2, vm15;
	vm0 =	vmor vm0, vm1;
	vm1 =	veq.s32 v47, v31  }
0x144: {  	vm2 =	vmor vm2, vm4;
	vm0 =	vmor vm0, vm1;
	vm1 =	veq.s32 v44, v31  }
0x145: {  	v5 =	vld.idx.msk [tilespmem:v40+s4+$0x0], $0xffff;
	vm2 =	vmor vm2, vm13;
	vm0 =	vmor vm0, vm1;
	vm1 =	veq.s32 v0, v31  }
0x146: {  	vm2 =	vmor vm2, vm12;
	vm0 =	vmor vm0, vm1;
	vm1 =	veq.s32 v2, v31  }
0x147: {  	vm2 =	vmor vm2, vm11;
	vm0 =	vmor vm0, vm1;
	vm1 =	veq.s32 v3, v31  }
0x148: {  	vm2 =	vmor vm2, vm10;
	vm0 =	vmor vm0, vm1;
	vm1 =	veq.s32 v4, v31  }
0x149: {  	vm2 =	vmor vm2, vm9;
	vm0 =	vmor vm0, vm1  }
0x14a: {  	[tilespmem:$0x1FCC0] =	vst v11;
	v6 =	vsel vm2, $0x0, v42;
	v5 =	vsel vm0, $0x0, v5  }
0x14b: {  	v5 =	vadd.f32 v5, v6;
	v6 =	vld [tilespmem:$0x1FCC0];
	_ =	sdelay $0x2  }
0x14c: {  	vm7 =	veq.s32 v57, v31  }
0x14d: {  	vm6 =	veq.s32 v56, v31;
	vm1 =	vmor vm8, vm7  }
0x14e: {  	vm0 =	vmor vm1, vm6;
	vm1 =	vnez.u8 v6;
	v6 =	vld [tilespmem:$0x1FCD0];
	_ =	sdelay $0x1  }
0x14f: {  	v0 =	vld.idx.msk [tilespmem:v33+s4+$0x0], $0xffff;
	_ =	sdelay $0x2  }
0x150: {  	vm0 =	vmor vm0, vm1;
	vm1 =	vnez.u8 v6;
	v6 =	vld [tilespmem:$0x1FCE0]  }
0x151: {  	v8 =	vld [tilespmem:$0x1FCF0]  }
0x152: {  	v1 =	vld.idx.msk [tilespmem:v1+s3+$0x0], $0xffff;
	v0 =	vsel vm0, $0x0, v0  }
0x153: {  	v0 =	vadd.f32 v0, v5;
	v5 =	vld [tilespmem:$0x1FD00];
	_ =	sdelay $0x1  }
0x154: {  	v2 =	vld.idx.msk [tilespmem:v32+s4+$0x0], $0xffff;
	vm2 =	vnez.u8 v6  }
0x155: {  	vm0 =	vnez.u8 v8;
	vm1 =	vmor vm2, vm1  }
0x156: {  	vm0 =	vmor vm1, vm0;
	vm1 =	veq.s32 v1, v31  }
0x157: {  	vm0 =	vmor vm0, vm1;
	vm1 =	vnez.u8 v5;
	v5 =	vld [tilespmem:$0x1FD10]  }
0x158: {  	v8 =	vld [tilespmem:$0x1FFB0]  }
0x159: {  	v3 =	vld.idx.msk [tilespmem:v48+s3+$0x0], $0xffff;
	v2 =	vsel vm0, $0x0, v2  }
0x15a: {  	v0 =	vadd.f32 v2, v0;
	v2 =	vld [tilespmem:$0x1FF90];
	_ =	sdelay $0x1  }
0x15b: {  	v4 =	vld.idx.msk [tilespmem:v20+s4+$0x0], $0xffff;
	vm2 =	vnez.u8 v5  }
0x15c: {  	vm0 =	vnez.u8 v8;
	vm1 =	vmor vm2, vm1  }
0x15d: {  	vm0 =	vmor vm1, vm0;
	vm1 =	veq.s32 v3, v31  }
0x15e: {  	vm0 =	vmor vm0, vm1;
	vm1 =	vnez.u8 v2;
	v2 =	vld [tilespmem:$0x1FFA0]  }
0x15f: {  	v8 =	vld [tilespmem:$0x1FF80]  }
0x160: {  	v7 =	vld.idx.msk [tilespmem:v46+s3+$0x0], $0xffff;
	v4 =	vsel vm0, $0x0, v4  }
0x161: {  	v0 =	vadd.f32 v4, v0;
	v4 =	vld [tilespmem:$0x1FF60];
	_ =	sdelay $0x1  }
0x162: {  	v6 =	vld.idx.msk [tilespmem:v30+s4+$0x0], $0xffff;
	vm2 =	vnez.u8 v2  }
0x163: {  	vm0 =	vnez.u8 v8;
	vm1 =	vmor vm1, vm2  }
0x164: {  	vm0 =	vmor vm1, vm0;
	vm1 =	veq.s32 v7, v31  }
0x165: {  	vm0 =	vmor vm0, vm1;
	vm1 =	vnez.u8 v4;
	v4 =	vld [tilespmem:$0x1FD20];
	_ =	sdelay $0x1  }
0x166: {  	v1 =	vld.idx.msk [tilespmem:v45+s3+$0x0], $0xffff;
	v6 =	vsel vm0, $0x0, v6  }
0x167: {  	v0 =	vadd.f32 v6, v0;
	v6 =	vld [tilespmem:$0x1FF50];
	_ =	sdelay $0x1  }
0x168: {  	vm2 =	vnez.u8 v4  }
0x169: {  	vm1 =	vmor vm2, vm1  }
0x16a: {  	vm0 =	vmor vm1, vm5;
	vm1 =	veq.s32 v1, v31  }
0x16b: {  	vm0 =	vmor vm0, vm1;
	vm1 =	vnez.u8 v6;
	v6 =	vld [tilespmem:$0x1FF70]  }
0x16c: {  	v5 =	vld.idx.msk [tilespmem:v35+s4+$0x0], $0xffff;
	_ =	sdelay $0x3  }
0x16d: {  	vm2 =	vnez.u8 v6;
	v6 =	vld [tilespmem:$0x1FF40]  }
0x16e: {  	v3 =	vld.idx.msk [tilespmem:v39+s3+$0x0], $0xffff;
	v5 =	vsel vm0, $0x0, v5  }
0x16f: {  	v0 =	vadd.f32 v5, v0;
	v5 =	vld [tilespmem:$0x1FD30];
	_ =	sdelay $0x2  }
0x170: {  	vm1 =	vmor vm2, vm1;
	vm0 =	vnez.u8 v6  }
0x171: {  	vm0 =	vmor vm1, vm0;
	vm1 =	veq.s32 v3, v31  }
0x172: {  	vm0 =	vmor vm0, vm1;
	vm1 =	vnez.u8 v5;
	v5 =	vld [tilespmem:$0x1FD40]  }
0x173: {  	v2 =	vld.idx.msk [tilespmem:v27+s4+$0x0], $0xffff;
	_ =	sdelay $0x3  }
0x174: {  	vm2 =	vnez.u8 v5;
	v5 =	vld [tilespmem:$0x1FD50]  }
0x175: {  	v7 =	vld.idx.msk [tilespmem:v43+s3+$0x0], $0xffff;
	v2 =	vsel vm0, $0x0, v2  }
0x176: {  	v0 =	vadd.f32 v2, v0;
	v2 =	vld [tilespmem:$0x1FD60];
	_ =	sdelay $0x2  }
0x177: {  	vm1 =	vmor vm1, vm2;
	vm0 =	vnez.u8 v5  }
0x178: {  	v4 =	vld.idx.msk [tilespmem:v25+s4+$0x0], $0xffff;
	vm0 =	vmor vm1, vm0;
	vm1 =	veq.s32 v7, v31  }
0x179: {  	vm0 =	vmor vm0, vm1;
	vm1 =	vnez.u8 v2;
	v2 =	vld [tilespmem:$0x1FD70];
	_ =	sdelay $0x4  }
0x17a: {  	vm2 =	vnez.u8 v2;
	v2 =	vsel vm0, $0x0, v4;
	v4 =	vld [tilespmem:$0x1FD80]  }
0x17b: {  	v1 =	vld.idx.msk [tilespmem:v41+s3+$0x0], $0xffff;
	_ =	sdelay $0x1  }
0x17c: {  	v3 =	vld.idx.msk [tilespmem:v34+s4+$0x0], $0xffff;
	_ =	sdelay $0x1  }
0x17d: {  	vm1 =	vmor vm2, vm1;
	vm0 =	vnez.u8 v4  }
0x17e: {  	vm0 =	vmor vm1, vm0;
	vm1 =	veq.s32 v1, v31  }
0x17f: {  	v0 =	vadd.f32 v2, v0;
	vm0 =	vmor vm0, vm1  }
0x180: {  	v1 =	vld [tilespmem:$0x1FDE0];
	v2 =	vsel vm0, $0x0, v3  }
0x181: {  	v0 =	vadd.f32 v2, v0;
	v2 =	vld [tilespmem:$0x1FE10]  }
0x182: {  	v3 =	vld [tilespmem:$0x1FDF0];
	_ =	sdelay $0x2  }
0x183: {  	v5 =	vor.u32 s7, v1  }
0x184: {  	v1 =	vand.u32 $0xF80, v5;
	v6 =	vor.u32 s7, v2  }
0x185: {  	v1 =	vor.u32 v1, v3;
	v3 =	vand.u32 $0xF80, v6  }
0x186: {  	v3 =	vor.u32 v3, v15;
	_ =	sdelay $0x2  }
0x187: {  	s5 =	sadd.s32 $0x10, s5  }
0x188: {  	[tilespmem:s5+$0x0] =	vst v0  }
0x189: {  	v8 =	vld.idx.msk [tilespmem:v3+s3+$0x0], $0xffff;
	_ =	sdelay $0x4  }
0x18a: {  	v0 =	vld.idx.msk [tilespmem:v1+s3+$0x0], $0xffff;
	v53 =	vshll.u32 v8, $0x4  }
0x18b: {  	v36 =	vor.u32 $0x1, v53  }
0x18c: {  	v16 =	vld [tilespmem:$0x1FE50];
	_ =	sdelay $0x2  }
0x18d: {  	v41 =	vshll.u32 v0, $0x4  }
0x18e: {  	v48 =	vor.u32 $0x3, v41;
	v11 =	vld.idx.msk [tilespmem:v36+s3+$0x0], $0xffff  }
0x18f: {  	v36 =	vor.u32 s7, v16;
	v16 =	vld [tilespmem:$0x1FE60];
	_ =	sdelay $0x3  }
0x190: {  	v8 =	vld.idx.msk [tilespmem:v48+s3+$0x0], $0xffff  }
0x191: {  	v48 =	vor.u32 s7, v16;
	v16 =	vld [tilespmem:$0x1FE70]  }
0x192: {  	v1 =	vld [tilespmem:$0x1FE00]  }
0x193: {  	v2 =	vld [tilespmem:$0x1FE20];
	_ =	sdelay $0x2  }
0x194: {  	v51 =	vor.u32 s7, v16;
	v16 =	vld [tilespmem:$0x1FE80]  }
0x195: {  	v1 =	vor.u32 s7, v1  }
0x196: {  	v2 =	vand.u32 v2, v1  }
0x197: {  	v0 =	vor.u32 $0x8, v41;
	_ =	sdelay $0x1  }
0x198: {  	v54 =	vor.u32 s7, v16;
	v16 =	vld [tilespmem:$0x1FE90];
	_ =	sdelay $0x1  }
0x199: {  	v4 =	vor.u32 $0x7, v41;
	v42 =	vld.idx.msk [tilespmem:v2+s4+$0x0], $0xffff  }
0x19a: {  	v7 =	vor.u32 $0x6, v41;
	v10 =	vld.idx.msk [tilespmem:v0+s3+$0x0], $0xffff  }
0x19b: {  	v9 =	vor.u32 $0x5, v41;
	v0 =	vld [tilespmem:$0x1FE30]  }
0x19c: {  	v61 =	vor.u32 s7, v16;
	v16 =	vld [tilespmem:$0x1FEA0]  }
0x19d: {  	v31 =	vor.u32 $0x4, v41;
	v2 =	vld.idx.msk [tilespmem:v41+s3+$0x0], $0xffff  }
0x19e: {  	v50 =	vor.u32 $0x1, v41;
	v3 =	vld.idx.msk [tilespmem:v4+s3+$0x0], $0xffff  }
0x19f: {  	v43 =	vld.idx.msk [tilespmem:v7+s3+$0x0], $0xffff;
	v7 =	vor.u32 $0x8, v53  }
0x1a0: {  	v57 =	vld.idx.msk [tilespmem:v9+s3+$0x0], $0xffff  }
0x1a1: {  	v0 =	vor.u32 s7, v0;
	v38 =	vand.u32 v16, v6;
	v6 =	vld [tilespmem:$0x1FEB0]  }
0x1a2: {  	v49 =	vor.u32 $0x2, v41;
	v63 =	vld.idx.msk [tilespmem:v31+s3+$0x0], $0xffff;
	v4 =	vand.u32 $0xF80, v0  }
0x1a3: {  	v4 =	vor.u32 v4, v13;
	v13 =	vld.idx.msk [tilespmem:v50+s3+$0x0], $0xffff  }
0x1a4: {  	v50 =	vld.idx.msk [tilespmem:v7+s3+$0x0], $0xffff  }
0x1a5: {  	v56 =	vor.u32 $0x5, v53;
	v7 =	vld [tilespmem:$0x1FE40]  }
0x1a6: {  	v9 =	vor.u32 $0x7, v53;
	v34 =	vand.u32 v6, v5;
	v6 =	vld [tilespmem:$0x1FEC0]  }
0x1a7: {  	v12 =	vld.idx.msk [tilespmem:v49+s3+$0x0], $0xffff  }
0x1a8: {  	v58 =	vor.u32 $0x4, v53;
	v60 =	vld.idx.msk [tilespmem:v53+s3+$0x0], $0xffff  }
0x1a9: {  	v31 =	vor.u32 $0x6, v53;
	v4 =	vld.idx.msk [tilespmem:v4+s3+$0x0], $0xffff  }
0x1aa: {  	v40 =	vor.u32 $0x2, v53;
	v55 =	vld.idx.msk [tilespmem:v56+s3+$0x0], $0xffff  }
0x1ab: {  	v59 =	vor.u32 $0x3, v53;
	v27 =	vld.idx.msk [tilespmem:v9+s3+$0x0], $0xffff;
	v7 =	vor.u32 s7, v7;
	v0 =	vand.u32 v6, v0  }
0x1ac: {  	v9 =	vand.u32 $0xF80, v7;
	[tilespmem:$0x1FD90] =	vst v0;
	v0 =	vld [tilespmem:$0x1FEE0]  }
0x1ad: {  	v62 =	vld.idx.msk [tilespmem:v58+s3+$0x0], $0xffff;
	v9 =	vor.u32 v9, v14  }
0x1ae: {  	v47 =	vld.idx.msk [tilespmem:v31+s3+$0x0], $0xffff;
	v45 =	vshll.u32 v4, $0x4  }
0x1af: {  	v14 =	vld.idx.msk [tilespmem:v40+s3+$0x0], $0xffff;
	v31 =	vor.u32 $0x8, v45  }
0x1b0: {  	v4 =	vld.idx.msk [tilespmem:v59+s3+$0x0], $0xffff  }
0x1b1: {  	v30 =	vand.u32 v0, v36;
	v0 =	vld [tilespmem:$0x1FED0]  }
0x1b2: {  	v46 =	vor.u32 $0x7, v45;
	v9 =	vld.idx.msk [tilespmem:v9+s3+$0x0], $0xffff  }
0x1b3: {  	v35 =	vor.u32 $0x6, v45;
	v58 =	vld.idx.msk [tilespmem:v45+s3+$0x0], $0xffff  }
0x1b4: {  	v37 =	vor.u32 $0x5, v45;
	v59 =	vld.idx.msk [tilespmem:v31+s3+$0x0], $0xffff  }
0x1b5: {  	v40 =	vor.u32 $0x3, v45;
	v16 =	vld [tilespmem:$0x1FF30];
	v5 =	vand.u32 $0xF80, v36  }
0x1b6: {  	v5 =	vor.u32 v5, v0;
	v0 =	vld [tilespmem:$0x1FEF0]  }
0x1b7: {  	v46 =	vld.idx.msk [tilespmem:v46+s3+$0x0], $0xffff  }
0x1b8: {  	v49 =	vld.idx.msk [tilespmem:v35+s3+$0x0], $0xffff  }
0x1b9: {  	v1 =	vand.u32 $0xF80, v1;
	v15 =	vor.u32 $0x2, v45;
	v56 =	vld.idx.msk [tilespmem:v37+s3+$0x0], $0xffff;
	v52 =	vshll.u32 v9, $0x4  }
0x1ba: {  	v39 =	vor.u32 $0x4, v45;
	v9 =	vld.idx.msk [tilespmem:v40+s3+$0x0], $0xffff;
	v40 =	vand.u32 v16, v54;
	v16 =	vor.u32 $0x7, v52  }
0x1bb: {  	v17 =	vor.u32 $0x6, v52;
	v6 =	vor.u32 $0x1, v45;
	v35 =	vand.u32 v0, v7;
	v0 =	vld [tilespmem:$0x1FF00]  }
0x1bc: {  	s6 =	sadd.s32 $0x10, s6;
	v19 =	vor.u32 $0x5, v52;
	v24 =	vor.u32 $0x2, v52;
	v7 =	vlaneseq.u32;
	v18 =	vld.idx.msk [tilespmem:v5+s3+$0x0], $0xffff  }
0x1bd: {  	v25 =	vor.u32 $0x1, v52;
	v54 =	vand.u32 $0xF80, v54;
	v31 =	vor.u32 s6, v7;
	v7 =	vld [tilespmem:$0x1FF20]  }
0x1be: {  	v15 =	vld.idx.msk [tilespmem:v15+s3+$0x0], $0xffff;
	vm0 =	veq.s32 v2, v31;
	vm1 =	veq.s32 v13, v31;
	vm13 =	veq.s32 v3, v31  }
0x1bf: {  	v16 =	vld.idx.msk [tilespmem:v16+s3+$0x0], $0xffff;
	vm12 =	veq.s32 v10, v31;
	vm0 =	vmor vm0, vm1;
	vm1 =	veq.s32 v12, v31  }
0x1c0: {  	v6 =	vld.idx.msk [tilespmem:v6+s3+$0x0], $0xffff;
	vm0 =	vmor vm0, vm1;
	vm1 =	veq.s32 v8, v31;
	v32 =	vand.u32 v0, v48  }
0x1c1: {  	v0 =	vld [tilespmem:$0x1FF10];
	v48 =	vand.u32 $0xF80, v48;
	v10 =	vshll.u32 v18, $0x4;
	vm0 =	vmor vm0, vm1  }
0x1c2: {  	v5 =	vld.idx.msk [tilespmem:v52+s3+$0x0], $0xffff;
	vm1 =	veq.s32 v63, v31;
	v33 =	vand.u32 v7, v61;
	v7 =	vor.u32 $0x8, v52  }
0x1c3: {  	v8 =	vld.idx.msk [tilespmem:v24+s3+$0x0], $0xffff;
	v61 =	vand.u32 $0xF80, v61;
	v20 =	vor.u32 v48, v21;
	v48 =	vor.u32 v1, v23  }
0x1c4: {  	v28 =	vmovc v23;
	v1 =	vld [tilespmem:$0x1FFF0];
	v23 =	vor.u32 $0x3, v52;
	vm0 =	vmor vm0, vm1;
	vm1 =	veq.s32 v57, v31  }
0x1c5: {  	v18 =	vld.idx.msk [tilespmem:v25+s3+$0x0], $0xffff;
	v2 =	vor.u32 $0x8, v10;
	vm0 =	vmor vm0, vm1;
	vm1 =	veq.s32 v43, v31  }
0x1c6: {  	v3 =	vor.u32 $0x7, v10;
	vm11 =	vmor vm0, vm1;
	v44 =	vand.u32 v0, v51;
	v0 =	vld.idx.msk [tilespmem:v39+s3+$0x0], $0xffff  }
0x1c7: {  	vm0 =	veq.s32 v60, v31;
	vm1 =	veq.s32 v11, v31;
	v51 =	vand.u32 $0xF80, v51;
	v7 =	vld.idx.msk [tilespmem:v7+s3+$0x0], $0xffff  }
0x1c8: {  	v36 =	vmovc v21;
	v11 =	vor.u32 $0x2, v10;
	v21 =	vor.u32 v51, v22;
	v51 =	vor.u32 v54, v26;
	v54 =	vld.idx.msk [tilespmem:v17+s3+$0x0], $0xffff  }
0x1c9: {  	vm0 =	vmor vm0, vm1;
	vm1 =	veq.s32 v14, v31;
	v1 =	vor.u32 v61, v1;
	v61 =	vld.idx.msk [tilespmem:v19+s3+$0x0], $0xffff  }
0x1ca: {  	vm0 =	vmor vm0, vm1;
	vm1 =	veq.s32 v4, v31;
	v12 =	vld.idx.msk [tilespmem:v23+s3+$0x0], $0xffff  }
0x1cb: {  	v14 =	vor.u32 $0x1, v10;
	v25 =	vld.idx.msk [tilespmem:v2+s3+$0x0], $0xffff;
	vm0 =	vmor vm0, vm1;
	vm1 =	veq.s32 v62, v31  }
0x1cc: {  	v37 =	vmovc v22;
	v22 =	vor.u32 $0x4, v52;
	v57 =	vld.idx.msk [tilespmem:v3+s3+$0x0], $0xffff;
	vm0 =	vmor vm0, vm1;
	vm1 =	veq.s32 v55, v31  }
0x1cd: {  	v17 =	vor.u32 $0x6, v10;
	v20 =	vld.idx.msk [tilespmem:v20+s3+$0x0], $0xffff;
	vm0 =	vmor vm0, vm1;
	vm1 =	veq.s32 v47, v31  }
0x1ce: {  	v11 =	vld.idx.msk [tilespmem:v11+s3+$0x0], $0xffff;
	vm9 =	vmor vm0, vm1;
	vm0 =	veq.s32 v58, v31;
	vm1 =	veq.s32 v6, v31  }
0x1cf: {  	vm0 =	vmor vm0, vm1;
	vm1 =	veq.s32 v15, v31;
	v19 =	vld.idx.msk [tilespmem:v21+s3+$0x0], $0xffff  }
0x1d0: {  	v14 =	vld.idx.msk [tilespmem:v14+s3+$0x0], $0xffff;
	v21 =	vor.u32 $0x5, v10;
	vm0 =	vmor vm0, vm1;
	vm1 =	veq.s32 v9, v31  }
0x1d1: {  	v23 =	vor.u32 $0x4, v10;
	v13 =	vld.idx.msk [tilespmem:v22+s3+$0x0], $0xffff;
	vm0 =	vmor vm0, vm1;
	vm1 =	veq.s32 v0, v31  }
0x1d2: {  	v24 =	vor.u32 $0x3, v10;
	v22 =	vld.idx.msk [tilespmem:v10+s3+$0x0], $0xffff;
	vm0 =	vmor vm0, vm1;
	vm1 =	veq.s32 v56, v31  }
0x1d3: {  	v3 =	vld.idx.msk [tilespmem:v17+s3+$0x0], $0xffff;
	vm0 =	vmor vm0, vm1;
	vm1 =	veq.s32 v49, v31;
	v49 =	vshll.u32 v20, $0x4  }
0x1d4: {  	v1 =	vld.idx.msk [tilespmem:v1+s3+$0x0], $0xffff;
	v2 =	vshll.u32 v19, $0x4  }
0x1d5: {  	v17 =	vld.idx.msk [tilespmem:v21+s3+$0x0], $0xffff;
	v4 =	vor.u32 $0x8, v2  }
0x1d6: {  	vm2 =	veq.s32 v59, v31;
	v6 =	vimm.s32 $0x0;
	v19 =	vld.idx.msk [tilespmem:v23+s3+$0x0], $0xffff;
	v23 =	vor.u32 $0x7, v2  }
0x1d7: {  	v41 =	vor.u32 $0x9, v41;
	v6 =	vsel vm2, $0xFFFFFFFF, v6;
	v21 =	vld.idx.msk [tilespmem:v24+s3+$0x0], $0xffff;
	v24 =	vor.u32 $0x6, v2  }
0x1d8: {  	vm2 =	veq.s32 v46, v31;
	[tilespmem:$0x1FF40] =	vst v6;
	v0 =	vimm.s32 $0x0;
	v6 =	vor.u32 $0x4, v2;
	v62 =	vld.idx.msk [tilespmem:v49+s3+$0x0], $0xffff  }
0x1d9: {  	v42 =	vadd.f32 $0.0e+00, v42;
	v0 =	vsel vm2, $0xFFFFFFFF, v0;
	v63 =	vor.u32 $0x5, v2;
	v29 =	vld.idx.msk [tilespmem:v2+s3+$0x0], $0xffff  }
0x1da: {  	vm14 =	veq.s32 v50, v31;
	vm15 =	veq.s32 v27, v31;
	[tilespmem:$0x1FF50] =	vst v0;
	v0 =	vor.u32 $0x1, v2;
	v27 =	vld.idx.msk [tilespmem:v4+s3+$0x0], $0xffff  }
0x1db: {  	v43 =	vor.u32 $0x9, v53;
	v39 =	vor.u32 $0x9, v45;
	v15 =	vor.u32 $0x3, v2;
	v47 =	vld.idx.msk [tilespmem:v23+s3+$0x0], $0xffff  }
0x1dc: {  	vm10 =	veq.s32 v7, v31;
	vm2 =	veq.s32 v16, v31;
	vm0 =	vmor vm0, vm1;
	v53 =	vld.idx.msk [tilespmem:v24+s3+$0x0], $0xffff  }
0x1dd: {  	vm1 =	veq.s32 v18, v31;
	v4 =	vor.u32 $0x2, v2;
	v58 =	vld.idx.msk [tilespmem:v6+s3+$0x0], $0xffff;
	v6 =	vimm.s32 $0x0  }
0x1de: {  	v7 =	vor.u32 $0x5, v49;
	v55 =	vld.idx.msk [tilespmem:v63+s3+$0x0], $0xffff;
	v6 =	vsel vm0, $0xFFFFFFFF, v6;
	vm0 =	veq.s32 v5, v31  }
0x1df: {  	v16 =	vld.idx.msk [tilespmem:v0+s3+$0x0], $0xffff;
	v0 =	vor.u32 $0x4, v49;
	vm0 =	vmor vm0, vm1;
	vm1 =	veq.s32 v8, v31  }
0x1e0: {  	v60 =	vld.idx.msk [tilespmem:v15+s3+$0x0], $0xffff;
	v5 =	vor.u32 $0x7, v49;
	vm0 =	vmor vm0, vm1;
	vm1 =	veq.s32 v12, v31  }
0x1e1: {  	v45 =	vor.u32 $0x9, v52;
	vm0 =	vmor vm0, vm1;
	vm1 =	veq.s32 v13, v31;
	v13 =	vld [tilespmem:$0x1FFD0]  }
0x1e2: {  	v46 =	vor.u32 $0x9, v10;
	v9 =	vor.u32 $0x1, v49;
	[tilespmem:$0x1FF70] =	vst v6;
	v6 =	vor.u32 $0x8, v49;
	v15 =	vld.idx.msk [tilespmem:v4+s3+$0x0], $0xffff  }
0x1e3: {  	v4 =	vimm.s32 $0x0;
	vm0 =	vmor vm0, vm1;
	vm1 =	veq.s32 v61, v31;
	v61 =	vld.idx.msk [tilespmem:v7+s3+$0x0], $0xffff  }
0x1e4: {  	v8 =	vor.u32 $0x3, v49;
	v63 =	vld.idx.msk [tilespmem:v0+s3+$0x0], $0xffff;
	v0 =	vimm.s32 $0x0;
	v4 =	vsel vm2, $0xFFFFFFFF, v4  }
0x1e5: {  	v52 =	vld.idx.msk [tilespmem:v5+s3+$0x0], $0xffff;
	vm0 =	vmor vm0, vm1;
	vm1 =	veq.s32 v54, v31;
	v5 =	vshll.u32 v1, $0x4  }
0x1e6: {  	vm2 =	veq.s32 v25, v31;
	v1 =	vld.idx.msk [tilespmem:v48+s3+$0x0], $0xffff;
	v48 =	vor.u32 $0x9, v2;
	v2 =	vimm.s32 $0x0  }
0x1e7: {  	[tilespmem:$0x1FF60] =	vst v4;
	v4 =	vor.u32 $0x6, v49;
	v50 =	vld.idx.msk [tilespmem:v6+s3+$0x0], $0xffff;
	v6 =	vor.u32 $0x2, v49;
	vm8 =	vmor vm0, vm1  }
0x1e8: {  	vm0 =	veq.s32 v22, v31;
	vm1 =	veq.s32 v14, v31;
	v14 =	vld [tilespmem:$0x1FFE0];
	v0 =	vsel vm2, $0xFFFFFFFF, v0  }
0x1e9: {  	vm2 =	veq.s32 v27, v31;
	v27 =	vld [tilespmem:$0x1FD90];
	vm0 =	vmor vm0, vm1;
	vm1 =	veq.s32 v11, v31  }
0x1ea: {  	v7 =	vor.u32 $0x9, v5;
	[tilespmem:$0x1FF80] =	vst v0;
	v0 =	vld.idx.msk [tilespmem:v8+s3+$0x0], $0xffff;
	vm0 =	vmor vm0, vm1;
	vm1 =	veq.s32 v21, v31  }
0x1eb: {  	v11 =	vor.u32 $0x8, v5;
	vm0 =	vmor vm0, vm1;
	vm1 =	veq.s32 v19, v31;
	v10 =	vld.idx.msk [tilespmem:v5+s3+$0x0], $0xffff  }
0x1ec: {  	v12 =	vor.u32 $0x7, v5;
	vm0 =	vmor vm0, vm1;
	vm1 =	veq.s32 v17, v31;
	v59 =	vld.idx.msk [tilespmem:v4+s3+$0x0], $0xffff  }
0x1ed: {  	p1 =	sne.s32 s7, $0xF00;
	v8 =	vor.u32 $0x5, v5;
	v4 =	vld.idx.msk [tilespmem:v6+s3+$0x0], $0xffff;
	vm0 =	vmor vm0, vm1;
	vm1 =	veq.s32 v3, v31  }
.Ltmp3:
0x1ee: {  	v2 =	vsel vm2, $0xFFFFFFFF, v2;
	v6 =	vld.idx.msk [tilespmem:v9+s3+$0x0], $0xffff;
	v3 =	vimm.s32 $0x0;
	vm0 =	vmor vm0, vm1;
	(pc) =	sbr.rel @p1 .LBB2_7-.Ltmp3, $4  }
0x1ef: {  	[tilespmem:$0x1FFB0] =	vst v2;
	v2 =	vor.u32 $0x2, v5;
	v9 =	vor.u32 $0x6, v5;
	v54 =	vld.idx.msk [tilespmem:v7+s3+$0x0], $0xffff;
	v3 =	vsel vm0, $0xFFFFFFFF, v3  }
0x1f0: {  	v20 =	vmovc v44;
	v23 =	vmovc v28;
	v7 =	vor.u32 $0x3, v5;
	v56 =	vld.idx.msk [tilespmem:v11+s3+$0x0], $0xffff;
	vm0 =	veq.s32 v57, v31;
	[tilespmem:$0x1FF90] =	vst v3;
	v3 =	vimm.s32 $0x0  }
0x1f1: {  	v25 =	vmovc v38;
	vm1 =	veq.s32 v16, v31;
	v57 =	vld.idx.msk [tilespmem:v12+s3+$0x0], $0xffff;
	v3 =	vsel vm0, $0xFFFFFFFF, v3;
	vm0 =	veq.s32 v29, v31  }
0x1f2: {  	s7 =	sadd.s32 $0x100, s7;
	v22 =	vmovc v37;
	v21 =	vmovc v36;
	[tilespmem:$0x1FFA0] =	vst v3;
	v3 =	vor.u32 $0x4, v5;
	vm0 =	vmor vm0, vm1;
	vm1 =	veq.s32 v15, v31;
	v15 =	vld [tilespmem:$0x1FFC0]  }
0x1f3: {  	_ =	sdelay $0x3  }
0x1f4: {  	v9 =	vld.idx.msk [tilespmem:v9+s3+$0x0], $0xffff  }
0x1f5: {  	v11 =	vld.idx.msk [tilespmem:v51+s3+$0x0], $0xffff  }
0x1f6: {  	v26 =	vld.idx.msk [tilespmem:v8+s3+$0x0], $0xffff  }
0x1f7: {  	v5 =	vor.u32 $0x1, v5;
	vm2 =	veq.s32 v62, v31;
	vm3 =	veq.s32 v6, v31;
	v3 =	vld.idx.msk [tilespmem:v3+s3+$0x0], $0xffff  }
0x1f8: {  	v1 =	vshll.u32 v1, $0x4;
	vm7 =	veq.s32 v4, v31;
	vm0 =	vmor vm0, vm1;
	v7 =	vld.idx.msk [tilespmem:v7+s3+$0x0], $0xffff  }
0x1f9: {  	vm6 =	veq.s32 v60, v31;
	v36 =	vld.idx.msk [tilespmem:v2+s3+$0x0], $0xffff;
	vm2 =	vmor vm2, vm3;
	v28 =	vor.u32 $0x9, v1  }
0x1fa: {  	v23 =	vld.idx.msk [tilespmem:v32+s4+$0x0], $0xffff;
	v29 =	vor.u32 $0x8, v1;
	vm0 =	vmor vm0, vm6;
	v37 =	vor.u32 $0x1, v1  }
0x1fb: {  	v24 =	vld.idx.msk [tilespmem:v48+s3+$0x0], $0xffff;
	vm6 =	veq.s32 v58, v31;
	v14 =	vor.u32 $0x2, v1;
	v16 =	vor.u32 $0x3, v1  }
0x1fc: {  	v19 =	vor.u32 $0x4, v1;
	v51 =	vor.u32 $0x5, v1;
	vm1 =	vmor vm2, vm7;
	v5 =	vld.idx.msk [tilespmem:v5+s3+$0x0], $0xffff  }
0x1fd: {  	vm7 =	veq.s32 v0, v31;
	vm0 =	vmor vm0, vm6;
	v11 =	vshll.u32 v11, $0x4;
	v12 =	vld.idx.msk [tilespmem:v1+s3+$0x0], $0xffff  }
0x1fe: {  	vm6 =	veq.s32 v55, v31;
	v55 =	vor.u32 $0x6, v1;
	v13 =	vor.u32 $0x1, v11;
	v4 =	vld.idx.msk [tilespmem:v28+s3+$0x0], $0xffff  }
0x1ff: {  	vm1 =	vmor vm1, vm7;
	vm7 =	veq.s32 v63, v31;
	vm0 =	vmor vm0, vm6;
	v8 =	vld.idx.msk [tilespmem:v29+s3+$0x0], $0xffff  }
0x200: {  	vm6 =	veq.s32 v53, v31;
	vm1 =	vmor vm1, vm7;
	v15 =	vor.u32 $0x2, v11;
	v2 =	vld.idx.msk [tilespmem:v37+s3+$0x0], $0xffff  }
0x201: {  	vm7 =	veq.s32 v61, v31;
	vm0 =	vmor vm0, vm6;
	v17 =	vor.u32 $0x3, v11;
	v38 =	vld.idx.msk [tilespmem:v14+s3+$0x0], $0xffff  }
0x202: {  	vm6 =	veq.s32 v10, v31;
	vm1 =	vmor vm1, vm7;
	vm7 =	veq.s32 v59, v31;
	v18 =	vld.idx.msk [tilespmem:v11+s3+$0x0], $0xffff  }
0x203: {  	vm3 =	veq.s32 v7, v31;
	v1 =	vor.u32 $0x7, v1;
	vm1 =	vmor vm1, vm7;
	v13 =	vld.idx.msk [tilespmem:v13+s3+$0x0], $0xffff  }
0x204: {  	v44 =	vor.u32 $0x4, v11;
	v53 =	vor.u32 $0x5, v11;
	v16 =	vld.idx.msk [tilespmem:v16+s3+$0x0], $0xffff;
	vm7 =	veq.s32 v5, v31  }
0x205: {  	v60 =	vor.u32 $0x6, v11;
	vm2 =	vmor vm6, vm7;
	vm6 =	veq.s32 v36, v31;
	v15 =	vld.idx.msk [tilespmem:v15+s3+$0x0], $0xffff  }
0x206: {  	v61 =	vor.u32 $0x7, v11;
	v62 =	vor.u32 $0x8, v11;
	v58 =	vld.idx.msk [tilespmem:v17+s3+$0x0], $0xffff;
	vm2 =	vmor vm2, vm6  }
0x207: {  	v59 =	vld.idx.msk [tilespmem:v19+s3+$0x0], $0xffff;
	vm4 =	veq.s32 v12, v31;
	vm5 =	veq.s32 v2, v31;
	vm2 =	vmor vm2, vm3  }
0x208: {  	v0 =	vld.idx.msk [tilespmem:v51+s3+$0x0], $0xffff;
	vm3 =	vmor vm4, vm5;
	vm4 =	veq.s32 v18, v31;
	vm5 =	veq.s32 v13, v31  }
0x209: {  	v11 =	vor.u32 $0x9, v11;
	v10 =	vld.idx.msk [tilespmem:v44+s3+$0x0], $0xffff;
	vm4 =	vmor vm4, vm5;
	vm5 =	veq.s32 v38, v31  }
0x20a: {  	v14 =	vld.idx.msk [tilespmem:v53+s3+$0x0], $0xffff;
	v17 =	vor.u32 $0x9, v49;
	vm3 =	vmor vm3, vm5;
	vm5 =	veq.s32 v15, v31  }
0x20b: {  	v63 =	vld.idx.msk [tilespmem:v60+s3+$0x0], $0xffff;
	vm6 =	veq.s32 v16, v31;
	vm7 =	veq.s32 v58, v31;
	vm4 =	vmor vm4, vm5  }
0x20c: {  	v2 =	vld.idx.msk [tilespmem:v55+s3+$0x0], $0xffff;
	vm5 =	veq.s32 v3, v31;
	vm3 =	vmor vm3, vm6;
	vm6 =	veq.s32 v59, v31  }
0x20d: {  	v1 =	vld.idx.msk [tilespmem:v1+s3+$0x0], $0xffff;
	vm2 =	vmor vm2, vm5;
	vm4 =	vmor vm4, vm7;
	vm5 =	veq.s32 v26, v31  }
0x20e: {  	v5 =	vld.idx.msk [tilespmem:v61+s3+$0x0], $0xffff;
	vm7 =	veq.s32 v10, v31;
	vm3 =	vmor vm3, vm6;
	vm6 =	veq.s32 v0, v31  }
0x20f: {  	v15 =	vld.idx.msk [tilespmem:v62+s3+$0x0], $0xffff;
	vm2 =	vmor vm2, vm5;
	vm4 =	vmor vm4, vm7;
	vm5 =	veq.s32 v9, v31  }
0x210: {  	v19 =	vld.idx.msk [tilespmem:v33+s4+$0x0], $0xffff;
	vm7 =	veq.s32 v14, v31;
	vm3 =	vmor vm3, vm6;
	vm6 =	veq.s32 v63, v31  }
0x211: {  	v16 =	vld.idx.msk [tilespmem:v11+s3+$0x0], $0xffff;
	vm2 =	vmor vm2, vm5;
	vm4 =	vmor vm4, vm7;
	vm5 =	veq.s32 v2, v31  }
0x212: {  	v28 =	vld.idx.msk [tilespmem:v46+s3+$0x0], $0xffff;
	vm3 =	vmor vm3, vm5;
	vm4 =	vmor vm4, vm6;
	vm5 =	veq.s32 v1, v31  }
0x213: {  	v29 =	vld.idx.msk [tilespmem:v30+s4+$0x0], $0xffff;
	vm6 =	veq.s32 v5, v31;
	vm3 =	vmor vm3, vm5;
	vm5 =	veq.s32 v8, v31  }
0x214: {  	v18 =	vld.idx.msk [tilespmem:v40+s4+$0x0], $0xffff;
	vm4 =	vmor vm4, vm6;
	vm3 =	vmor vm3, vm5;
	vm5 =	veq.s32 v15, v31  }
0x215: {  	v38 =	vld [tilespmem:$0x1FFA0];
	vm4 =	vmor vm4, vm5;
	vm5 =	veq.s32 v4, v31  }
0x216: {  	v30 =	vld.idx.msk [tilespmem:v45+s3+$0x0], $0xffff;
	vm7 =	veq.s32 v56, v31;
	vm6 =	veq.s32 v16, v31;
	vm3 =	vmor vm3, vm5  }
0x217: {  	v21 =	vld.idx.msk [tilespmem:v17+s3+$0x0], $0xffff;
	vm4 =	vmor vm4, vm6;
	vm5 =	veq.s32 v57, v31;
	vm6 =	veq.s32 v47, v31  }
0x218: {  	v33 =	vld [tilespmem:$0x1FFB0];
	vm2 =	vmor vm2, vm5;
	v22 =	vsel vm3, $0x0, v42;
	vm3 =	veq.s32 v52, v31  }
0x219: {  	v37 =	vld [tilespmem:$0x1FF90];
	vm5 =	veq.s32 v54, v31;
	v1 =	vsel vm4, $0x0, v18;
	vm0 =	vmor vm0, vm6  }
0x21a: {  	v44 =	vld [tilespmem:$0x1FF80];
	vm6 =	veq.s32 v24, v31;
	vm4 =	vnez.u8 v38;
	vm2 =	vmor vm2, vm7  }
0x21b: {  	v45 =	vld [tilespmem:$0x1FF60];
	vm1 =	vmor vm1, vm3;
	vm2 =	vmor vm2, vm5;
	vm5 =	veq.s32 v50, v31  }
0x21c: {  	v26 =	vld.idx.msk [tilespmem:v20+s4+$0x0], $0xffff;
	v1 =	vadd.f32 v1, v22;
	vm7 =	veq.s32 v21, v31;
	vm1 =	vmor vm1, vm5  }
0x21d: {  	v49 =	vld [tilespmem:$0x1FF50];
	v2 =	vsel vm2, $0x0, v19;
	vm5 =	vnez.u8 v33;
	vm1 =	vmor vm1, vm7  }
0x21e: {  	v53 =	vld [tilespmem:$0x1FF40];
	v1 =	vadd.f32 v2, v1;
	vm0 =	vmor vm0, vm5;
	vm7 =	vnez.u8 v37  }
0x21f: {  	v50 =	vld [tilespmem:$0x1FF70];
	vm5 =	vnez.u8 v44;
	v32 =	vsel vm1, $0x0, v23;
	vm0 =	vmor vm0, vm6  }
0x220: {  	v39 =	vld.idx.msk [tilespmem:v39+s3+$0x0], $0xffff;
	vm1 =	vmor vm7, vm4;
	vm6 =	veq.s32 v28, v31;
	vm7 =	vnez.u8 v45  }
0x221: {  	v36 =	vld.idx.msk [tilespmem:v35+s4+$0x0], $0xffff;
	v1 =	vadd.f32 v32, v1;
	v40 =	vsel vm0, $0x0, v26;
	vm0 =	vmor vm1, vm5  }
0x222: {  	v46 =	vld.idx.msk [tilespmem:v43+s3+$0x0], $0xffff;
	vm4 =	vnez.u8 v49;
	vm1 =	vmor vm8, vm7;
	vm0 =	vmor vm0, vm6  }
0x223: {  	v42 =	vld.idx.msk [tilespmem:v27+s4+$0x0], $0xffff;
	vm8 =	vmor vm1, vm10;
	vm10 =	veq.s32 v30, v31;
	v1 =	vadd.f32 v40, v1  }
0x224: {  	v48 =	vld.idx.msk [tilespmem:v25+s4+$0x0], $0xffff;
	vm5 =	vnez.u8 v50;
	vm6 =	vnez.u8 v53;
	v47 =	vsel vm0, $0x0, v29  }
0x225: {  	v51 =	vld.idx.msk [tilespmem:v41+s3+$0x0], $0xffff;
	vm0 =	vmor vm8, vm10;
	vm1 =	vmor vm5, vm4;
	v1 =	vadd.f32 v47, v1  }
0x226: {  	vm7 =	veq.s32 v39, v31;
	v52 =	vsel vm0, $0x0, v36;
	vm0 =	vmor vm1, vm6  }
0x227: {  	v54 =	vld.idx.msk [tilespmem:v34+s4+$0x0], $0xffff;
	vm8 =	vmor vm9, vm15;
	vm0 =	vmor vm0, vm7;
	v1 =	vadd.f32 v52, v1  }
0x228: {  	vm10 =	veq.s32 v46, v31;
	vm9 =	vmor vm8, vm14;
	v55 =	vsel vm0, $0x0, v42  }
0x229: {  	vm13 =	vmor vm11, vm13;
	vm0 =	vmor vm9, vm10;
	v1 =	vadd.f32 v55, v1  }
0x22a: {  	vm15 =	veq.s32 v51, v31;
	vm14 =	vmor vm13, vm12;
	v56 =	vsel vm0, $0x0, v48  }
0x22b: {  	vm0 =	vmor vm14, vm15;
	v57 =	vadd.f32 v56, v1  }
0x22c: {  	v58 =	vsel vm0, $0x0, v54  }
0x22d: {  	v0 =	vadd.f32 v58, v57  }
0x22e: {  	s28 =	sadd.s32 $0x10, s5  }
0x22f: {  	[tilespmem:s28+$0x0] =	vst v0  }
0x230: {  	s29 =	simm.s32 $0x13100;
	s30 =	simm.s32 $0x1;
	[bflag:$0x0] =	sbarrier.arrive $0xFFFF  }
0x231: {  	[tilespmem:s29], [sflag:$0x1] =	stream.linear.gather [spmem:s2], $0x100, $0x38;
	[tilespmem:$0x14300] =	vst v63  }
0x232: {  	_ =	swait.ge [sflag:s30], $0x100  }
0x233: {  	[sflag:s30] =	ssyncset.done $0x0  }
0x234: {  	[sflag:s30] =	ssyncadd.s32 $0xFFFFFF00  }
0x235: {  	v59 =	vld [tilespmem:$0x13100]  }
0x236: {  	v60 =	vld [tilespmem:$0x13000]  }
0x237: {  	v61 =	vld [tilespmem:$0x13110]  }
0x238: {  	v62 =	vld [tilespmem:$0x13010]  }
0x239: {  	v63 =	vld [tilespmem:$0x13120]  }
0x23a: {  	v24 =	vld [tilespmem:$0x13020]  }
0x23b: {  	v25 =	vld [tilespmem:$0x13130]  }
0x23c: {  	v26 =	vld [tilespmem:$0x13030]  }
0x23d: {  	v27 =	vld [tilespmem:$0x13140]  }
0x23e: {  	v28 =	vld [tilespmem:$0x13040]  }
0x23f: {  	v29 =	vld [tilespmem:$0x13150]  }
0x240: {  	v30 =	vld [tilespmem:$0x13050]  }
0x241: {  	v31 =	vld [tilespmem:$0x13160]  }
0x242: {  	v32 =	vld [tilespmem:$0x13060]  }
0x243: {  	v33 =	vld [tilespmem:$0x13170]  }
0x244: {  	v34 =	vld [tilespmem:$0x13070]  }
0x245: {  	v35 =	vld [tilespmem:$0x13180]  }
0x246: {  	v36 =	vld [tilespmem:$0x13080]  }
0x247: {  	v37 =	vld [tilespmem:$0x13190]  }
0x248: {  	v38 =	vld [tilespmem:$0x13090]  }
0x249: {  	v39 =	vld [tilespmem:$0x131A0]  }
0x24a: {  	v40 =	vld [tilespmem:$0x130A0];
	v0 =	vadd.f32 v60, v59  }
0x24b: {  	v41 =	vld [tilespmem:$0x131B0];
	v2 =	vadd.f32 v62, v61  }
0x24c: {  	v43 =	vld [tilespmem:$0x130B0];
	v42 =	vadd.f32 v24, v63;
	[tilespmem:$0x13100] =	vst v0  }
0x24d: {  	v45 =	vld [tilespmem:$0x131C0];
	v44 =	vadd.f32 v26, v25;
	[tilespmem:$0x13110] =	vst v2  }
0x24e: {  	v47 =	vld [tilespmem:$0x130C0];
	v46 =	vadd.f32 v28, v27;
	[tilespmem:$0x13120] =	vst v42  }
0x24f: {  	v49 =	vld [tilespmem:$0x131D0];
	v48 =	vadd.f32 v30, v29;
	[tilespmem:$0x13130] =	vst v44  }
0x250: {  	v51 =	vld [tilespmem:$0x130D0];
	v50 =	vadd.f32 v32, v31;
	[tilespmem:$0x13140] =	vst v46  }
0x251: {  	v53 =	vld [tilespmem:$0x131E0];
	v52 =	vadd.f32 v34, v33;
	[tilespmem:$0x13150] =	vst v48  }
0x252: {  	v55 =	vld [tilespmem:$0x130E0];
	v54 =	vadd.f32 v36, v35;
	[tilespmem:$0x13160] =	vst v50  }
0x253: {  	v57 =	vld [tilespmem:$0x131F0];
	v56 =	vadd.f32 v38, v37;
	[tilespmem:$0x13170] =	vst v52  }
0x254: {  	v58 =	vadd.f32 v40, v39;
	v59 =	vld [tilespmem:$0x130F0];
	[tilespmem:$0x13180] =	vst v54  }
0x255: {  	v60 =	vadd.f32 v43, v41;
	[tilespmem:$0x13190] =	vst v56  }
0x256: {  	v61 =	vadd.f32 v47, v45;
	[tilespmem:$0x131A0] =	vst v58  }
0x257: {  	v62 =	vadd.f32 v51, v49;
	[tilespmem:$0x131B0] =	vst v60  }
0x258: {  	v63 =	vadd.f32 v55, v53;
	[tilespmem:$0x131C0] =	vst v61  }
0x259: {  	[tilespmem:$0x131D0] =	vst v62;
	v1 =	vadd.f32 v59, v57  }
0x25a: {  	[tilespmem:$0x131E0] =	vst v63  }
0x25b: {  	s31 =	simm.s32 $0x0;
	[tilespmem:$0x131F0] =	vst v1  }
0x25c: {  	[hbm4b:s1+s31] =	stream.linear.scatter [tilespmem:s29], [sflag:$0x1], $0x100, $0x38;
	[tilespmem:$0x14300] =	vst v63  }
0x25d: {  	_ =	swait.ge [sflag:s30], $0x100  }
0x25e: {  	[sflag:s30] =	ssyncset.done $0x0  }
0x25f: {  	[sflag:s30] =	ssyncadd.s32 $0xFFFFFF00  }
0x260: {  	_ =	sfence.sel $0x180000  }
0x261: {  	[bflag:$0x0] =	sbarrier.arrive $0xFFFF  }
0x262: {  	_ =	strace $0x90000047  }
0x263: {  	s0 =	sadd.s32 @!p0 $0x100000, s0;
	[bflag:$0x2] =	sbarrier.arrive $0xFFFF  }
0x264: {  	[sflag:s0] =	ssyncadd.tile.s32 @!p0 $0x1;
	_ =	shalt  }
.Lfunc_end2:
_tile_overlayer_lowered:
.L_overlay_start_2:
0x265: {  	(tag) =	ssettag $0x2  }
0x266: {  	s0 =	rddreg [dreg:$0x0];
	s2 =	stileid.u32  }
0x267: {  	s1 =	rddreg [dreg:$0x1];
	p0 =	sne.s32 s2, $0x0  }
0x268: {  	s3 =	rddreg [dreg:$0x2];
	[bflag:$0x3] =	sbarrier.arrive $0xFFFF;
	s2 =	simm.s32 @!p0 $0x1C01  }
0x269: {  	[timem:s3], [sflag:s2] =	dma.local @!p0 [hbm:s0], s1  }
0x26a: {  	s0 =	simm.s32 @!p0 $0x1  }
0x26b: {  	_ =	swait.ge @!p0 [sflag:s0], s1  }
0x26c: {  	s1 =	ssub.s32 @!p0 $0x0, s1;
	[sflag:s0] =	ssyncset.done @!p0 $0x0  }
0x26d: {  	[sflag:s0] =	ssyncadd.s32 @!p0 s1  }
0x26e: {  	[bflag:$0x3] =	sbarrier.arrive $0xFFFF  }
0x26f: {  	_ =	shalt  }

</sc_bundles>
